<compile_context>
chip_gen: v7x
topology: tpu7x:2x2x1
jax: 0.10.2.dev20260603
libtpu: 0.0.44.dev20260713+nightly
codegen_flags: <defaults>
</compile_context>

<pallas_src>
import functools

import jax
import jax.numpy as jnp
from jax import lax
from jax.experimental import pallas as pl
from jax.experimental.pallas import tpu as pltpu
from jax.experimental.pallas import tpu_sc as plsc

N = 10000
E = 320000
ND = 128
ED = 16
GD = 128
HD = 128

NC = 2
NS = 16
NW = NC * NS
NHALF = 1
EH = E // NHALF
NCH = 125
SLAB = 624
TAIL = N - NS * SLAB

_EPS = 1e-5


def _ln(x, g, b):
    m = jnp.mean(x, axis=-1, keepdims=True)
    d = x - m
    v = jnp.mean(d * d, axis=-1, keepdims=True)
    return d * lax.rsqrt(v + _EPS) * g + b


def _node_pre_body(node_blk, gf, ln_nr_g, ln_nr_b, ln_nc_g, ln_nc_b,
                   ln_n_g, ln_n_b, ln_g_g, ln_g_b, nr_w, nr_b, nc_w,
                   nf_w, nf_b, gf_w, nrp_out, nc_out, nf_out):
    x = node_blk[...]
    g0 = jnp.dot(jnp.maximum(_ln(gf[...], ln_g_g[...], ln_g_b[...]), 0.0),
                 gf_w[...], preferred_element_type=jnp.float32)
    nr = jnp.maximum(_ln(x, ln_nr_g[...], ln_nr_b[...]), 0.0)
    nrp_out[...] = (jnp.dot(nr, nr_w[...], preferred_element_type=jnp.float32)
                    + nr_b[...] + g0)
    ncv = jnp.maximum(_ln(x, ln_nc_g[...], ln_nc_b[...]), 0.0)
    nc_out[...] = jnp.dot(ncv, nc_w[...], preferred_element_type=jnp.float32)
    nfv = jnp.maximum(_ln(x, ln_n_g[...], ln_n_b[...]), 0.0)
    nf_out[...] = (jnp.dot(nfv, nf_w[...], preferred_element_type=jnp.float32)
                   + nf_b[...])


def _node_pre(node_feats, graph_feats, p):
    BT = 1000
    grid = N // BT
    row_spec = pl.BlockSpec((BT, ND), lambda i: (i, 0))
    full = lambda a: pl.BlockSpec(a.shape, lambda i: tuple(0 for _ in a.shape))
    args = (graph_feats,
            p['e_ln_nr_g'].reshape(1, ND), p['e_ln_nr_b'].reshape(1, ND),
            p['e_ln_nc_g'].reshape(1, ND), p['e_ln_nc_b'].reshape(1, ND),
            p['n_ln_n_g'].reshape(1, ND), p['n_ln_n_b'].reshape(1, ND),
            p['e_ln_g_g'].reshape(1, GD), p['e_ln_g_b'].reshape(1, GD),
            p['e_nr_w'], p['e_nr_b'].reshape(1, HD), p['e_nc_w'],
            p['n_nf_w'], p['n_nf_b'].reshape(1, HD), p['e_gf_w'])
    return pl.pallas_call(
        _node_pre_body,
        grid=(grid,),
        in_specs=[row_spec] + [full(a) for a in args],
        out_specs=[row_spec, row_spec, row_spec],
        out_shape=[jax.ShapeDtypeStruct((N, HD), jnp.float32)] * 3,
    )(node_feats, *args)


def _make_sc_gather(ne):
    epw = ne // NW
    ch = epw // NCH

    def body(nrp_hbm, nc_hbm, rowi_hbm, coli_hbm, out_hbm,
             idxr, idxc, bufa0, bufb0, bufa1, bufb1,
             sga0, sgb0, sga1, sgb1, sout0, sout1):
        c = lax.axis_index("c")
        s = lax.axis_index("s")
        wid = s * NC + c
        pltpu.sync_copy(rowi_hbm.at[wid], idxr)
        pltpu.sync_copy(coli_hbm.at[wid], idxc)
        base = wid * epw

        bufa = (bufa0, bufa1)
        bufb = (bufb0, bufb1)
        sga = (sga0, sga1)
        sgb = (sgb0, sgb1)
        sout = (sout0, sout1)

        def gather_desc(j, sl):
            return (pltpu.make_async_copy(nrp_hbm.at[idxr.at[j]], bufa[sl],
                                          sga[sl]),
                    pltpu.make_async_copy(nc_hbm.at[idxc.at[j]], bufb[sl],
                                          sgb[sl]))

        def start_gather(j, sl):
            da, db = gather_desc(j, sl)
            da.start()
            db.start()

        def wait_gather(j, sl):
            da, db = gather_desc(j, sl)
            da.wait()
            db.wait()

        def add(sl):
            a, b = bufa[sl], bufb[sl]

            def add_row(r, carry2):
                for l in range(HD // 16):
                    slc = pl.ds(l * 16, 16)
                    a[r, slc] = a[r, slc] + b[r, slc]
                return carry2

            lax.fori_loop(0, ch, add_row, 0)

        def out_desc(j, sl):
            return pltpu.make_async_copy(
                bufa[sl], out_hbm.at[pl.ds(base + j * ch, ch)], sout[sl])

        start_gather(0, 0)
        start_gather(1, 1)
        wait_gather(0, 0)
        add(0)
        out_desc(0, 0).start()

        def outer(k, carry):
            for b in (0, 1):
                j = 1 + 2 * k + b
                sl = (1 + b) % 2
                nx = (sl + 1) % 2
                out_desc(j - 1, nx).wait()
                start_gather(j + 1, nx)
                wait_gather(j, sl)
                add(sl)
                out_desc(j, sl).start()
            return carry

        lax.fori_loop(0, (NCH - 3) // 2, outer, 0)

        out_desc(NCH - 3, 0).wait()
        start_gather(NCH - 1, 0)
        wait_gather(NCH - 2, 1)
        add(1)
        out_desc(NCH - 2, 1).start()
        wait_gather(NCH - 1, 0)
        add(0)
        out_desc(NCH - 2, 1).wait()
        out_desc(NCH - 1, 0).start()
        out_desc(NCH - 1, 0).wait()

    mesh = plsc.VectorSubcoreMesh(core_axis_name="c", subcore_axis_name="s")
    return functools.partial(
        pl.kernel,
        out_type=jax.ShapeDtypeStruct((ne, HD), jnp.float32),
        mesh=mesh,
        scratch_types=[
            pltpu.VMEM((NCH, ch), jnp.int32),
            pltpu.VMEM((NCH, ch), jnp.int32),
            pltpu.VMEM((ch, HD), jnp.float32),
            pltpu.VMEM((ch, HD), jnp.float32),
            pltpu.VMEM((ch, HD), jnp.float32),
            pltpu.VMEM((ch, HD), jnp.float32),
            pltpu.SemaphoreType.DMA,
            pltpu.SemaphoreType.DMA,
            pltpu.SemaphoreType.DMA,
            pltpu.SemaphoreType.DMA,
            pltpu.SemaphoreType.DMA,
            pltpu.SemaphoreType.DMA,
        ],
    )(body)


def _edge_mlp_body(gath_blk, ef_blk, ln_e_g, ln_e_b, ef_w, ln_h_g, ln_h_b,
                   fc1_w, fc1_b, out_blk):
    e = ef_blk[...]
    h = jnp.maximum(_ln(e, ln_e_g[...], ln_e_b[...]), 0.0)
    h = jnp.dot(h, ef_w[...], preferred_element_type=jnp.float32)
    carry = gath_blk[...] + h
    carry = jnp.maximum(_ln(carry, ln_h_g[...], ln_h_b[...]), 0.0)
    carry = jnp.dot(carry, fc1_w[...], preferred_element_type=jnp.float32)
    out_blk[...] = e + carry + fc1_b[...]


def _edge_mlp(gathered, edge_feats, p):
    ne = gathered.shape[0]
    TE = 2000 if ne % 2560 else 2560
    grid = ne // TE
    full = lambda a: pl.BlockSpec(a.shape, lambda i: tuple(0 for _ in a.shape))
    args = (p['e_ln_e_g'].reshape(1, ED), p['e_ln_e_b'].reshape(1, ED),
            p['e_ef_w'], p['e_ln_h_g'].reshape(1, HD),
            p['e_ln_h_b'].reshape(1, HD), p['e_fc1_w'],
            p['e_fc1_b'].reshape(1, ED))
    return pl.pallas_call(
        _edge_mlp_body,
        grid=(grid,),
        in_specs=[pl.BlockSpec((TE, HD), lambda i: (i, 0)),
                  pl.BlockSpec((TE, ED), lambda i: (i, 0))]
                 + [full(a) for a in args],
        out_specs=pl.BlockSpec((TE, ED), lambda i: (i, 0)),
        out_shape=jax.ShapeDtypeStruct((ne, ED), jnp.float32),
    )(gathered, edge_feats, *args)


def _make_sc_scatter(ne):
    epw = ne // NW
    ch = epw // NCH

    def body(eo_hbm, rowi_hbm, zeros_hbm, out_hbm,
             i0, i1, i2, i3, v16_0, v16_1, v128_0, v128_1, acc,
             sv0, sv1, ss0, ss1):
        c = lax.axis_index("c")
        s = lax.axis_index("s")
        wid = s * NC + c
        pltpu.sync_copy(zeros_hbm.at[pl.ds(s * SLAB, SLAB)],
                        acc.at[pl.ds(s * SLAB, SLAB)])

        @pl.when(s == NS - 1)
        def _():
            pltpu.sync_copy(zeros_hbm.at[pl.ds(NS * SLAB, TAIL)],
                            acc.at[pl.ds(NS * SLAB, TAIL)])

        pltpu.sync_copy(zeros_hbm.at[pl.ds(0, ch)], v128_0)
        pltpu.sync_copy(zeros_hbm.at[pl.ds(0, ch)], v128_1)
        plsc.subcore_barrier()
        base = wid * epw

        idx = (i0, i1, i2, i3)
        v16 = (v16_0, v16_1)
        v128 = (v128_0, v128_1)
        sv = (sv0, sv1)
        ss = (ss0, ss1)

        def load_descs(j, jm4):
            sl = jm4 % 2
            return (pltpu.make_async_copy(
                        eo_hbm.at[pl.ds(base + j * ch, ch)], v16[sl], sv[sl]),
                    pltpu.make_async_copy(
                        rowi_hbm.at[pl.ds(base + j * ch, ch)], idx[jm4],
                        sv[sl]))

        def load_start(j, jm4):
            de, di = load_descs(j, jm4)
            de.start()
            di.start()

        def load_wait(j, jm4):
            de, di = load_descs(j, jm4)
            de.wait()
            di.wait()

        def scat_desc(j, jm4):
            return pltpu.make_async_copy(v128[jm4 % 2], acc.at[idx[jm4]],
                                         ss[jm4 % 2])

        def expand(sl):
            a, b = v16[sl], v128[sl]

            def expand_row(e, carry2):
                b[e, pl.ds(0, ED)] = a[e, :]
                return carry2

            lax.fori_loop(0, ch, expand_row, 0)

        load_start(0, 0)
        load_start(1, 1)
        load_wait(0, 0)
        expand(0)
        scat_desc(0, 0).start(add=True)
        load_start(2, 2)
        load_wait(1, 1)
        expand(1)
        scat_desc(1, 1).start(add=True)

        def outer(k, carry):
            for b in (0, 1, 2, 3):
                j = 2 + 4 * k + b
                jm4 = (2 + b) % 4
                sl = jm4 % 2
                load_start(j + 1, (jm4 + 1) % 4)
                load_wait(j, jm4)
                scat_desc(j - 2, (jm4 + 2) % 4).wait()
                expand(sl)
                scat_desc(j, jm4).start(add=True)
            return carry

        lax.fori_loop(0, (NCH - 5) // 4, outer, 0)

        load_start(NCH - 2, 3)
        load_wait(NCH - 3, 2)
        scat_desc(NCH - 5, 0).wait()
        expand(0)
        scat_desc(NCH - 3, 2).start(add=True)

        load_start(NCH - 1, 0)
        load_wait(NCH - 2, 3)
        scat_desc(NCH - 4, 1).wait()
        expand(1)
        scat_desc(NCH - 2, 3).start(add=True)

        load_wait(NCH - 1, 0)
        scat_desc(NCH - 3, 2).wait()
        expand(0)
        scat_desc(NCH - 1, 0).start(add=True)
        scat_desc(NCH - 2, 3).wait()
        scat_desc(NCH - 1, 0).wait()

        plsc.subcore_barrier()
        pltpu.sync_copy(acc.at[pl.ds(s * SLAB, SLAB)],
                        out_hbm.at[pl.ds(c * N + s * SLAB, SLAB)])

        @pl.when(s == NS - 1)
        def _():
            pltpu.sync_copy(acc.at[pl.ds(NS * SLAB, TAIL)],
                            out_hbm.at[pl.ds(c * N + NS * SLAB, TAIL)])

    mesh = plsc.VectorSubcoreMesh(core_axis_name="c", subcore_axis_name="s")
    return functools.partial(
        pl.kernel,
        out_type=jax.ShapeDtypeStruct((NC * N, HD), jnp.float32),
        mesh=mesh,
        scratch_types=[
            pltpu.VMEM((ch,), jnp.int32),
            pltpu.VMEM((ch,), jnp.int32),
            pltpu.VMEM((ch,), jnp.int32),
            pltpu.VMEM((ch,), jnp.int32),
            pltpu.VMEM((ch, ED), jnp.float32),
            pltpu.VMEM((ch, ED), jnp.float32),
            pltpu.VMEM((ch, HD), jnp.float32),
            pltpu.VMEM((ch, HD), jnp.float32),
            pltpu.VMEM_SHARED((N, HD), jnp.float32),
            pltpu.SemaphoreType.DMA,
            pltpu.SemaphoreType.DMA,
            pltpu.SemaphoreType.DMA,
            pltpu.SemaphoreType.DMA,
        ],
    )(body)


def _node_upd_body(*refs):
    nparts = 2 * NHALF
    parts = refs[:nparts]
    (node_blk, nf_blk, gfeats, ln_e_g, ln_e_b, ef_w, ln_h_g, ln_h_b,
     fc1_w, fc1_b, node_out, graph_out) = refs[nparts:]
    i = pl.program_id(0)
    msgs = parts[0][...]
    for pr in parts[1:]:
        msgs = msgs + pr[...]
    m = jnp.maximum(_ln(msgs, ln_e_g[...], ln_e_b[...]), 0.0)
    m = jnp.dot(m, ef_w[...], preferred_element_type=jnp.float32)
    h = jnp.maximum(_ln(nf_blk[...] + m, ln_h_g[...], ln_h_b[...]), 0.0)
    out = jnp.dot(h, fc1_w[...], preferred_element_type=jnp.float32) + fc1_b[...]
    node_out[...] = node_blk[...] + out[:, :ND]
    gp = jnp.sum(out[:, ND:], axis=0, keepdims=True)

    @pl.when(i == 0)
    def _():
        graph_out[...] = gfeats[...] + gp

    @pl.when(i > 0)
    def _():
        graph_out[...] = graph_out[...] + gp


def _node_upd(parts, node_feats, nf, graph_feats, p):
    BT = 1000
    grid = N // BT
    full = lambda a: pl.BlockSpec(a.shape, lambda i: tuple(0 for _ in a.shape))
    row16 = pl.BlockSpec((BT, ED), lambda i: (i, 0))
    row128 = pl.BlockSpec((BT, ND), lambda i: (i, 0))
    args = (graph_feats,
            p['n_ln_e_g'].reshape(1, ED), p['n_ln_e_b'].reshape(1, ED),
            p['n_ef_w'], p['n_ln_h_g'].reshape(1, HD),
            p['n_ln_h_b'].reshape(1, HD), p['n_fc1_w'],
            p['n_fc1_b'].reshape(1, ND + GD))
    return pl.pallas_call(
        _node_upd_body,
        grid=(grid,),
        in_specs=[row16] * len(parts) + [row128, row128]
                 + [full(a) for a in args],
        out_specs=[row128, pl.BlockSpec((1, GD), lambda i: (0, 0))],
        out_shape=[jax.ShapeDtypeStruct((N, ND), jnp.float32),
                   jax.ShapeDtypeStruct((1, GD), jnp.float32)],
    )(*parts, node_feats, nf, *args)


def kernel(node_feats, edge_feats, edge_index, graph_feats, graph_index, params):
    del graph_index
    row = edge_index[0]
    col = edge_index[1]

    nrp, nc, nf = _node_pre(node_feats, graph_feats, params)
    zeros = jnp.zeros((N, HD), jnp.float32)

    epw = EH // NW
    ch = epw // NCH
    gatherer = _make_sc_gather(EH)
    scatterer = _make_sc_scatter(EH)

    eo_halves = []
    parts = []
    for h in range(NHALF):
        rh = lax.slice_in_dim(row, h * EH, (h + 1) * EH)
        colh = lax.slice_in_dim(col, h * EH, (h + 1) * EH)
        efh = lax.slice_in_dim(edge_feats, h * EH, (h + 1) * EH)
        row_r = rh.reshape(NW, NCH, ch)
        col_r = colh.reshape(NW, NCH, ch)
        gath = gatherer(nrp, nc, row_r, col_r)
        eo = _edge_mlp(gath, efh, params)
        msgs_p = scatterer(eo, rh, zeros)
        eo_halves.append(eo)
        parts.append(msgs_p[:N, :ED])
        parts.append(msgs_p[N:, :ED])

    edge_out = jnp.concatenate(eo_halves, axis=0)
    node_out, graph_out = _node_upd(parts, node_feats, nf, graph_feats, params)
    return (node_out, edge_out, graph_out)

# --- scband reference (transcript-rebuilt; emitter-appended) ---
"""Pipeline reference for scband-edge-message-passing-layer-79242146611248 (READ-ONLY COPY).

The authoritative reference and input builder live on the scoring server;
editing this copy changes nothing except your own understanding.
"""

import jax, jax.numpy as jnp
import numpy as np

N = 10000; E = 320000; ND = 128; ED = 16; GD = 128; HD = 128; NG = 1

def _ln(x, g, b, eps=1e-5):
    m = jnp.mean(x, axis=-1, keepdims=True)
    v = jnp.var(x, axis=-1, keepdims=True)
    return (x - m) / jnp.sqrt(v + eps) * g + b

def setup_inputs(seed: int = 0):
    key = jax.random.key(seed)
    ks = jax.random.split(key, 16)
    def lin(k, fi, fo):
        return (jax.random.uniform(k, (fi, fo), minval=-1.0, maxval=1.0) / np.sqrt(fi)).astype(jnp.float32)
    params = {
        'e_nr_w': lin(ks[4], ND, HD), 'e_nr_b': jnp.zeros((HD,), jnp.float32),
        'e_nc_w': lin(ks[5], ND, HD),
        'e_ef_w': lin(ks[6], ED, HD),
        'e_gf_w': lin(ks[7], GD, HD),
        'e_fc1_w': lin(ks[8], HD, ED), 'e_fc1_b': jnp.zeros((ED,), jnp.float32),
        'e_ln_nr_g': jnp.ones((ND,), jnp.float32), 'e_ln_nr_b': jnp.zeros((ND,), jnp.float32),
        'e_ln_nc_g': jnp.ones((ND,), jnp.float32), 'e_ln_nc_b': jnp.zeros((ND,), jnp.float32),
        'e_ln_e_g': jnp.ones((ED,), jnp.float32), 'e_ln_e_b': jnp.zeros((ED,), jnp.float32),
        'e_ln_g_g': jnp.ones((GD,), jnp.float32), 'e_ln_g_b': jnp.zeros((GD,), jnp.float32),
        'e_ln_h_g': jnp.ones((HD,), jnp.float32), 'e_ln_h_b': jnp.zeros((HD,), jnp.float32),
        'n_nf_w': lin(ks[9], ND, HD), 'n_nf_b': jnp.zeros((HD,), jnp.float32),
        'n_ef_w': lin(ks[10], ED, HD),
        'n_fc1_w': lin(ks[11], HD, ND + GD), 'n_fc1_b': jnp.zeros((ND + GD,), jnp.float32),
        'n_ln_n_g': jnp.ones((ND,), jnp.float32), 'n_ln_n_b': jnp.zeros((ND,), jnp.float32),
        'n_ln_e_g': jnp.ones((ED,), jnp.float32), 'n_ln_e_b': jnp.zeros((ED,), jnp.float32),
        'n_ln_h_g': jnp.ones((HD,), jnp.float32), 'n_ln_h_b': jnp.zeros((HD,), jnp.float32),
    }
    return {
        'node_feats': jax.random.normal(ks[0], (N, ND), dtype=jnp.float32),
        'edge_feats': jax.random.normal(ks[1], (E, ED), dtype=jnp.float32),
        'edge_index': jax.random.randint(ks[2], (2, E), 0, N, dtype=jnp.int32),
        'graph_feats': jax.random.normal(ks[3], (NG, GD), dtype=jnp.float32),
        'graph_index': jnp.zeros((N,), dtype=jnp.int32),
        'params': params,
    }

def _forward(node_feats, edge_feats, graph_feats, edge_index, graph_index, p):
    row = edge_index[0]; col = edge_index[1]
    nr = _ln(node_feats, p['e_ln_nr_g'], p['e_ln_nr_b'])
    nc = _ln(node_feats, p['e_ln_nc_g'], p['e_ln_nc_b'])
    ef = _ln(edge_feats, p['e_ln_e_g'], p['e_ln_e_b'])
    gf = _ln(graph_feats, p['e_ln_g_g'], p['e_ln_g_b'])
    nr = jax.nn.relu(nr) @ p['e_nr_w'] + p['e_nr_b']
    nc = jax.nn.relu(nc) @ p['e_nc_w']
    ef = jax.nn.relu(ef) @ p['e_ef_w']
    gf = jax.nn.relu(gf) @ p['e_gf_w']
    carry = nr[row] + nc[col] + ef + gf[graph_index[row]]
    carry = _ln(carry, p['e_ln_h_g'], p['e_ln_h_b'])
    carry = jax.nn.relu(carry) @ p['e_fc1_w'] + p['e_fc1_b']
    edge_out = edge_feats + carry
    msgs = jax.ops.segment_sum(edge_out, row, num_segments=N)
    nf = _ln(node_feats, p['n_ln_n_g'], p['n_ln_n_b'])
    msgs = _ln(msgs, p['n_ln_e_g'], p['n_ln_e_b'])
    nf = jax.nn.relu(nf) @ p['n_nf_w'] + p['n_nf_b']
    msgs = jax.nn.relu(msgs) @ p['n_ef_w']
    carry2 = _ln(nf + msgs, p['n_ln_h_g'], p['n_ln_h_b'])
    carry2 = jax.nn.relu(carry2) @ p['n_fc1_w'] + p['n_fc1_b']
    node_part = carry2[:, :ND]
    graph_part = carry2[:, ND:]
    graph_agg = jax.ops.segment_sum(graph_part, graph_index, num_segments=NG)
    node_out = node_feats + node_part
    graph_out = graph_feats + graph_agg
    return (node_out, edge_out, graph_out)

def reference(node_feats, edge_feats, edge_index, graph_feats, graph_index, params):
    return _forward(node_feats, edge_feats, graph_feats, edge_index, graph_index, params)

if __name__ == "__main__":
    import jax
    _d = setup_inputs()
    print(jax.jit(kernel)(*tuple(_d.values())))

</pallas_src>

<mosaic_0001>
#map = affine_map<(d0, d1) -> (0, 0)>
#map1 = affine_map<(d0, d1) -> (0)>
module attributes {stable_mosaic.version = 14 : i64} {
  func.func @body(%arg0: i32, %arg1: i32, %arg2: memref<320000x16xf32, #tpu.memory_space<hbm>>, %arg3: memref<320000xi32, #tpu.memory_space<hbm>>, %arg4: memref<10000x128xf32, #tpu.memory_space<hbm>>, %arg5: memref<20000x128xf32, #tpu.memory_space<hbm>>, %arg6: memref<80xi32, #tpu.memory_space<vmem>>, %arg7: memref<80xi32, #tpu.memory_space<vmem>>, %arg8: memref<80xi32, #tpu.memory_space<vmem>>, %arg9: memref<80xi32, #tpu.memory_space<vmem>>, %arg10: memref<80x16xf32, #tpu.memory_space<vmem>>, %arg11: memref<80x16xf32, #tpu.memory_space<vmem>>, %arg12: memref<80x128xf32, #tpu.memory_space<vmem>>, %arg13: memref<80x128xf32, #tpu.memory_space<vmem>>, %arg14: memref<10000x128xf32, #tpu.memory_space<vmem_shared>>, %arg15: memref<!tpu.dma_semaphore, #tpu.memory_space<semaphore_mem>>, %arg16: memref<!tpu.dma_semaphore, #tpu.memory_space<semaphore_mem>>, %arg17: memref<!tpu.dma_semaphore, #tpu.memory_space<semaphore_mem>>, %arg18: memref<!tpu.dma_semaphore, #tpu.memory_space<semaphore_mem>>) attributes {dimension_semantics = [#tpu.dimension_semantics<core_parallel>, #tpu.dimension_semantics<subcore_parallel>], iteration_bounds = array<i64: 2, 16>, scalar_prefetch = 0 : i64, scratch_operands = 13 : i64, tpu.core_type = #tpu.core_type<sc_vector_subcore>, window_params = [{transform_indices = #map}, {transform_indices = #map1}, {transform_indices = #map}, {transform_indices = #map}]} {
    %mul3A = arith.constant 2 : i32
    %mul3A_0 = arith.muli %arg1, %mul3A : i32
    %add3A = arith.addi %mul3A_0, %arg0 : i32
    %mul3A_1 = arith.constant 624 : i32
    %mul3A_2 = arith.muli %arg1, %mul3A_1 : i32
    %mul3A_3 = arith.constant 624 : i32
    %mul3A_4 = arith.muli %arg1, %mul3A_3 : i32
    "tpu.region"() ({
      %run_scoped3A = tpu.sem_alloc : memref<!tpu.dma_semaphore, #tpu.memory_space<semaphore_mem>>
      %dma_start3A_185 = arith.constant 0 : i32
      %dma_start3A_186 = tpu.memref_slice %arg14[%mul3A_4, %dma_start3A_185] : memref<10000x128xf32, #tpu.memory_space<vmem_shared>> -> memref<624x128xf32, #tpu.memory_space<vmem_shared>>
      %dma_start3A_187 = arith.constant 0 : i32
      %dma_start3A_188 = tpu.memref_slice %arg4[%mul3A_2, %dma_start3A_187] : memref<10000x128xf32, #tpu.memory_space<hbm>> -> memref<624x128xf32, #tpu.memory_space<hbm>>
      tpu.enqueue_dma source(%dma_start3A_188 : memref<624x128xf32, #tpu.memory_space<hbm>>) target(%dma_start3A_186 : memref<624x128xf32, #tpu.memory_space<vmem_shared>>) target_semaphore(%run_scoped3A : memref<!tpu.dma_semaphore, #tpu.memory_space<semaphore_mem>>)
      %dma_wait3A_189 = arith.constant 0 : i32
      %dma_wait3A_190 = tpu.memref_slice %arg14[%mul3A_4, %dma_wait3A_189] : memref<10000x128xf32, #tpu.memory_space<vmem_shared>> -> memref<624x128xf32, #tpu.memory_space<vmem_shared>>
      %dma_wait3A_191 = arith.constant 0 : i32
      %dma_wait3A_192 = tpu.memref_slice %arg4[%mul3A_2, %dma_wait3A_191] : memref<10000x128xf32, #tpu.memory_space<hbm>> -> memref<624x128xf32, #tpu.memory_space<hbm>>
      tpu.wait_dma2 semaphore(%run_scoped3A : memref<!tpu.dma_semaphore, #tpu.memory_space<semaphore_mem>>) src(%dma_wait3A_192 : memref<624x128xf32, #tpu.memory_space<hbm>>) dst(%dma_wait3A_190 : memref<624x128xf32, #tpu.memory_space<vmem_shared>>)
      tpu.yield
    }) : () -> ()
    %eq3A = arith.constant 15 : i32
    %eq3A_5 = arith.cmpi eq, %arg1, %eq3A : i32
    %convert_element_type3A = arith.extui %eq3A_5 : i1 to i32
    %cond3A = arith.constant 0 : i32
    %cond3A_6 = arith.cmpi ne, %convert_element_type3A, %cond3A : i32
    scf.if %cond3A_6 {
      "tpu.region"() ({
        %run_scoped3A = tpu.sem_alloc : memref<!tpu.dma_semaphore, #tpu.memory_space<semaphore_mem>>
        %dma_start3A_185 = arith.constant 9984 : i32
        %dma_start3A_186 = arith.constant 0 : i32
        %dma_start3A_187 = tpu.memref_slice %arg14[%dma_start3A_185, %dma_start3A_186] : memref<10000x128xf32, #tpu.memory_space<vmem_shared>> -> memref<16x128xf32, #tpu.memory_space<vmem_shared>>
        %dma_start3A_188 = arith.constant 9984 : i32
        %dma_start3A_189 = arith.constant 0 : i32
        %dma_start3A_190 = tpu.memref_slice %arg4[%dma_start3A_188, %dma_start3A_189] : memref<10000x128xf32, #tpu.memory_space<hbm>> -> memref<16x128xf32, #tpu.memory_space<hbm>>
        tpu.enqueue_dma source(%dma_start3A_190 : memref<16x128xf32, #tpu.memory_space<hbm>>) target(%dma_start3A_187 : memref<16x128xf32, #tpu.memory_space<vmem_shared>>) target_semaphore(%run_scoped3A : memref<!tpu.dma_semaphore, #tpu.memory_space<semaphore_mem>>)
        %dma_wait3A_191 = arith.constant 9984 : i32
        %dma_wait3A_192 = arith.constant 0 : i32
        %dma_wait3A_193 = tpu.memref_slice %arg14[%dma_wait3A_191, %dma_wait3A_192] : memref<10000x128xf32, #tpu.memory_space<vmem_shared>> -> memref<16x128xf32, #tpu.memory_space<vmem_shared>>
        %dma_wait3A_194 = arith.constant 9984 : i32
        %dma_wait3A_195 = arith.constant 0 : i32
        %dma_wait3A_196 = tpu.memref_slice %arg4[%dma_wait3A_194, %dma_wait3A_195] : memref<10000x128xf32, #tpu.memory_space<hbm>> -> memref<16x128xf32, #tpu.memory_space<hbm>>
        tpu.wait_dma2 semaphore(%run_scoped3A : memref<!tpu.dma_semaphore, #tpu.memory_space<semaphore_mem>>) src(%dma_wait3A_196 : memref<16x128xf32, #tpu.memory_space<hbm>>) dst(%dma_wait3A_193 : memref<16x128xf32, #tpu.memory_space<vmem_shared>>)
        tpu.yield
      }) : () -> ()
    } else {
    }
    "tpu.region"() ({
      %run_scoped3A = tpu.sem_alloc : memref<!tpu.dma_semaphore, #tpu.memory_space<semaphore_mem>>
      %dma_start3A_185 = arith.constant 0 : i32
      %dma_start3A_186 = arith.constant 0 : i32
      %dma_start3A_187 = tpu.memref_slice %arg4[%dma_start3A_185, %dma_start3A_186] : memref<10000x128xf32, #tpu.memory_space<hbm>> -> memref<80x128xf32, #tpu.memory_space<hbm>>
      %dma_start3A_188 = arith.constant 0 : i32
      %dma_start3A_189 = arith.constant 0 : i32
      %dma_start3A_190 = tpu.memref_slice %arg4[%dma_start3A_188, %dma_start3A_189] : memref<10000x128xf32, #tpu.memory_space<hbm>> -> memref<80x128xf32, #tpu.memory_space<hbm>>
      tpu.enqueue_dma source(%dma_start3A_190 : memref<80x128xf32, #tpu.memory_space<hbm>>) target(%arg12 : memref<80x128xf32, #tpu.memory_space<vmem>>) target_semaphore(%run_scoped3A : memref<!tpu.dma_semaphore, #tpu.memory_space<semaphore_mem>>)
      %dma_wait3A_191 = arith.constant 0 : i32
      %dma_wait3A_192 = arith.constant 0 : i32
      %dma_wait3A_193 = tpu.memref_slice %arg4[%dma_wait3A_191, %dma_wait3A_192] : memref<10000x128xf32, #tpu.memory_space<hbm>> -> memref<80x128xf32, #tpu.memory_space<hbm>>
      %dma_wait3A_194 = arith.constant 0 : i32
      %dma_wait3A_195 = arith.constant 0 : i32
      %dma_wait3A_196 = tpu.memref_slice %arg4[%dma_wait3A_194, %dma_wait3A_195] : memref<10000x128xf32, #tpu.memory_space<hbm>> -> memref<80x128xf32, #tpu.memory_space<hbm>>
      tpu.wait_dma2 semaphore(%run_scoped3A : memref<!tpu.dma_semaphore, #tpu.memory_space<semaphore_mem>>) src(%dma_wait3A_196 : memref<80x128xf32, #tpu.memory_space<hbm>>) dst(%arg12 : memref<80x128xf32, #tpu.memory_space<vmem>>)
      tpu.yield
    }) : () -> ()
    "tpu.region"() ({
      %run_scoped3A = tpu.sem_alloc : memref<!tpu.dma_semaphore, #tpu.memory_space<semaphore_mem>>
      %dma_start3A_185 = arith.constant 0 : i32
      %dma_start3A_186 = arith.constant 0 : i32
      %dma_start3A_187 = tpu.memref_slice %arg4[%dma_start3A_185, %dma_start3A_186] : memref<10000x128xf32, #tpu.memory_space<hbm>> -> memref<80x128xf32, #tpu.memory_space<hbm>>
      %dma_start3A_188 = arith.constant 0 : i32
      %dma_start3A_189 = arith.constant 0 : i32
      %dma_start3A_190 = tpu.memref_slice %arg4[%dma_start3A_188, %dma_start3A_189] : memref<10000x128xf32, #tpu.memory_space<hbm>> -> memref<80x128xf32, #tpu.memory_space<hbm>>
      tpu.enqueue_dma source(%dma_start3A_190 : memref<80x128xf32, #tpu.memory_space<hbm>>) target(%arg13 : memref<80x128xf32, #tpu.memory_space<vmem>>) target_semaphore(%run_scoped3A : memref<!tpu.dma_semaphore, #tpu.memory_space<semaphore_mem>>)
      %dma_wait3A_191 = arith.constant 0 : i32
      %dma_wait3A_192 = arith.constant 0 : i32
      %dma_wait3A_193 = tpu.memref_slice %arg4[%dma_wait3A_191, %dma_wait3A_192] : memref<10000x128xf32, #tpu.memory_space<hbm>> -> memref<80x128xf32, #tpu.memory_space<hbm>>
      %dma_wait3A_194 = arith.constant 0 : i32
      %dma_wait3A_195 = arith.constant 0 : i32
      %dma_wait3A_196 = tpu.memref_slice %arg4[%dma_wait3A_194, %dma_wait3A_195] : memref<10000x128xf32, #tpu.memory_space<hbm>> -> memref<80x128xf32, #tpu.memory_space<hbm>>
      tpu.wait_dma2 semaphore(%run_scoped3A : memref<!tpu.dma_semaphore, #tpu.memory_space<semaphore_mem>>) src(%dma_wait3A_196 : memref<80x128xf32, #tpu.memory_space<hbm>>) dst(%arg13 : memref<80x128xf32, #tpu.memory_space<vmem>>)
      tpu.yield
    }) : () -> ()
    %barrier3A = arith.constant 0 : index
    tpu.barrier barrier_id(%barrier3A)
    %mul3A_7 = arith.constant 10000 : i32
    %mul3A_8 = arith.muli %add3A, %mul3A_7 : i32
    %add3A_9 = arith.constant 0 : i32
    %add3A_10 = arith.addi %mul3A_8, %add3A_9 : i32
    %add3A_11 = arith.constant 0 : i32
    %add3A_12 = arith.addi %mul3A_8, %add3A_11 : i32
    %dma_start3A = arith.constant 0 : i32
    %dma_start3A_13 = tpu.memref_slice %arg2[%add3A_10, %dma_start3A] : memref<320000x16xf32, #tpu.memory_space<hbm>> -> memref<80x16xf32, #tpu.memory_space<hbm>>
    %dma_start3A_14 = arith.constant 0 : i32
    %dma_start3A_15 = tpu.memref_slice %arg2[%add3A_10, %dma_start3A_14] : memref<320000x16xf32, #tpu.memory_space<hbm>> -> memref<80x16xf32, #tpu.memory_space<hbm>>
    tpu.enqueue_dma source(%dma_start3A_15 : memref<80x16xf32, #tpu.memory_space<hbm>>) target(%arg10 : memref<80x16xf32, #tpu.memory_space<vmem>>) target_semaphore(%arg15 : memref<!tpu.dma_semaphore, #tpu.memory_space<semaphore_mem>>)
    %dma_start3A_16 = tpu.memref_slice %arg3[%add3A_12] : memref<320000xi32, #tpu.memory_space<hbm>> -> memref<80xi32, #tpu.memory_space<hbm>>
    %dma_start3A_17 = tpu.memref_slice %arg3[%add3A_12] : memref<320000xi32, #tpu.memory_space<hbm>> -> memref<80xi32, #tpu.memory_space<hbm>>
    tpu.enqueue_dma source(%dma_start3A_17 : memref<80xi32, #tpu.memory_space<hbm>>) target(%arg6 : memref<80xi32, #tpu.memory_space<vmem>>) target_semaphore(%arg15 : memref<!tpu.dma_semaphore, #tpu.memory_space<semaphore_mem>>)
    %add3A_18 = arith.constant 80 : i32
    %add3A_19 = arith.addi %mul3A_8, %add3A_18 : i32
    %add3A_20 = arith.constant 80 : i32
    %add3A_21 = arith.addi %mul3A_8, %add3A_20 : i32
    %dma_start3A_22 = arith.constant 0 : i32
    %dma_start3A_23 = tpu.memref_slice %arg2[%add3A_19, %dma_start3A_22] : memref<320000x16xf32, #tpu.memory_space<hbm>> -> memref<80x16xf32, #tpu.memory_space<hbm>>
    %dma_start3A_24 = arith.constant 0 : i32
    %dma_start3A_25 = tpu.memref_slice %arg2[%add3A_19, %dma_start3A_24] : memref<320000x16xf32, #tpu.memory_space<hbm>> -> memref<80x16xf32, #tpu.memory_space<hbm>>
    tpu.enqueue_dma source(%dma_start3A_25 : memref<80x16xf32, #tpu.memory_space<hbm>>) target(%arg11 : memref<80x16xf32, #tpu.memory_space<vmem>>) target_semaphore(%arg16 : memref<!tpu.dma_semaphore, #tpu.memory_space<semaphore_mem>>)
    %dma_start3A_26 = tpu.memref_slice %arg3[%add3A_21] : memref<320000xi32, #tpu.memory_space<hbm>> -> memref<80xi32, #tpu.memory_space<hbm>>
    %dma_start3A_27 = tpu.memref_slice %arg3[%add3A_21] : memref<320000xi32, #tpu.memory_space<hbm>> -> memref<80xi32, #tpu.memory_space<hbm>>
    tpu.enqueue_dma source(%dma_start3A_27 : memref<80xi32, #tpu.memory_space<hbm>>) target(%arg7 : memref<80xi32, #tpu.memory_space<vmem>>) target_semaphore(%arg16 : memref<!tpu.dma_semaphore, #tpu.memory_space<semaphore_mem>>)
    %add3A_28 = arith.constant 0 : i32
    %add3A_29 = arith.addi %mul3A_8, %add3A_28 : i32
    %add3A_30 = arith.constant 0 : i32
    %add3A_31 = arith.addi %mul3A_8, %add3A_30 : i32
    %dma_wait3A = arith.constant 0 : i32
    %dma_wait3A_32 = tpu.memref_slice %arg2[%add3A_29, %dma_wait3A] : memref<320000x16xf32, #tpu.memory_space<hbm>> -> memref<80x16xf32, #tpu.memory_space<hbm>>
    %dma_wait3A_33 = arith.constant 0 : i32
    %dma_wait3A_34 = tpu.memref_slice %arg2[%add3A_29, %dma_wait3A_33] : memref<320000x16xf32, #tpu.memory_space<hbm>> -> memref<80x16xf32, #tpu.memory_space<hbm>>
    tpu.wait_dma2 semaphore(%arg15 : memref<!tpu.dma_semaphore, #tpu.memory_space<semaphore_mem>>) src(%dma_wait3A_34 : memref<80x16xf32, #tpu.memory_space<hbm>>) dst(%arg10 : memref<80x16xf32, #tpu.memory_space<vmem>>)
    %dma_wait3A_35 = tpu.memref_slice %arg3[%add3A_31] : memref<320000xi32, #tpu.memory_space<hbm>> -> memref<80xi32, #tpu.memory_space<hbm>>
    %dma_wait3A_36 = tpu.memref_slice %arg3[%add3A_31] : memref<320000xi32, #tpu.memory_space<hbm>> -> memref<80xi32, #tpu.memory_space<hbm>>
    tpu.wait_dma2 semaphore(%arg15 : memref<!tpu.dma_semaphore, #tpu.memory_space<semaphore_mem>>) src(%dma_wait3A_36 : memref<80xi32, #tpu.memory_space<hbm>>) dst(%arg6 : memref<80xi32, #tpu.memory_space<vmem>>)
    %scan3A = arith.constant 0 : i32
    %scan3A_37 = arith.constant 0 : i32
    %scan3A_38 = arith.constant 80 : i32
    %scan3A_39 = arith.addi %scan3A_37, %scan3A_38 : i32
    %scan3A_40 = arith.constant 1 : i32
    scf.for %scan3A_185 = %scan3A_37 to %scan3A_39 step %scan3A_40  : i32 {
      %get3A = arith.index_cast %scan3A_185 : i32 to index
      %get3A_186 = arith.constant 0 : index
      %get3A_187 = tpu.vector_load %arg10[%get3A, %get3A_186] {strides = array<i32>} : memref<80x16xf32, #tpu.memory_space<vmem>>, vector<1x16xf32>,
      %get3A_188 = vector.shape_cast %get3A_187 : vector<1x16xf32> to vector<16xf32>
      %swap3A = arith.index_cast %scan3A_185 : i32 to index
      %swap3A_189 = arith.constant 0 : index
      %swap3A_190 = tpu.vector_load %arg12[%swap3A, %swap3A_189] {strides = array<i32>} : memref<80x128xf32, #tpu.memory_space<vmem>>, vector<1x16xf32>,
      %swap3A_191 = vector.shape_cast %swap3A_190 : vector<1x16xf32> to vector<16xf32>
      %swap3A_192 = vector.shape_cast %get3A_188 : vector<16xf32> to vector<1x16xf32>
      tpu.vector_store %arg12[%swap3A, %swap3A_189], %swap3A_192 {strides = array<i32>} : memref<80x128xf32, #tpu.memory_space<vmem>>, vector<1x16xf32>,
    }
    %scan3A_41 = arith.constant 80 : i32
    %dma_start3A_42 = arith.constant 0 : i32
    %dma_start3A_43 = arith.constant 0 : i32
    %dma_start3A_44 = tpu.memref_slice %arg14[%dma_start3A_42, %dma_start3A_43] : memref<10000x128xf32, #tpu.memory_space<vmem_shared>> -> memref<10000x128xf32, #tpu.memory_space<vmem_shared>>
    tpu.enqueue_indirect_dma source(%arg12 : memref<80x128xf32, #tpu.memory_space<vmem>>) target(%dma_start3A_44 : memref<10000x128xf32, #tpu.memory_space<vmem_shared>>) offsets(%arg6 : memref<80xi32, #tpu.memory_space<vmem>>) semaphore(%arg17 : memref<!tpu.dma_semaphore, #tpu.memory_space<semaphore_mem>>) {add = true}
    %add3A_45 = arith.constant 160 : i32
    %add3A_46 = arith.addi %mul3A_8, %add3A_45 : i32
    %add3A_47 = arith.constant 160 : i32
    %add3A_48 = arith.addi %mul3A_8, %add3A_47 : i32
    %dma_start3A_49 = arith.constant 0 : i32
    %dma_start3A_50 = tpu.memref_slice %arg2[%add3A_46, %dma_start3A_49] : memref<320000x16xf32, #tpu.memory_space<hbm>> -> memref<80x16xf32, #tpu.memory_space<hbm>>
    %dma_start3A_51 = arith.constant 0 : i32
    %dma_start3A_52 = tpu.memref_slice %arg2[%add3A_46, %dma_start3A_51] : memref<320000x16xf32, #tpu.memory_space<hbm>> -> memref<80x16xf32, #tpu.memory_space<hbm>>
    tpu.enqueue_dma source(%dma_start3A_52 : memref<80x16xf32, #tpu.memory_space<hbm>>) target(%arg10 : memref<80x16xf32, #tpu.memory_space<vmem>>) target_semaphore(%arg15 : memref<!tpu.dma_semaphore, #tpu.memory_space<semaphore_mem>>)
    %dma_start3A_53 = tpu.memref_slice %arg3[%add3A_48] : memref<320000xi32, #tpu.memory_space<hbm>> -> memref<80xi32, #tpu.memory_space<hbm>>
    %dma_start3A_54 = tpu.memref_slice %arg3[%add3A_48] : memref<320000xi32, #tpu.memory_space<hbm>> -> memref<80xi32, #tpu.memory_space<hbm>>
    tpu.enqueue_dma source(%dma_start3A_54 : memref<80xi32, #tpu.memory_space<hbm>>) target(%arg8 : memref<80xi32, #tpu.memory_space<vmem>>) target_semaphore(%arg15 : memref<!tpu.dma_semaphore, #tpu.memory_space<semaphore_mem>>)
    %add3A_55 = arith.constant 80 : i32
    %add3A_56 = arith.addi %mul3A_8, %add3A_55 : i32
    %add3A_57 = arith.constant 80 : i32
    %add3A_58 = arith.addi %mul3A_8, %add3A_57 : i32
    %dma_wait3A_59 = arith.constant 0 : i32
    %dma_wait3A_60 = tpu.memref_slice %arg2[%add3A_56, %dma_wait3A_59] : memref<320000x16xf32, #tpu.memory_space<hbm>> -> memref<80x16xf32, #tpu.memory_space<hbm>>
    %dma_wait3A_61 = arith.constant 0 : i32
    %dma_wait3A_62 = tpu.memref_slice %arg2[%add3A_56, %dma_wait3A_61] : memref<320000x16xf32, #tpu.memory_space<hbm>> -> memref<80x16xf32, #tpu.memory_space<hbm>>
    tpu.wait_dma2 semaphore(%arg16 : memref<!tpu.dma_semaphore, #tpu.memory_space<semaphore_mem>>) src(%dma_wait3A_62 : memref<80x16xf32, #tpu.memory_space<hbm>>) dst(%arg11 : memref<80x16xf32, #tpu.memory_space<vmem>>)
    %dma_wait3A_63 = tpu.memref_slice %arg3[%add3A_58] : memref<320000xi32, #tpu.memory_space<hbm>> -> memref<80xi32, #tpu.memory_space<hbm>>
    %dma_wait3A_64 = tpu.memref_slice %arg3[%add3A_58] : memref<320000xi32, #tpu.memory_space<hbm>> -> memref<80xi32, #tpu.memory_space<hbm>>
    tpu.wait_dma2 semaphore(%arg16 : memref<!tpu.dma_semaphore, #tpu.memory_space<semaphore_mem>>) src(%dma_wait3A_64 : memref<80xi32, #tpu.memory_space<hbm>>) dst(%arg7 : memref<80xi32, #tpu.memory_space<vmem>>)
    %scan3A_65 = arith.constant 0 : i32
    %scan3A_66 = arith.constant 0 : i32
    %scan3A_67 = arith.constant 80 : i32
    %scan3A_68 = arith.addi %scan3A_66, %scan3A_67 : i32
    %scan3A_69 = arith.constant 1 : i32
    scf.for %scan3A_185 = %scan3A_66 to %scan3A_68 step %scan3A_69  : i32 {
      %get3A = arith.index_cast %scan3A_185 : i32 to index
      %get3A_186 = arith.constant 0 : index
      %get3A_187 = tpu.vector_load %arg11[%get3A, %get3A_186] {strides = array<i32>} : memref<80x16xf32, #tpu.memory_space<vmem>>, vector<1x16xf32>,
      %get3A_188 = vector.shape_cast %get3A_187 : vector<1x16xf32> to vector<16xf32>
      %swap3A = arith.index_cast %scan3A_185 : i32 to index
      %swap3A_189 = arith.constant 0 : index
      %swap3A_190 = tpu.vector_load %arg13[%swap3A, %swap3A_189] {strides = array<i32>} : memref<80x128xf32, #tpu.memory_space<vmem>>, vector<1x16xf32>,
      %swap3A_191 = vector.shape_cast %swap3A_190 : vector<1x16xf32> to vector<16xf32>
      %swap3A_192 = vector.shape_cast %get3A_188 : vector<16xf32> to vector<1x16xf32>
      tpu.vector_store %arg13[%swap3A, %swap3A_189], %swap3A_192 {strides = array<i32>} : memref<80x128xf32, #tpu.memory_space<vmem>>, vector<1x16xf32>,
    }
    %scan3A_70 = arith.constant 80 : i32
    %dma_start3A_71 = arith.constant 0 : i32
    %dma_start3A_72 = arith.constant 0 : i32
    %dma_start3A_73 = tpu.memref_slice %arg14[%dma_start3A_71, %dma_start3A_72] : memref<10000x128xf32, #tpu.memory_space<vmem_shared>> -> memref<10000x128xf32, #tpu.memory_space<vmem_shared>>
    tpu.enqueue_indirect_dma source(%arg13 : memref<80x128xf32, #tpu.memory_space<vmem>>) target(%dma_start3A_73 : memref<10000x128xf32, #tpu.memory_space<vmem_shared>>) offsets(%arg7 : memref<80xi32, #tpu.memory_space<vmem>>) semaphore(%arg18 : memref<!tpu.dma_semaphore, #tpu.memory_space<semaphore_mem>>) {add = true}
    %scan3A_74 = arith.constant 0 : i32
    %scan3A_75 = arith.constant 0 : i32
    %scan3A_76 = arith.constant 30 : i32
    %scan3A_77 = arith.addi %scan3A_75, %scan3A_76 : i32
    %scan3A_78 = arith.constant 1 : i32
    scf.for %scan3A_185 = %scan3A_75 to %scan3A_77 step %scan3A_78  : i32 {
      %mul3A_186 = arith.constant 4 : i32
      %mul3A_187 = arith.muli %mul3A_186, %scan3A_185 : i32
      %add3A_188 = arith.constant 2 : i32
      %add3A_189 = arith.addi %add3A_188, %mul3A_187 : i32
      %add3A_190 = arith.constant 0 : i32
      %add3A_191 = arith.addi %add3A_189, %add3A_190 : i32
      %add3A_192 = arith.constant 1 : i32
      %add3A_193 = arith.addi %add3A_191, %add3A_192 : i32
      %mul3A_194 = arith.constant 80 : i32
      %mul3A_195 = arith.muli %add3A_193, %mul3A_194 : i32
      %add3A_196 = arith.addi %mul3A_8, %mul3A_195 : i32
      %mul3A_197 = arith.constant 80 : i32
      %mul3A_198 = arith.muli %add3A_193, %mul3A_197 : i32
      %add3A_199 = arith.addi %mul3A_8, %mul3A_198 : i32
      %dma_start3A_200 = arith.constant 0 : i32
      %dma_start3A_201 = tpu.memref_slice %arg2[%add3A_196, %dma_start3A_200] : memref<320000x16xf32, #tpu.memory_space<hbm>> -> memref<80x16xf32, #tpu.memory_space<hbm>>
      %dma_start3A_202 = arith.constant 0 : i32
      %dma_start3A_203 = tpu.memref_slice %arg2[%add3A_196, %dma_start3A_202] : memref<320000x16xf32, #tpu.memory_space<hbm>> -> memref<80x16xf32, #tpu.memory_space<hbm>>
      tpu.enqueue_dma source(%dma_start3A_203 : memref<80x16xf32, #tpu.memory_space<hbm>>) target(%arg11 : memref<80x16xf32, #tpu.memory_space<vmem>>) target_semaphore(%arg16 : memref<!tpu.dma_semaphore, #tpu.memory_space<semaphore_mem>>)
      %dma_start3A_204 = tpu.memref_slice %arg3[%add3A_199] : memref<320000xi32, #tpu.memory_space<hbm>> -> memref<80xi32, #tpu.memory_space<hbm>>
      %dma_start3A_205 = tpu.memref_slice %arg3[%add3A_199] : memref<320000xi32, #tpu.memory_space<hbm>> -> memref<80xi32, #tpu.memory_space<hbm>>
      tpu.enqueue_dma source(%dma_start3A_205 : memref<80xi32, #tpu.memory_space<hbm>>) target(%arg9 : memref<80xi32, #tpu.memory_space<vmem>>) target_semaphore(%arg16 : memref<!tpu.dma_semaphore, #tpu.memory_space<semaphore_mem>>)
      %mul3A_206 = arith.constant 80 : i32
      %mul3A_207 = arith.muli %add3A_191, %mul3A_206 : i32
      %add3A_208 = arith.addi %mul3A_8, %mul3A_207 : i32
      %mul3A_209 = arith.constant 80 : i32
      %mul3A_210 = arith.muli %add3A_191, %mul3A_209 : i32
      %add3A_211 = arith.addi %mul3A_8, %mul3A_210 : i32
      %dma_wait3A_212 = arith.constant 0 : i32
      %dma_wait3A_213 = tpu.memref_slice %arg2[%add3A_208, %dma_wait3A_212] : memref<320000x16xf32, #tpu.memory_space<hbm>> -> memref<80x16xf32, #tpu.memory_space<hbm>>
      %dma_wait3A_214 = arith.constant 0 : i32
      %dma_wait3A_215 = tpu.memref_slice %arg2[%add3A_208, %dma_wait3A_214] : memref<320000x16xf32, #tpu.memory_space<hbm>> -> memref<80x16xf32, #tpu.memory_space<hbm>>
      tpu.wait_dma2 semaphore(%arg15 : memref<!tpu.dma_semaphore, #tpu.memory_space<semaphore_mem>>) src(%dma_wait3A_215 : memref<80x16xf32, #tpu.memory_space<hbm>>) dst(%arg10 : memref<80x16xf32, #tpu.memory_space<vmem>>)
      %dma_wait3A_216 = tpu.memref_slice %arg3[%add3A_211] : memref<320000xi32, #tpu.memory_space<hbm>> -> memref<80xi32, #tpu.memory_space<hbm>>
      %dma_wait3A_217 = tpu.memref_slice %arg3[%add3A_211] : memref<320000xi32, #tpu.memory_space<hbm>> -> memref<80xi32, #tpu.memory_space<hbm>>
      tpu.wait_dma2 semaphore(%arg15 : memref<!tpu.dma_semaphore, #tpu.memory_space<semaphore_mem>>) src(%dma_wait3A_217 : memref<80xi32, #tpu.memory_space<hbm>>) dst(%arg8 : memref<80xi32, #tpu.memory_space<vmem>>)
      %sub3A = arith.constant 2 : i32
      %sub3A_218 = arith.subi %add3A_191, %sub3A : i32
      %dma_wait3A_219 = arith.constant 0 : i32
      %dma_wait3A_220 = arith.constant 0 : i32
      %dma_wait3A_221 = tpu.memref_slice %arg14[%dma_wait3A_219, %dma_wait3A_220] : memref<10000x128xf32, #tpu.memory_space<vmem_shared>> -> memref<10000x128xf32, #tpu.memory_space<vmem_shared>>
      tpu.wait_indirect_dma semaphore(%arg17 : memref<!tpu.dma_semaphore, #tpu.memory_space<semaphore_mem>>) src(%arg12 : memref<80x128xf32, #tpu.memory_space<vmem>>) dst(%dma_wait3A_221 : memref<10000x128xf32, #tpu.memory_space<vmem_shared>>)
      %scan3A_222 = arith.constant 0 : i32
      %scan3A_223 = arith.constant 0 : i32
      %scan3A_224 = arith.constant 80 : i32
      %scan3A_225 = arith.addi %scan3A_223, %scan3A_224 : i32
      %scan3A_226 = arith.constant 1 : i32
      scf.for %scan3A_369 = %scan3A_223 to %scan3A_225 step %scan3A_226  : i32 {
        %get3A = arith.index_cast %scan3A_369 : i32 to index
        %get3A_370 = arith.constant 0 : index
        %get3A_371 = tpu.vector_load %arg10[%get3A, %get3A_370] {strides = array<i32>} : memref<80x16xf32, #tpu.memory_space<vmem>>, vector<1x16xf32>,
        %get3A_372 = vector.shape_cast %get3A_371 : vector<1x16xf32> to vector<16xf32>
        %swap3A = arith.index_cast %scan3A_369 : i32 to index
        %swap3A_373 = arith.constant 0 : index
        %swap3A_374 = tpu.vector_load %arg12[%swap3A, %swap3A_373] {strides = array<i32>} : memref<80x128xf32, #tpu.memory_space<vmem>>, vector<1x16xf32>,
        %swap3A_375 = vector.shape_cast %swap3A_374 : vector<1x16xf32> to vector<16xf32>
        %swap3A_376 = vector.shape_cast %get3A_372 : vector<16xf32> to vector<1x16xf32>
        tpu.vector_store %arg12[%swap3A, %swap3A_373], %swap3A_376 {strides = array<i32>} : memref<80x128xf32, #tpu.memory_space<vmem>>, vector<1x16xf32>,
      }
      %scan3A_227 = arith.constant 80 : i32
      %dma_start3A_228 = arith.constant 0 : i32
      %dma_start3A_229 = arith.constant 0 : i32
      %dma_start3A_230 = tpu.memref_slice %arg14[%dma_start3A_228, %dma_start3A_229] : memref<10000x128xf32, #tpu.memory_space<vmem_shared>> -> memref<10000x128xf32, #tpu.memory_space<vmem_shared>>
      tpu.enqueue_indirect_dma source(%arg12 : memref<80x128xf32, #tpu.memory_space<vmem>>) target(%dma_start3A_230 : memref<10000x128xf32, #tpu.memory_space<vmem_shared>>) offsets(%arg8 : memref<80xi32, #tpu.memory_space<vmem>>) semaphore(%arg17 : memref<!tpu.dma_semaphore, #tpu.memory_space<semaphore_mem>>) {add = true}
      %mul3A_231 = arith.constant 4 : i32
      %mul3A_232 = arith.muli %mul3A_231, %scan3A_185 : i32
      %add3A_233 = arith.constant 2 : i32
      %add3A_234 = arith.addi %add3A_233, %mul3A_232 : i32
      %add3A_235 = arith.constant 1 : i32
      %add3A_236 = arith.addi %add3A_234, %add3A_235 : i32
      %add3A_237 = arith.constant 1 : i32
      %add3A_238 = arith.addi %add3A_236, %add3A_237 : i32
      %mul3A_239 = arith.constant 80 : i32
      %mul3A_240 = arith.muli %add3A_238, %mul3A_239 : i32
      %add3A_241 = arith.addi %mul3A_8, %mul3A_240 : i32
      %mul3A_242 = arith.constant 80 : i32
      %mul3A_243 = arith.muli %add3A_238, %mul3A_242 : i32
      %add3A_244 = arith.addi %mul3A_8, %mul3A_243 : i32
      %dma_start3A_245 = arith.constant 0 : i32
      %dma_start3A_246 = tpu.memref_slice %arg2[%add3A_241, %dma_start3A_245] : memref<320000x16xf32, #tpu.memory_space<hbm>> -> memref<80x16xf32, #tpu.memory_space<hbm>>
      %dma_start3A_247 = arith.constant 0 : i32
      %dma_start3A_248 = tpu.memref_slice %arg2[%add3A_241, %dma_start3A_247] : memref<320000x16xf32, #tpu.memory_space<hbm>> -> memref<80x16xf32, #tpu.memory_space<hbm>>
      tpu.enqueue_dma source(%dma_start3A_248 : memref<80x16xf32, #tpu.memory_space<hbm>>) target(%arg10 : memref<80x16xf32, #tpu.memory_space<vmem>>) target_semaphore(%arg15 : memref<!tpu.dma_semaphore, #tpu.memory_space<semaphore_mem>>)
      %dma_start3A_249 = tpu.memref_slice %arg3[%add3A_244] : memref<320000xi32, #tpu.memory_space<hbm>> -> memref<80xi32, #tpu.memory_space<hbm>>
      %dma_start3A_250 = tpu.memref_slice %arg3[%add3A_244] : memref<320000xi32, #tpu.memory_space<hbm>> -> memref<80xi32, #tpu.memory_space<hbm>>
      tpu.enqueue_dma source(%dma_start3A_250 : memref<80xi32, #tpu.memory_space<hbm>>) target(%arg6 : memref<80xi32, #tpu.memory_space<vmem>>) target_semaphore(%arg15 : memref<!tpu.dma_semaphore, #tpu.memory_space<semaphore_mem>>)
      %mul3A_251 = arith.constant 80 : i32
      %mul3A_252 = arith.muli %add3A_236, %mul3A_251 : i32
      %add3A_253 = arith.addi %mul3A_8, %mul3A_252 : i32
      %mul3A_254 = arith.constant 80 : i32
      %mul3A_255 = arith.muli %add3A_236, %mul3A_254 : i32
      %add3A_256 = arith.addi %mul3A_8, %mul3A_255 : i32
      %dma_wait3A_257 = arith.constant 0 : i32
      %dma_wait3A_258 = tpu.memref_slice %arg2[%add3A_253, %dma_wait3A_257] : memref<320000x16xf32, #tpu.memory_space<hbm>> -> memref<80x16xf32, #tpu.memory_space<hbm>>
      %dma_wait3A_259 = arith.constant 0 : i32
      %dma_wait3A_260 = tpu.memref_slice %arg2[%add3A_253, %dma_wait3A_259] : memref<320000x16xf32, #tpu.memory_space<hbm>> -> memref<80x16xf32, #tpu.memory_space<hbm>>
      tpu.wait_dma2 semaphore(%arg16 : memref<!tpu.dma_semaphore, #tpu.memory_space<semaphore_mem>>) src(%dma_wait3A_260 : memref<80x16xf32, #tpu.memory_space<hbm>>) dst(%arg11 : memref<80x16xf32, #tpu.memory_space<vmem>>)
      %dma_wait3A_261 = tpu.memref_slice %arg3[%add3A_256] : memref<320000xi32, #tpu.memory_space<hbm>> -> memref<80xi32, #tpu.memory_space<hbm>>
      %dma_wait3A_262 = tpu.memref_slice %arg3[%add3A_256] : memref<320000xi32, #tpu.memory_space<hbm>> -> memref<80xi32, #tpu.memory_space<hbm>>
      tpu.wait_dma2 semaphore(%arg16 : memref<!tpu.dma_semaphore, #tpu.memory_space<semaphore_mem>>) src(%dma_wait3A_262 : memref<80xi32, #tpu.memory_space<hbm>>) dst(%arg9 : memref<80xi32, #tpu.memory_space<vmem>>)
      %sub3A_263 = arith.constant 2 : i32
      %sub3A_264 = arith.subi %add3A_236, %sub3A_263 : i32
      %dma_wait3A_265 = arith.constant 0 : i32
      %dma_wait3A_266 = arith.constant 0 : i32
      %dma_wait3A_267 = tpu.memref_slice %arg14[%dma_wait3A_265, %dma_wait3A_266] : memref<10000x128xf32, #tpu.memory_space<vmem_shared>> -> memref<10000x128xf32, #tpu.memory_space<vmem_shared>>
      tpu.wait_indirect_dma semaphore(%arg18 : memref<!tpu.dma_semaphore, #tpu.memory_space<semaphore_mem>>) src(%arg13 : memref<80x128xf32, #tpu.memory_space<vmem>>) dst(%dma_wait3A_267 : memref<10000x128xf32, #tpu.memory_space<vmem_shared>>)
      %scan3A_268 = arith.constant 0 : i32
      %scan3A_269 = arith.constant 0 : i32
      %scan3A_270 = arith.constant 80 : i32
      %scan3A_271 = arith.addi %scan3A_269, %scan3A_270 : i32
      %scan3A_272 = arith.constant 1 : i32
      scf.for %scan3A_369 = %scan3A_269 to %scan3A_271 step %scan3A_272  : i32 {
        %get3A = arith.index_cast %scan3A_369 : i32 to index
        %get3A_370 = arith.constant 0 : index
        %get3A_371 = tpu.vector_load %arg11[%get3A, %get3A_370] {strides = array<i32>} : memref<80x16xf32, #tpu.memory_space<vmem>>, vector<1x16xf32>,
        %get3A_372 = vector.shape_cast %get3A_371 : vector<1x16xf32> to vector<16xf32>
        %swap3A = arith.index_cast %scan3A_369 : i32 to index
        %swap3A_373 = arith.constant 0 : index
        %swap3A_374 = tpu.vector_load %arg13[%swap3A, %swap3A_373] {strides = array<i32>} : memref<80x128xf32, #tpu.memory_space<vmem>>, vector<1x16xf32>,
        %swap3A_375 = vector.shape_cast %swap3A_374 : vector<1x16xf32> to vector<16xf32>
        %swap3A_376 = vector.shape_cast %get3A_372 : vector<16xf32> to vector<1x16xf32>
        tpu.vector_store %arg13[%swap3A, %swap3A_373], %swap3A_376 {strides = array<i32>} : memref<80x128xf32, #tpu.memory_space<vmem>>, vector<1x16xf32>,
      }
      %scan3A_273 = arith.constant 80 : i32
      %dma_start3A_274 = arith.constant 0 : i32
      %dma_start3A_275 = arith.constant 0 : i32
      %dma_start3A_276 = tpu.memref_slice %arg14[%dma_start3A_274, %dma_start3A_275] : memref<10000x128xf32, #tpu.memory_space<vmem_shared>> -> memref<10000x128xf32, #tpu.memory_space<vmem_shared>>
      tpu.enqueue_indirect_dma source(%arg13 : memref<80x128xf32, #tpu.memory_space<vmem>>) target(%dma_start3A_276 : memref<10000x128xf32, #tpu.memory_space<vmem_shared>>) offsets(%arg9 : memref<80xi32, #tpu.memory_space<vmem>>) semaphore(%arg18 : memref<!tpu.dma_semaphore, #tpu.memory_space<semaphore_mem>>) {add = true}
      %mul3A_277 = arith.constant 4 : i32
      %mul3A_278 = arith.muli %mul3A_277, %scan3A_185 : i32
      %add3A_279 = arith.constant 2 : i32
      %add3A_280 = arith.addi %add3A_279, %mul3A_278 : i32
      %add3A_281 = arith.constant 2 : i32
      %add3A_282 = arith.addi %add3A_280, %add3A_281 : i32
      %add3A_283 = arith.constant 1 : i32
      %add3A_284 = arith.addi %add3A_282, %add3A_283 : i32
      %mul3A_285 = arith.constant 80 : i32
      %mul3A_286 = arith.muli %add3A_284, %mul3A_285 : i32
      %add3A_287 = arith.addi %mul3A_8, %mul3A_286 : i32
      %mul3A_288 = arith.constant 80 : i32
      %mul3A_289 = arith.muli %add3A_284, %mul3A_288 : i32
      %add3A_290 = arith.addi %mul3A_8, %mul3A_289 : i32
      %dma_start3A_291 = arith.constant 0 : i32
      %dma_start3A_292 = tpu.memref_slice %arg2[%add3A_287, %dma_start3A_291] : memref<320000x16xf32, #tpu.memory_space<hbm>> -> memref<80x16xf32, #tpu.memory_space<hbm>>
      %dma_start3A_293 = arith.constant 0 : i32
      %dma_start3A_294 = tpu.memref_slice %arg2[%add3A_287, %dma_start3A_293] : memref<320000x16xf32, #tpu.memory_space<hbm>> -> memref<80x16xf32, #tpu.memory_space<hbm>>
      tpu.enqueue_dma source(%dma_start3A_294 : memref<80x16xf32, #tpu.memory_space<hbm>>) target(%arg11 : memref<80x16xf32, #tpu.memory_space<vmem>>) target_semaphore(%arg16 : memref<!tpu.dma_semaphore, #tpu.memory_space<semaphore_mem>>)
      %dma_start3A_295 = tpu.memref_slice %arg3[%add3A_290] : memref<320000xi32, #tpu.memory_space<hbm>> -> memref<80xi32, #tpu.memory_space<hbm>>
      %dma_start3A_296 = tpu.memref_slice %arg3[%add3A_290] : memref<320000xi32, #tpu.memory_space<hbm>> -> memref<80xi32, #tpu.memory_space<hbm>>
      tpu.enqueue_dma source(%dma_start3A_296 : memref<80xi32, #tpu.memory_space<hbm>>) target(%arg7 : memref<80xi32, #tpu.memory_space<vmem>>) target_semaphore(%arg16 : memref<!tpu.dma_semaphore, #tpu.memory_space<semaphore_mem>>)
      %mul3A_297 = arith.constant 80 : i32
      %mul3A_298 = arith.muli %add3A_282, %mul3A_297 : i32
      %add3A_299 = arith.addi %mul3A_8, %mul3A_298 : i32
      %mul3A_300 = arith.constant 80 : i32
      %mul3A_301 = arith.muli %add3A_282, %mul3A_300 : i32
      %add3A_302 = arith.addi %mul3A_8, %mul3A_301 : i32
      %dma_wait3A_303 = arith.constant 0 : i32
      %dma_wait3A_304 = tpu.memref_slice %arg2[%add3A_299, %dma_wait3A_303] : memref<320000x16xf32, #tpu.memory_space<hbm>> -> memref<80x16xf32, #tpu.memory_space<hbm>>
      %dma_wait3A_305 = arith.constant 0 : i32
      %dma_wait3A_306 = tpu.memref_slice %arg2[%add3A_299, %dma_wait3A_305] : memref<320000x16xf32, #tpu.memory_space<hbm>> -> memref<80x16xf32, #tpu.memory_space<hbm>>
      tpu.wait_dma2 semaphore(%arg15 : memref<!tpu.dma_semaphore, #tpu.memory_space<semaphore_mem>>) src(%dma_wait3A_306 : memref<80x16xf32, #tpu.memory_space<hbm>>) dst(%arg10 : memref<80x16xf32, #tpu.memory_space<vmem>>)
      %dma_wait3A_307 = tpu.memref_slice %arg3[%add3A_302] : memref<320000xi32, #tpu.memory_space<hbm>> -> memref<80xi32, #tpu.memory_space<hbm>>
      %dma_wait3A_308 = tpu.memref_slice %arg3[%add3A_302] : memref<320000xi32, #tpu.memory_space<hbm>> -> memref<80xi32, #tpu.memory_space<hbm>>
      tpu.wait_dma2 semaphore(%arg15 : memref<!tpu.dma_semaphore, #tpu.memory_space<semaphore_mem>>) src(%dma_wait3A_308 : memref<80xi32, #tpu.memory_space<hbm>>) dst(%arg6 : memref<80xi32, #tpu.memory_space<vmem>>)
      %sub3A_309 = arith.constant 2 : i32
      %sub3A_310 = arith.subi %add3A_282, %sub3A_309 : i32
      %dma_wait3A_311 = arith.constant 0 : i32
      %dma_wait3A_312 = arith.constant 0 : i32
      %dma_wait3A_313 = tpu.memref_slice %arg14[%dma_wait3A_311, %dma_wait3A_312] : memref<10000x128xf32, #tpu.memory_space<vmem_shared>> -> memref<10000x128xf32, #tpu.memory_space<vmem_shared>>
      tpu.wait_indirect_dma semaphore(%arg17 : memref<!tpu.dma_semaphore, #tpu.memory_space<semaphore_mem>>) src(%arg12 : memref<80x128xf32, #tpu.memory_space<vmem>>) dst(%dma_wait3A_313 : memref<10000x128xf32, #tpu.memory_space<vmem_shared>>)
      %scan3A_314 = arith.constant 0 : i32
      %scan3A_315 = arith.constant 0 : i32
      %scan3A_316 = arith.constant 80 : i32
      %scan3A_317 = arith.addi %scan3A_315, %scan3A_316 : i32
      %scan3A_318 = arith.constant 1 : i32
      scf.for %scan3A_369 = %scan3A_315 to %scan3A_317 step %scan3A_318  : i32 {
        %get3A = arith.index_cast %scan3A_369 : i32 to index
        %get3A_370 = arith.constant 0 : index
        %get3A_371 = tpu.vector_load %arg10[%get3A, %get3A_370] {strides = array<i32>} : memref<80x16xf32, #tpu.memory_space<vmem>>, vector<1x16xf32>,
        %get3A_372 = vector.shape_cast %get3A_371 : vector<1x16xf32> to vector<16xf32>
        %swap3A = arith.index_cast %scan3A_369 : i32 to index
        %swap3A_373 = arith.constant 0 : index
        %swap3A_374 = tpu.vector_load %arg12[%swap3A, %swap3A_373] {strides = array<i32>} : memref<80x128xf32, #tpu.memory_space<vmem>>, vector<1x16xf32>,
        %swap3A_375 = vector.shape_cast %swap3A_374 : vector<1x16xf32> to vector<16xf32>
        %swap3A_376 = vector.shape_cast %get3A_372 : vector<16xf32> to vector<1x16xf32>
        tpu.vector_store %arg12[%swap3A, %swap3A_373], %swap3A_376 {strides = array<i32>} : memref<80x128xf32, #tpu.memory_space<vmem>>, vector<1x16xf32>,
      }
      %scan3A_319 = arith.constant 80 : i32
      %dma_start3A_320 = arith.constant 0 : i32
      %dma_start3A_321 = arith.constant 0 : i32
      %dma_start3A_322 = tpu.memref_slice %arg14[%dma_start3A_320, %dma_start3A_321] : memref<10000x128xf32, #tpu.memory_space<vmem_shared>> -> memref<10000x128xf32, #tpu.memory_space<vmem_shared>>
      tpu.enqueue_indirect_dma source(%arg12 : memref<80x128xf32, #tpu.memory_space<vmem>>) target(%dma_start3A_322 : memref<10000x128xf32, #tpu.memory_space<vmem_shared>>) offsets(%arg6 : memref<80xi32, #tpu.memory_space<vmem>>) semaphore(%arg17 : memref<!tpu.dma_semaphore, #tpu.memory_space<semaphore_mem>>) {add = true}
      %mul3A_323 = arith.constant 4 : i32
      %mul3A_324 = arith.muli %mul3A_323, %scan3A_185 : i32
      %add3A_325 = arith.constant 2 : i32
      %add3A_326 = arith.addi %add3A_325, %mul3A_324 : i32
      %add3A_327 = arith.constant 3 : i32
      %add3A_328 = arith.addi %add3A_326, %add3A_327 : i32
      %add3A_329 = arith.constant 1 : i32
      %add3A_330 = arith.addi %add3A_328, %add3A_329 : i32
      %mul3A_331 = arith.constant 80 : i32
      %mul3A_332 = arith.muli %add3A_330, %mul3A_331 : i32
      %add3A_333 = arith.addi %mul3A_8, %mul3A_332 : i32
      %mul3A_334 = arith.constant 80 : i32
      %mul3A_335 = arith.muli %add3A_330, %mul3A_334 : i32
      %add3A_336 = arith.addi %mul3A_8, %mul3A_335 : i32
      %dma_start3A_337 = arith.constant 0 : i32
      %dma_start3A_338 = tpu.memref_slice %arg2[%add3A_333, %dma_start3A_337] : memref<320000x16xf32, #tpu.memory_space<hbm>> -> memref<80x16xf32, #tpu.memory_space<hbm>>
      %dma_start3A_339 = arith.constant 0 : i32
      %dma_start3A_340 = tpu.memref_slice %arg2[%add3A_333, %dma_start3A_339] : memref<320000x16xf32, #tpu.memory_space<hbm>> -> memref<80x16xf32, #tpu.memory_space<hbm>>
      tpu.enqueue_dma source(%dma_start3A_340 : memref<80x16xf32, #tpu.memory_space<hbm>>) target(%arg10 : memref<80x16xf32, #tpu.memory_space<vmem>>) target_semaphore(%arg15 : memref<!tpu.dma_semaphore, #tpu.memory_space<semaphore_mem>>)
      %dma_start3A_341 = tpu.memref_slice %arg3[%add3A_336] : memref<320000xi32, #tpu.memory_space<hbm>> -> memref<80xi32, #tpu.memory_space<hbm>>
      %dma_start3A_342 = tpu.memref_slice %arg3[%add3A_336] : memref<320000xi32, #tpu.memory_space<hbm>> -> memref<80xi32, #tpu.memory_space<hbm>>
      tpu.enqueue_dma source(%dma_start3A_342 : memref<80xi32, #tpu.memory_space<hbm>>) target(%arg8 : memref<80xi32, #tpu.memory_space<vmem>>) target_semaphore(%arg15 : memref<!tpu.dma_semaphore, #tpu.memory_space<semaphore_mem>>)
      %mul3A_343 = arith.constant 80 : i32
      %mul3A_344 = arith.muli %add3A_328, %mul3A_343 : i32
      %add3A_345 = arith.addi %mul3A_8, %mul3A_344 : i32
      %mul3A_346 = arith.constant 80 : i32
      %mul3A_347 = arith.muli %add3A_328, %mul3A_346 : i32
      %add3A_348 = arith.addi %mul3A_8, %mul3A_347 : i32
      %dma_wait3A_349 = arith.constant 0 : i32
      %dma_wait3A_350 = tpu.memref_slice %arg2[%add3A_345, %dma_wait3A_349] : memref<320000x16xf32, #tpu.memory_space<hbm>> -> memref<80x16xf32, #tpu.memory_space<hbm>>
      %dma_wait3A_351 = arith.constant 0 : i32
      %dma_wait3A_352 = tpu.memref_slice %arg2[%add3A_345, %dma_wait3A_351] : memref<320000x16xf32, #tpu.memory_space<hbm>> -> memref<80x16xf32, #tpu.memory_space<hbm>>
      tpu.wait_dma2 semaphore(%arg16 : memref<!tpu.dma_semaphore, #tpu.memory_space<semaphore_mem>>) src(%dma_wait3A_352 : memref<80x16xf32, #tpu.memory_space<hbm>>) dst(%arg11 : memref<80x16xf32, #tpu.memory_space<vmem>>)
      %dma_wait3A_353 = tpu.memref_slice %arg3[%add3A_348] : memref<320000xi32, #tpu.memory_space<hbm>> -> memref<80xi32, #tpu.memory_space<hbm>>
      %dma_wait3A_354 = tpu.memref_slice %arg3[%add3A_348] : memref<320000xi32, #tpu.memory_space<hbm>> -> memref<80xi32, #tpu.memory_space<hbm>>
      tpu.wait_dma2 semaphore(%arg16 : memref<!tpu.dma_semaphore, #tpu.memory_space<semaphore_mem>>) src(%dma_wait3A_354 : memref<80xi32, #tpu.memory_space<hbm>>) dst(%arg7 : memref<80xi32, #tpu.memory_space<vmem>>)
      %sub3A_355 = arith.constant 2 : i32
      %sub3A_356 = arith.subi %add3A_328, %sub3A_355 : i32
      %dma_wait3A_357 = arith.constant 0 : i32
      %dma_wait3A_358 = arith.constant 0 : i32
      %dma_wait3A_359 = tpu.memref_slice %arg14[%dma_wait3A_357, %dma_wait3A_358] : memref<10000x128xf32, #tpu.memory_space<vmem_shared>> -> memref<10000x128xf32, #tpu.memory_space<vmem_shared>>
      tpu.wait_indirect_dma semaphore(%arg18 : memref<!tpu.dma_semaphore, #tpu.memory_space<semaphore_mem>>) src(%arg13 : memref<80x128xf32, #tpu.memory_space<vmem>>) dst(%dma_wait3A_359 : memref<10000x128xf32, #tpu.memory_space<vmem_shared>>)
      %scan3A_360 = arith.constant 0 : i32
      %scan3A_361 = arith.constant 0 : i32
      %scan3A_362 = arith.constant 80 : i32
      %scan3A_363 = arith.addi %scan3A_361, %scan3A_362 : i32
      %scan3A_364 = arith.constant 1 : i32
      scf.for %scan3A_369 = %scan3A_361 to %scan3A_363 step %scan3A_364  : i32 {
        %get3A = arith.index_cast %scan3A_369 : i32 to index
        %get3A_370 = arith.constant 0 : index
        %get3A_371 = tpu.vector_load %arg11[%get3A, %get3A_370] {strides = array<i32>} : memref<80x16xf32, #tpu.memory_space<vmem>>, vector<1x16xf32>,
        %get3A_372 = vector.shape_cast %get3A_371 : vector<1x16xf32> to vector<16xf32>
        %swap3A = arith.index_cast %scan3A_369 : i32 to index
        %swap3A_373 = arith.constant 0 : index
        %swap3A_374 = tpu.vector_load %arg13[%swap3A, %swap3A_373] {strides = array<i32>} : memref<80x128xf32, #tpu.memory_space<vmem>>, vector<1x16xf32>,
        %swap3A_375 = vector.shape_cast %swap3A_374 : vector<1x16xf32> to vector<16xf32>
        %swap3A_376 = vector.shape_cast %get3A_372 : vector<16xf32> to vector<1x16xf32>
        tpu.vector_store %arg13[%swap3A, %swap3A_373], %swap3A_376 {strides = array<i32>} : memref<80x128xf32, #tpu.memory_space<vmem>>, vector<1x16xf32>,
      }
      %scan3A_365 = arith.constant 80 : i32
      %dma_start3A_366 = arith.constant 0 : i32
      %dma_start3A_367 = arith.constant 0 : i32
      %dma_start3A_368 = tpu.memref_slice %arg14[%dma_start3A_366, %dma_start3A_367] : memref<10000x128xf32, #tpu.memory_space<vmem_shared>> -> memref<10000x128xf32, #tpu.memory_space<vmem_shared>>
      tpu.enqueue_indirect_dma source(%arg13 : memref<80x128xf32, #tpu.memory_space<vmem>>) target(%dma_start3A_368 : memref<10000x128xf32, #tpu.memory_space<vmem_shared>>) offsets(%arg7 : memref<80xi32, #tpu.memory_space<vmem>>) semaphore(%arg18 : memref<!tpu.dma_semaphore, #tpu.memory_space<semaphore_mem>>) {add = true}
    }
    %scan3A_79 = arith.constant 30 : i32
    %add3A_80 = arith.constant 9840 : i32
    %add3A_81 = arith.addi %mul3A_8, %add3A_80 : i32
    %add3A_82 = arith.constant 9840 : i32
    %add3A_83 = arith.addi %mul3A_8, %add3A_82 : i32
    %dma_start3A_84 = arith.constant 0 : i32
    %dma_start3A_85 = tpu.memref_slice %arg2[%add3A_81, %dma_start3A_84] : memref<320000x16xf32, #tpu.memory_space<hbm>> -> memref<80x16xf32, #tpu.memory_space<hbm>>
    %dma_start3A_86 = arith.constant 0 : i32
    %dma_start3A_87 = tpu.memref_slice %arg2[%add3A_81, %dma_start3A_86] : memref<320000x16xf32, #tpu.memory_space<hbm>> -> memref<80x16xf32, #tpu.memory_space<hbm>>
    tpu.enqueue_dma source(%dma_start3A_87 : memref<80x16xf32, #tpu.memory_space<hbm>>) target(%arg11 : memref<80x16xf32, #tpu.memory_space<vmem>>) target_semaphore(%arg16 : memref<!tpu.dma_semaphore, #tpu.memory_space<semaphore_mem>>)
    %dma_start3A_88 = tpu.memref_slice %arg3[%add3A_83] : memref<320000xi32, #tpu.memory_space<hbm>> -> memref<80xi32, #tpu.memory_space<hbm>>
    %dma_start3A_89 = tpu.memref_slice %arg3[%add3A_83] : memref<320000xi32, #tpu.memory_space<hbm>> -> memref<80xi32, #tpu.memory_space<hbm>>
    tpu.enqueue_dma source(%dma_start3A_89 : memref<80xi32, #tpu.memory_space<hbm>>) target(%arg9 : memref<80xi32, #tpu.memory_space<vmem>>) target_semaphore(%arg16 : memref<!tpu.dma_semaphore, #tpu.memory_space<semaphore_mem>>)
    %add3A_90 = arith.constant 9760 : i32
    %add3A_91 = arith.addi %mul3A_8, %add3A_90 : i32
    %add3A_92 = arith.constant 9760 : i32
    %add3A_93 = arith.addi %mul3A_8, %add3A_92 : i32
    %dma_wait3A_94 = arith.constant 0 : i32
    %dma_wait3A_95 = tpu.memref_slice %arg2[%add3A_91, %dma_wait3A_94] : memref<320000x16xf32, #tpu.memory_space<hbm>> -> memref<80x16xf32, #tpu.memory_space<hbm>>
    %dma_wait3A_96 = arith.constant 0 : i32
    %dma_wait3A_97 = tpu.memref_slice %arg2[%add3A_91, %dma_wait3A_96] : memref<320000x16xf32, #tpu.memory_space<hbm>> -> memref<80x16xf32, #tpu.memory_space<hbm>>
    tpu.wait_dma2 semaphore(%arg15 : memref<!tpu.dma_semaphore, #tpu.memory_space<semaphore_mem>>) src(%dma_wait3A_97 : memref<80x16xf32, #tpu.memory_space<hbm>>) dst(%arg10 : memref<80x16xf32, #tpu.memory_space<vmem>>)
    %dma_wait3A_98 = tpu.memref_slice %arg3[%add3A_93] : memref<320000xi32, #tpu.memory_space<hbm>> -> memref<80xi32, #tpu.memory_space<hbm>>
    %dma_wait3A_99 = tpu.memref_slice %arg3[%add3A_93] : memref<320000xi32, #tpu.memory_space<hbm>> -> memref<80xi32, #tpu.memory_space<hbm>>
    tpu.wait_dma2 semaphore(%arg15 : memref<!tpu.dma_semaphore, #tpu.memory_space<semaphore_mem>>) src(%dma_wait3A_99 : memref<80xi32, #tpu.memory_space<hbm>>) dst(%arg8 : memref<80xi32, #tpu.memory_space<vmem>>)
    %dma_wait3A_100 = arith.constant 0 : i32
    %dma_wait3A_101 = arith.constant 0 : i32
    %dma_wait3A_102 = tpu.memref_slice %arg14[%dma_wait3A_100, %dma_wait3A_101] : memref<10000x128xf32, #tpu.memory_space<vmem_shared>> -> memref<10000x128xf32, #tpu.memory_space<vmem_shared>>
    tpu.wait_indirect_dma semaphore(%arg17 : memref<!tpu.dma_semaphore, #tpu.memory_space<semaphore_mem>>) src(%arg12 : memref<80x128xf32, #tpu.memory_space<vmem>>) dst(%dma_wait3A_102 : memref<10000x128xf32, #tpu.memory_space<vmem_shared>>)
    %scan3A_103 = arith.constant 0 : i32
    %scan3A_104 = arith.constant 0 : i32
    %scan3A_105 = arith.constant 80 : i32
    %scan3A_106 = arith.addi %scan3A_104, %scan3A_105 : i32
    %scan3A_107 = arith.constant 1 : i32
    scf.for %scan3A_185 = %scan3A_104 to %scan3A_106 step %scan3A_107  : i32 {
      %get3A = arith.index_cast %scan3A_185 : i32 to index
      %get3A_186 = arith.constant 0 : index
      %get3A_187 = tpu.vector_load %arg10[%get3A, %get3A_186] {strides = array<i32>} : memref<80x16xf32, #tpu.memory_space<vmem>>, vector<1x16xf32>,
      %get3A_188 = vector.shape_cast %get3A_187 : vector<1x16xf32> to vector<16xf32>
      %swap3A = arith.index_cast %scan3A_185 : i32 to index
      %swap3A_189 = arith.constant 0 : index
      %swap3A_190 = tpu.vector_load %arg12[%swap3A, %swap3A_189] {strides = array<i32>} : memref<80x128xf32, #tpu.memory_space<vmem>>, vector<1x16xf32>,
      %swap3A_191 = vector.shape_cast %swap3A_190 : vector<1x16xf32> to vector<16xf32>
      %swap3A_192 = vector.shape_cast %get3A_188 : vector<16xf32> to vector<1x16xf32>
      tpu.vector_store %arg12[%swap3A, %swap3A_189], %swap3A_192 {strides = array<i32>} : memref<80x128xf32, #tpu.memory_space<vmem>>, vector<1x16xf32>,
    }
    %scan3A_108 = arith.constant 80 : i32
    %dma_start3A_109 = arith.constant 0 : i32
    %dma_start3A_110 = arith.constant 0 : i32
    %dma_start3A_111 = tpu.memref_slice %arg14[%dma_start3A_109, %dma_start3A_110] : memref<10000x128xf32, #tpu.memory_space<vmem_shared>> -> memref<10000x128xf32, #tpu.memory_space<vmem_shared>>
    tpu.enqueue_indirect_dma source(%arg12 : memref<80x128xf32, #tpu.memory_space<vmem>>) target(%dma_start3A_111 : memref<10000x128xf32, #tpu.memory_space<vmem_shared>>) offsets(%arg8 : memref<80xi32, #tpu.memory_space<vmem>>) semaphore(%arg17 : memref<!tpu.dma_semaphore, #tpu.memory_space<semaphore_mem>>) {add = true}
    %add3A_112 = arith.constant 9920 : i32
    %add3A_113 = arith.addi %mul3A_8, %add3A_112 : i32
    %add3A_114 = arith.constant 9920 : i32
    %add3A_115 = arith.addi %mul3A_8, %add3A_114 : i32
    %dma_start3A_116 = arith.constant 0 : i32
    %dma_start3A_117 = tpu.memref_slice %arg2[%add3A_113, %dma_start3A_116] : memref<320000x16xf32, #tpu.memory_space<hbm>> -> memref<80x16xf32, #tpu.memory_space<hbm>>
    %dma_start3A_118 = arith.constant 0 : i32
    %dma_start3A_119 = tpu.memref_slice %arg2[%add3A_113, %dma_start3A_118] : memref<320000x16xf32, #tpu.memory_space<hbm>> -> memref<80x16xf32, #tpu.memory_space<hbm>>
    tpu.enqueue_dma source(%dma_start3A_119 : memref<80x16xf32, #tpu.memory_space<hbm>>) target(%arg10 : memref<80x16xf32, #tpu.memory_space<vmem>>) target_semaphore(%arg15 : memref<!tpu.dma_semaphore, #tpu.memory_space<semaphore_mem>>)
    %dma_start3A_120 = tpu.memref_slice %arg3[%add3A_115] : memref<320000xi32, #tpu.memory_space<hbm>> -> memref<80xi32, #tpu.memory_space<hbm>>
    %dma_start3A_121 = tpu.memref_slice %arg3[%add3A_115] : memref<320000xi32, #tpu.memory_space<hbm>> -> memref<80xi32, #tpu.memory_space<hbm>>
    tpu.enqueue_dma source(%dma_start3A_121 : memref<80xi32, #tpu.memory_space<hbm>>) target(%arg6 : memref<80xi32, #tpu.memory_space<vmem>>) target_semaphore(%arg15 : memref<!tpu.dma_semaphore, #tpu.memory_space<semaphore_mem>>)
    %add3A_122 = arith.constant 9840 : i32
    %add3A_123 = arith.addi %mul3A_8, %add3A_122 : i32
    %add3A_124 = arith.constant 9840 : i32
    %add3A_125 = arith.addi %mul3A_8, %add3A_124 : i32
    %dma_wait3A_126 = arith.constant 0 : i32
    %dma_wait3A_127 = tpu.memref_slice %arg2[%add3A_123, %dma_wait3A_126] : memref<320000x16xf32, #tpu.memory_space<hbm>> -> memref<80x16xf32, #tpu.memory_space<hbm>>
    %dma_wait3A_128 = arith.constant 0 : i32
    %dma_wait3A_129 = tpu.memref_slice %arg2[%add3A_123, %dma_wait3A_128] : memref<320000x16xf32, #tpu.memory_space<hbm>> -> memref<80x16xf32, #tpu.memory_space<hbm>>
    tpu.wait_dma2 semaphore(%arg16 : memref<!tpu.dma_semaphore, #tpu.memory_space<semaphore_mem>>) src(%dma_wait3A_129 : memref<80x16xf32, #tpu.memory_space<hbm>>) dst(%arg11 : memref<80x16xf32, #tpu.memory_space<vmem>>)
    %dma_wait3A_130 = tpu.memref_slice %arg3[%add3A_125] : memref<320000xi32, #tpu.memory_space<hbm>> -> memref<80xi32, #tpu.memory_space<hbm>>
    %dma_wait3A_131 = tpu.memref_slice %arg3[%add3A_125] : memref<320000xi32, #tpu.memory_space<hbm>> -> memref<80xi32, #tpu.memory_space<hbm>>
    tpu.wait_dma2 semaphore(%arg16 : memref<!tpu.dma_semaphore, #tpu.memory_space<semaphore_mem>>) src(%dma_wait3A_131 : memref<80xi32, #tpu.memory_space<hbm>>) dst(%arg9 : memref<80xi32, #tpu.memory_space<vmem>>)
    %dma_wait3A_132 = arith.constant 0 : i32
    %dma_wait3A_133 = arith.constant 0 : i32
    %dma_wait3A_134 = tpu.memref_slice %arg14[%dma_wait3A_132, %dma_wait3A_133] : memref<10000x128xf32, #tpu.memory_space<vmem_shared>> -> memref<10000x128xf32, #tpu.memory_space<vmem_shared>>
    tpu.wait_indirect_dma semaphore(%arg18 : memref<!tpu.dma_semaphore, #tpu.memory_space<semaphore_mem>>) src(%arg13 : memref<80x128xf32, #tpu.memory_space<vmem>>) dst(%dma_wait3A_134 : memref<10000x128xf32, #tpu.memory_space<vmem_shared>>)
    %scan3A_135 = arith.constant 0 : i32
    %scan3A_136 = arith.constant 0 : i32
    %scan3A_137 = arith.constant 80 : i32
    %scan3A_138 = arith.addi %scan3A_136, %scan3A_137 : i32
    %scan3A_139 = arith.constant 1 : i32
    scf.for %scan3A_185 = %scan3A_136 to %scan3A_138 step %scan3A_139  : i32 {
      %get3A = arith.index_cast %scan3A_185 : i32 to index
      %get3A_186 = arith.constant 0 : index
      %get3A_187 = tpu.vector_load %arg11[%get3A, %get3A_186] {strides = array<i32>} : memref<80x16xf32, #tpu.memory_space<vmem>>, vector<1x16xf32>,
      %get3A_188 = vector.shape_cast %get3A_187 : vector<1x16xf32> to vector<16xf32>
      %swap3A = arith.index_cast %scan3A_185 : i32 to index
      %swap3A_189 = arith.constant 0 : index
      %swap3A_190 = tpu.vector_load %arg13[%swap3A, %swap3A_189] {strides = array<i32>} : memref<80x128xf32, #tpu.memory_space<vmem>>, vector<1x16xf32>,
      %swap3A_191 = vector.shape_cast %swap3A_190 : vector<1x16xf32> to vector<16xf32>
      %swap3A_192 = vector.shape_cast %get3A_188 : vector<16xf32> to vector<1x16xf32>
      tpu.vector_store %arg13[%swap3A, %swap3A_189], %swap3A_192 {strides = array<i32>} : memref<80x128xf32, #tpu.memory_space<vmem>>, vector<1x16xf32>,
    }
    %scan3A_140 = arith.constant 80 : i32
    %dma_start3A_141 = arith.constant 0 : i32
    %dma_start3A_142 = arith.constant 0 : i32
    %dma_start3A_143 = tpu.memref_slice %arg14[%dma_start3A_141, %dma_start3A_142] : memref<10000x128xf32, #tpu.memory_space<vmem_shared>> -> memref<10000x128xf32, #tpu.memory_space<vmem_shared>>
    tpu.enqueue_indirect_dma source(%arg13 : memref<80x128xf32, #tpu.memory_space<vmem>>) target(%dma_start3A_143 : memref<10000x128xf32, #tpu.memory_space<vmem_shared>>) offsets(%arg9 : memref<80xi32, #tpu.memory_space<vmem>>) semaphore(%arg18 : memref<!tpu.dma_semaphore, #tpu.memory_space<semaphore_mem>>) {add = true}
    %add3A_144 = arith.constant 9920 : i32
    %add3A_145 = arith.addi %mul3A_8, %add3A_144 : i32
    %add3A_146 = arith.constant 9920 : i32
    %add3A_147 = arith.addi %mul3A_8, %add3A_146 : i32
    %dma_wait3A_148 = arith.constant 0 : i32
    %dma_wait3A_149 = tpu.memref_slice %arg2[%add3A_145, %dma_wait3A_148] : memref<320000x16xf32, #tpu.memory_space<hbm>> -> memref<80x16xf32, #tpu.memory_space<hbm>>
    %dma_wait3A_150 = arith.constant 0 : i32
    %dma_wait3A_151 = tpu.memref_slice %arg2[%add3A_145, %dma_wait3A_150] : memref<320000x16xf32, #tpu.memory_space<hbm>> -> memref<80x16xf32, #tpu.memory_space<hbm>>
    tpu.wait_dma2 semaphore(%arg15 : memref<!tpu.dma_semaphore, #tpu.memory_space<semaphore_mem>>) src(%dma_wait3A_151 : memref<80x16xf32, #tpu.memory_space<hbm>>) dst(%arg10 : memref<80x16xf32, #tpu.memory_space<vmem>>)
    %dma_wait3A_152 = tpu.memref_slice %arg3[%add3A_147] : memref<320000xi32, #tpu.memory_space<hbm>> -> memref<80xi32, #tpu.memory_space<hbm>>
    %dma_wait3A_153 = tpu.memref_slice %arg3[%add3A_147] : memref<320000xi32, #tpu.memory_space<hbm>> -> memref<80xi32, #tpu.memory_space<hbm>>
    tpu.wait_dma2 semaphore(%arg15 : memref<!tpu.dma_semaphore, #tpu.memory_space<semaphore_mem>>) src(%dma_wait3A_153 : memref<80xi32, #tpu.memory_space<hbm>>) dst(%arg6 : memref<80xi32, #tpu.memory_space<vmem>>)
    %dma_wait3A_154 = arith.constant 0 : i32
    %dma_wait3A_155 = arith.constant 0 : i32
    %dma_wait3A_156 = tpu.memref_slice %arg14[%dma_wait3A_154, %dma_wait3A_155] : memref<10000x128xf32, #tpu.memory_space<vmem_shared>> -> memref<10000x128xf32, #tpu.memory_space<vmem_shared>>
    tpu.wait_indirect_dma semaphore(%arg17 : memref<!tpu.dma_semaphore, #tpu.memory_space<semaphore_mem>>) src(%arg12 : memref<80x128xf32, #tpu.memory_space<vmem>>) dst(%dma_wait3A_156 : memref<10000x128xf32, #tpu.memory_space<vmem_shared>>)
    %scan3A_157 = arith.constant 0 : i32
    %scan3A_158 = arith.constant 0 : i32
    %scan3A_159 = arith.constant 80 : i32
    %scan3A_160 = arith.addi %scan3A_158, %scan3A_159 : i32
    %scan3A_161 = arith.constant 1 : i32
    scf.for %scan3A_185 = %scan3A_158 to %scan3A_160 step %scan3A_161  : i32 {
      %get3A = arith.index_cast %scan3A_185 : i32 to index
      %get3A_186 = arith.constant 0 : index
      %get3A_187 = tpu.vector_load %arg10[%get3A, %get3A_186] {strides = array<i32>} : memref<80x16xf32, #tpu.memory_space<vmem>>, vector<1x16xf32>,
      %get3A_188 = vector.shape_cast %get3A_187 : vector<1x16xf32> to vector<16xf32>
      %swap3A = arith.index_cast %scan3A_185 : i32 to index
      %swap3A_189 = arith.constant 0 : index
      %swap3A_190 = tpu.vector_load %arg12[%swap3A, %swap3A_189] {strides = array<i32>} : memref<80x128xf32, #tpu.memory_space<vmem>>, vector<1x16xf32>,
      %swap3A_191 = vector.shape_cast %swap3A_190 : vector<1x16xf32> to vector<16xf32>
      %swap3A_192 = vector.shape_cast %get3A_188 : vector<16xf32> to vector<1x16xf32>
      tpu.vector_store %arg12[%swap3A, %swap3A_189], %swap3A_192 {strides = array<i32>} : memref<80x128xf32, #tpu.memory_space<vmem>>, vector<1x16xf32>,
    }
    %scan3A_162 = arith.constant 80 : i32
    %dma_start3A_163 = arith.constant 0 : i32
    %dma_start3A_164 = arith.constant 0 : i32
    %dma_start3A_165 = tpu.memref_slice %arg14[%dma_start3A_163, %dma_start3A_164] : memref<10000x128xf32, #tpu.memory_space<vmem_shared>> -> memref<10000x128xf32, #tpu.memory_space<vmem_shared>>
    tpu.enqueue_indirect_dma source(%arg12 : memref<80x128xf32, #tpu.memory_space<vmem>>) target(%dma_start3A_165 : memref<10000x128xf32, #tpu.memory_space<vmem_shared>>) offsets(%arg6 : memref<80xi32, #tpu.memory_space<vmem>>) semaphore(%arg17 : memref<!tpu.dma_semaphore, #tpu.memory_space<semaphore_mem>>) {add = true}
    %dma_wait3A_166 = arith.constant 0 : i32
    %dma_wait3A_167 = arith.constant 0 : i32
    %dma_wait3A_168 = tpu.memref_slice %arg14[%dma_wait3A_166, %dma_wait3A_167] : memref<10000x128xf32, #tpu.memory_space<vmem_shared>> -> memref<10000x128xf32, #tpu.memory_space<vmem_shared>>
    tpu.wait_indirect_dma semaphore(%arg18 : memref<!tpu.dma_semaphore, #tpu.memory_space<semaphore_mem>>) src(%arg13 : memref<80x128xf32, #tpu.memory_space<vmem>>) dst(%dma_wait3A_168 : memref<10000x128xf32, #tpu.memory_space<vmem_shared>>)
    %dma_wait3A_169 = arith.constant 0 : i32
    %dma_wait3A_170 = arith.constant 0 : i32
    %dma_wait3A_171 = tpu.memref_slice %arg14[%dma_wait3A_169, %dma_wait3A_170] : memref<10000x128xf32, #tpu.memory_space<vmem_shared>> -> memref<10000x128xf32, #tpu.memory_space<vmem_shared>>
    tpu.wait_indirect_dma semaphore(%arg17 : memref<!tpu.dma_semaphore, #tpu.memory_space<semaphore_mem>>) src(%arg12 : memref<80x128xf32, #tpu.memory_space<vmem>>) dst(%dma_wait3A_171 : memref<10000x128xf32, #tpu.memory_space<vmem_shared>>)
    %barrier3A_172 = arith.constant 0 : index
    tpu.barrier barrier_id(%barrier3A_172)
    %mul3A_173 = arith.constant 624 : i32
    %mul3A_174 = arith.muli %arg1, %mul3A_173 : i32
    %mul3A_175 = arith.constant 10000 : i32
    %mul3A_176 = arith.muli %arg0, %mul3A_175 : i32
    %mul3A_177 = arith.constant 624 : i32
    %mul3A_178 = arith.muli %arg1, %mul3A_177 : i32
    %add3A_179 = arith.addi %mul3A_176, %mul3A_178 : i32
    "tpu.region"() ({
      %run_scoped3A = tpu.sem_alloc : memref<!tpu.dma_semaphore, #tpu.memory_space<semaphore_mem>>
      %dma_start3A_185 = arith.constant 0 : i32
      %dma_start3A_186 = tpu.memref_slice %arg5[%add3A_179, %dma_start3A_185] : memref<20000x128xf32, #tpu.memory_space<hbm>> -> memref<624x128xf32, #tpu.memory_space<hbm>>
      %dma_start3A_187 = arith.constant 0 : i32
      %dma_start3A_188 = tpu.memref_slice %arg14[%mul3A_174, %dma_start3A_187] : memref<10000x128xf32, #tpu.memory_space<vmem_shared>> -> memref<624x128xf32, #tpu.memory_space<vmem_shared>>
      tpu.enqueue_dma source(%dma_start3A_188 : memref<624x128xf32, #tpu.memory_space<vmem_shared>>) target(%dma_start3A_186 : memref<624x128xf32, #tpu.memory_space<hbm>>) target_semaphore(%run_scoped3A : memref<!tpu.dma_semaphore, #tpu.memory_space<semaphore_mem>>)
      %dma_wait3A_189 = arith.constant 0 : i32
      %dma_wait3A_190 = tpu.memref_slice %arg5[%add3A_179, %dma_wait3A_189] : memref<20000x128xf32, #tpu.memory_space<hbm>> -> memref<624x128xf32, #tpu.memory_space<hbm>>
      %dma_wait3A_191 = arith.constant 0 : i32
      %dma_wait3A_192 = tpu.memref_slice %arg14[%mul3A_174, %dma_wait3A_191] : memref<10000x128xf32, #tpu.memory_space<vmem_shared>> -> memref<624x128xf32, #tpu.memory_space<vmem_shared>>
      tpu.wait_dma2 semaphore(%run_scoped3A : memref<!tpu.dma_semaphore, #tpu.memory_space<semaphore_mem>>) src(%dma_wait3A_192 : memref<624x128xf32, #tpu.memory_space<vmem_shared>>) dst(%dma_wait3A_190 : memref<624x128xf32, #tpu.memory_space<hbm>>)
      tpu.yield
    }) : () -> ()
    %eq3A_180 = arith.constant 15 : i32
    %eq3A_181 = arith.cmpi eq, %arg1, %eq3A_180 : i32
    %convert_element_type3A_182 = arith.extui %eq3A_181 : i1 to i32
    %cond3A_183 = arith.constant 0 : i32
    %cond3A_184 = arith.cmpi ne, %convert_element_type3A_182, %cond3A_183 : i32
    scf.if %cond3A_184 {
      %mul3A_185 = arith.constant 10000 : i32
      %mul3A_186 = arith.muli %arg0, %mul3A_185 : i32
      %add3A_187 = arith.constant 9984 : i32
      %add3A_188 = arith.addi %mul3A_186, %add3A_187 : i32
      "tpu.region"() ({
        %run_scoped3A = tpu.sem_alloc : memref<!tpu.dma_semaphore, #tpu.memory_space<semaphore_mem>>
        %dma_start3A_189 = arith.constant 0 : i32
        %dma_start3A_190 = tpu.memref_slice %arg5[%add3A_188, %dma_start3A_189] : memref<20000x128xf32, #tpu.memory_space<hbm>> -> memref<16x128xf32, #tpu.memory_space<hbm>>
        %dma_start3A_191 = arith.constant 9984 : i32
        %dma_start3A_192 = arith.constant 0 : i32
        %dma_start3A_193 = tpu.memref_slice %arg14[%dma_start3A_191, %dma_start3A_192] : memref<10000x128xf32, #tpu.memory_space<vmem_shared>> -> memref<16x128xf32, #tpu.memory_space<vmem_shared>>
        tpu.enqueue_dma source(%dma_start3A_193 : memref<16x128xf32, #tpu.memory_space<vmem_shared>>) target(%dma_start3A_190 : memref<16x128xf32, #tpu.memory_space<hbm>>) target_semaphore(%run_scoped3A : memref<!tpu.dma_semaphore, #tpu.memory_space<semaphore_mem>>)
        %dma_wait3A_194 = arith.constant 0 : i32
        %dma_wait3A_195 = tpu.memref_slice %arg5[%add3A_188, %dma_wait3A_194] : memref<20000x128xf32, #tpu.memory_space<hbm>> -> memref<16x128xf32, #tpu.memory_space<hbm>>
        %dma_wait3A_196 = arith.constant 9984 : i32
        %dma_wait3A_197 = arith.constant 0 : i32
        %dma_wait3A_198 = tpu.memref_slice %arg14[%dma_wait3A_196, %dma_wait3A_197] : memref<10000x128xf32, #tpu.memory_space<vmem_shared>> -> memref<16x128xf32, #tpu.memory_space<vmem_shared>>
        tpu.wait_dma2 semaphore(%run_scoped3A : memref<!tpu.dma_semaphore, #tpu.memory_space<semaphore_mem>>) src(%dma_wait3A_198 : memref<16x128xf32, #tpu.memory_space<vmem_shared>>) dst(%dma_wait3A_195 : memref<16x128xf32, #tpu.memory_space<hbm>>)
        tpu.yield
      }) : () -> ()
    } else {
    }
    return
  }
}

#map = affine_map<(d0, d1) -> (0, 0)>
#map1 = affine_map<(d0, d1) -> (0, 0, 0)>
module attributes {stable_mosaic.version = 14 : i64} {
  func.func @body(%arg0: i32, %arg1: i32, %arg2: memref<10000x128xf32, #tpu.memory_space<hbm>>, %arg3: memref<10000x128xf32, #tpu.memory_space<hbm>>, %arg4: memref<32x125x80xi32, #tpu.memory_space<hbm>>, %arg5: memref<32x125x80xi32, #tpu.memory_space<hbm>>, %arg6: memref<320000x128xf32, #tpu.memory_space<hbm>>, %arg7: memref<125x80xi32, #tpu.memory_space<vmem>>, %arg8: memref<125x80xi32, #tpu.memory_space<vmem>>, %arg9: memref<80x128xf32, #tpu.memory_space<vmem>>, %arg10: memref<80x128xf32, #tpu.memory_space<vmem>>, %arg11: memref<80x128xf32, #tpu.memory_space<vmem>>, %arg12: memref<80x128xf32, #tpu.memory_space<vmem>>, %arg13: memref<!tpu.dma_semaphore, #tpu.memory_space<semaphore_mem>>, %arg14: memref<!tpu.dma_semaphore, #tpu.memory_space<semaphore_mem>>, %arg15: memref<!tpu.dma_semaphore, #tpu.memory_space<semaphore_mem>>, %arg16: memref<!tpu.dma_semaphore, #tpu.memory_space<semaphore_mem>>, %arg17: memref<!tpu.dma_semaphore, #tpu.memory_space<semaphore_mem>>, %arg18: memref<!tpu.dma_semaphore, #tpu.memory_space<semaphore_mem>>) attributes {dimension_semantics = [#tpu.dimension_semantics<core_parallel>, #tpu.dimension_semantics<subcore_parallel>], iteration_bounds = array<i64: 2, 16>, scalar_prefetch = 0 : i64, scratch_operands = 12 : i64, tpu.core_type = #tpu.core_type<sc_vector_subcore>, window_params = [{transform_indices = #map}, {transform_indices = #map}, {transform_indices = #map1}, {transform_indices = #map1}, {transform_indices = #map}]} {
    %mul3A = arith.constant 2 : i32
    %mul3A_0 = arith.muli %arg1, %mul3A : i32
    %add3A = arith.addi %mul3A_0, %arg0 : i32
    "tpu.region"() ({
      %run_scoped3A = tpu.sem_alloc : memref<!tpu.dma_semaphore, #tpu.memory_space<semaphore_mem>>
      %dma_start3A_144 = arith.constant 0 : i32
      %dma_start3A_145 = arith.constant 0 : i32
      %dma_start3A_146 = tpu.memref_slice %arg4[%add3A, %dma_start3A_144, %dma_start3A_145] : memref<32x125x80xi32, #tpu.memory_space<hbm>> -> memref<1x125x80xi32, #tpu.memory_space<hbm>>
      %dma_start3A_147 = tpu.memref_squeeze %dma_start3A_146 : memref<1x125x80xi32, #tpu.memory_space<hbm>> -> memref<125x80xi32, #tpu.memory_space<hbm>>
      %dma_start3A_148 = arith.constant 0 : i32
      %dma_start3A_149 = arith.constant 0 : i32
      %dma_start3A_150 = tpu.memref_slice %arg4[%add3A, %dma_start3A_148, %dma_start3A_149] : memref<32x125x80xi32, #tpu.memory_space<hbm>> -> memref<1x125x80xi32, #tpu.memory_space<hbm>>
      %dma_start3A_151 = tpu.memref_squeeze %dma_start3A_150 : memref<1x125x80xi32, #tpu.memory_space<hbm>> -> memref<125x80xi32, #tpu.memory_space<hbm>>
      tpu.enqueue_dma source(%dma_start3A_151 : memref<125x80xi32, #tpu.memory_space<hbm>>) target(%arg7 : memref<125x80xi32, #tpu.memory_space<vmem>>) target_semaphore(%run_scoped3A : memref<!tpu.dma_semaphore, #tpu.memory_space<semaphore_mem>>)
      %dma_wait3A_152 = arith.constant 0 : i32
      %dma_wait3A_153 = arith.constant 0 : i32
      %dma_wait3A_154 = tpu.memref_slice %arg4[%add3A, %dma_wait3A_152, %dma_wait3A_153] : memref<32x125x80xi32, #tpu.memory_space<hbm>> -> memref<1x125x80xi32, #tpu.memory_space<hbm>>
      %dma_wait3A_155 = tpu.memref_squeeze %dma_wait3A_154 : memref<1x125x80xi32, #tpu.memory_space<hbm>> -> memref<125x80xi32, #tpu.memory_space<hbm>>
      %dma_wait3A_156 = arith.constant 0 : i32
      %dma_wait3A_157 = arith.constant 0 : i32
      %dma_wait3A_158 = tpu.memref_slice %arg4[%add3A, %dma_wait3A_156, %dma_wait3A_157] : memref<32x125x80xi32, #tpu.memory_space<hbm>> -> memref<1x125x80xi32, #tpu.memory_space<hbm>>
      %dma_wait3A_159 = tpu.memref_squeeze %dma_wait3A_158 : memref<1x125x80xi32, #tpu.memory_space<hbm>> -> memref<125x80xi32, #tpu.memory_space<hbm>>
      tpu.wait_dma2 semaphore(%run_scoped3A : memref<!tpu.dma_semaphore, #tpu.memory_space<semaphore_mem>>) src(%dma_wait3A_159 : memref<125x80xi32, #tpu.memory_space<hbm>>) dst(%arg7 : memref<125x80xi32, #tpu.memory_space<vmem>>)
      tpu.yield
    }) : () -> ()
    "tpu.region"() ({
      %run_scoped3A = tpu.sem_alloc : memref<!tpu.dma_semaphore, #tpu.memory_space<semaphore_mem>>
      %dma_start3A_144 = arith.constant 0 : i32
      %dma_start3A_145 = arith.constant 0 : i32
      %dma_start3A_146 = tpu.memref_slice %arg5[%add3A, %dma_start3A_144, %dma_start3A_145] : memref<32x125x80xi32, #tpu.memory_space<hbm>> -> memref<1x125x80xi32, #tpu.memory_space<hbm>>
      %dma_start3A_147 = tpu.memref_squeeze %dma_start3A_146 : memref<1x125x80xi32, #tpu.memory_space<hbm>> -> memref<125x80xi32, #tpu.memory_space<hbm>>
      %dma_start3A_148 = arith.constant 0 : i32
      %dma_start3A_149 = arith.constant 0 : i32
      %dma_start3A_150 = tpu.memref_slice %arg5[%add3A, %dma_start3A_148, %dma_start3A_149] : memref<32x125x80xi32, #tpu.memory_space<hbm>> -> memref<1x125x80xi32, #tpu.memory_space<hbm>>
      %dma_start3A_151 = tpu.memref_squeeze %dma_start3A_150 : memref<1x125x80xi32, #tpu.memory_space<hbm>> -> memref<125x80xi32, #tpu.memory_space<hbm>>
      tpu.enqueue_dma source(%dma_start3A_151 : memref<125x80xi32, #tpu.memory_space<hbm>>) target(%arg8 : memref<125x80xi32, #tpu.memory_space<vmem>>) target_semaphore(%run_scoped3A : memref<!tpu.dma_semaphore, #tpu.memory_space<semaphore_mem>>)
      %dma_wait3A_152 = arith.constant 0 : i32
      %dma_wait3A_153 = arith.constant 0 : i32
      %dma_wait3A_154 = tpu.memref_slice %arg5[%add3A, %dma_wait3A_152, %dma_wait3A_153] : memref<32x125x80xi32, #tpu.memory_space<hbm>> -> memref<1x125x80xi32, #tpu.memory_space<hbm>>
      %dma_wait3A_155 = tpu.memref_squeeze %dma_wait3A_154 : memref<1x125x80xi32, #tpu.memory_space<hbm>> -> memref<125x80xi32, #tpu.memory_space<hbm>>
      %dma_wait3A_156 = arith.constant 0 : i32
      %dma_wait3A_157 = arith.constant 0 : i32
      %dma_wait3A_158 = tpu.memref_slice %arg5[%add3A, %dma_wait3A_156, %dma_wait3A_157] : memref<32x125x80xi32, #tpu.memory_space<hbm>> -> memref<1x125x80xi32, #tpu.memory_space<hbm>>
      %dma_wait3A_159 = tpu.memref_squeeze %dma_wait3A_158 : memref<1x125x80xi32, #tpu.memory_space<hbm>> -> memref<125x80xi32, #tpu.memory_space<hbm>>
      tpu.wait_dma2 semaphore(%run_scoped3A : memref<!tpu.dma_semaphore, #tpu.memory_space<semaphore_mem>>) src(%dma_wait3A_159 : memref<125x80xi32, #tpu.memory_space<hbm>>) dst(%arg8 : memref<125x80xi32, #tpu.memory_space<vmem>>)
      tpu.yield
    }) : () -> ()
    %mul3A_1 = arith.constant 10000 : i32
    %mul3A_2 = arith.muli %add3A, %mul3A_1 : i32
    %dma_start3A = arith.constant 0 : i32
    %dma_start3A_3 = arith.constant 0 : i32
    %dma_start3A_4 = tpu.memref_slice %arg7[%dma_start3A, %dma_start3A_3] : memref<125x80xi32, #tpu.memory_space<vmem>> -> memref<1x80xi32, #tpu.memory_space<vmem>>
    %dma_start3A_5 = tpu.memref_squeeze %dma_start3A_4 : memref<1x80xi32, #tpu.memory_space<vmem>> -> memref<80xi32, #tpu.memory_space<vmem>>
    %dma_start3A_6 = arith.constant 0 : i32
    %dma_start3A_7 = arith.constant 0 : i32
    %dma_start3A_8 = tpu.memref_slice %arg2[%dma_start3A_6, %dma_start3A_7] : memref<10000x128xf32, #tpu.memory_space<hbm>> -> memref<10000x128xf32, #tpu.memory_space<hbm>>
    tpu.enqueue_indirect_dma source(%dma_start3A_8 : memref<10000x128xf32, #tpu.memory_space<hbm>>) target(%arg9 : memref<80x128xf32, #tpu.memory_space<vmem>>) offsets(%dma_start3A_5 : memref<80xi32, #tpu.memory_space<vmem>>) semaphore(%arg13 : memref<!tpu.dma_semaphore, #tpu.memory_space<semaphore_mem>>)
    %dma_start3A_9 = arith.constant 0 : i32
    %dma_start3A_10 = arith.constant 0 : i32
    %dma_start3A_11 = tpu.memref_slice %arg8[%dma_start3A_9, %dma_start3A_10] : memref<125x80xi32, #tpu.memory_space<vmem>> -> memref<1x80xi32, #tpu.memory_space<vmem>>
    %dma_start3A_12 = tpu.memref_squeeze %dma_start3A_11 : memref<1x80xi32, #tpu.memory_space<vmem>> -> memref<80xi32, #tpu.memory_space<vmem>>
    %dma_start3A_13 = arith.constant 0 : i32
    %dma_start3A_14 = arith.constant 0 : i32
    %dma_start3A_15 = tpu.memref_slice %arg3[%dma_start3A_13, %dma_start3A_14] : memref<10000x128xf32, #tpu.memory_space<hbm>> -> memref<10000x128xf32, #tpu.memory_space<hbm>>
    tpu.enqueue_indirect_dma source(%dma_start3A_15 : memref<10000x128xf32, #tpu.memory_space<hbm>>) target(%arg10 : memref<80x128xf32, #tpu.memory_space<vmem>>) offsets(%dma_start3A_12 : memref<80xi32, #tpu.memory_space<vmem>>) semaphore(%arg14 : memref<!tpu.dma_semaphore, #tpu.memory_space<semaphore_mem>>)
    %dma_start3A_16 = arith.constant 1 : i32
    %dma_start3A_17 = arith.constant 0 : i32
    %dma_start3A_18 = tpu.memref_slice %arg7[%dma_start3A_16, %dma_start3A_17] : memref<125x80xi32, #tpu.memory_space<vmem>> -> memref<1x80xi32, #tpu.memory_space<vmem>>
    %dma_start3A_19 = tpu.memref_squeeze %dma_start3A_18 : memref<1x80xi32, #tpu.memory_space<vmem>> -> memref<80xi32, #tpu.memory_space<vmem>>
    %dma_start3A_20 = arith.constant 0 : i32
    %dma_start3A_21 = arith.constant 0 : i32
    %dma_start3A_22 = tpu.memref_slice %arg2[%dma_start3A_20, %dma_start3A_21] : memref<10000x128xf32, #tpu.memory_space<hbm>> -> memref<10000x128xf32, #tpu.memory_space<hbm>>
    tpu.enqueue_indirect_dma source(%dma_start3A_22 : memref<10000x128xf32, #tpu.memory_space<hbm>>) target(%arg11 : memref<80x128xf32, #tpu.memory_space<vmem>>) offsets(%dma_start3A_19 : memref<80xi32, #tpu.memory_space<vmem>>) semaphore(%arg15 : memref<!tpu.dma_semaphore, #tpu.memory_space<semaphore_mem>>)
    %dma_start3A_23 = arith.constant 1 : i32
    %dma_start3A_24 = arith.constant 0 : i32
    %dma_start3A_25 = tpu.memref_slice %arg8[%dma_start3A_23, %dma_start3A_24] : memref<125x80xi32, #tpu.memory_space<vmem>> -> memref<1x80xi32, #tpu.memory_space<vmem>>
    %dma_start3A_26 = tpu.memref_squeeze %dma_start3A_25 : memref<1x80xi32, #tpu.memory_space<vmem>> -> memref<80xi32, #tpu.memory_space<vmem>>
    %dma_start3A_27 = arith.constant 0 : i32
    %dma_start3A_28 = arith.constant 0 : i32
    %dma_start3A_29 = tpu.memref_slice %arg3[%dma_start3A_27, %dma_start3A_28] : memref<10000x128xf32, #tpu.memory_space<hbm>> -> memref<10000x128xf32, #tpu.memory_space<hbm>>
    tpu.enqueue_indirect_dma source(%dma_start3A_29 : memref<10000x128xf32, #tpu.memory_space<hbm>>) target(%arg12 : memref<80x128xf32, #tpu.memory_space<vmem>>) offsets(%dma_start3A_26 : memref<80xi32, #tpu.memory_space<vmem>>) semaphore(%arg16 : memref<!tpu.dma_semaphore, #tpu.memory_space<semaphore_mem>>)
    %dma_wait3A = arith.constant 0 : i32
    %dma_wait3A_30 = arith.constant 0 : i32
    %dma_wait3A_31 = tpu.memref_slice %arg7[%dma_wait3A, %dma_wait3A_30] : memref<125x80xi32, #tpu.memory_space<vmem>> -> memref<1x80xi32, #tpu.memory_space<vmem>>
    %dma_wait3A_32 = tpu.memref_squeeze %dma_wait3A_31 : memref<1x80xi32, #tpu.memory_space<vmem>> -> memref<80xi32, #tpu.memory_space<vmem>>
    %dma_wait3A_33 = arith.constant 0 : i32
    %dma_wait3A_34 = arith.constant 0 : i32
    %dma_wait3A_35 = tpu.memref_slice %arg2[%dma_wait3A_33, %dma_wait3A_34] : memref<10000x128xf32, #tpu.memory_space<hbm>> -> memref<10000x128xf32, #tpu.memory_space<hbm>>
    tpu.wait_indirect_dma semaphore(%arg13 : memref<!tpu.dma_semaphore, #tpu.memory_space<semaphore_mem>>) src(%dma_wait3A_35 : memref<10000x128xf32, #tpu.memory_space<hbm>>) dst(%arg9 : memref<80x128xf32, #tpu.memory_space<vmem>>)
    %dma_wait3A_36 = arith.constant 0 : i32
    %dma_wait3A_37 = arith.constant 0 : i32
    %dma_wait3A_38 = tpu.memref_slice %arg8[%dma_wait3A_36, %dma_wait3A_37] : memref<125x80xi32, #tpu.memory_space<vmem>> -> memref<1x80xi32, #tpu.memory_space<vmem>>
    %dma_wait3A_39 = tpu.memref_squeeze %dma_wait3A_38 : memref<1x80xi32, #tpu.memory_space<vmem>> -> memref<80xi32, #tpu.memory_space<vmem>>
    %dma_wait3A_40 = arith.constant 0 : i32
    %dma_wait3A_41 = arith.constant 0 : i32
    %dma_wait3A_42 = tpu.memref_slice %arg3[%dma_wait3A_40, %dma_wait3A_41] : memref<10000x128xf32, #tpu.memory_space<hbm>> -> memref<10000x128xf32, #tpu.memory_space<hbm>>
    tpu.wait_indirect_dma semaphore(%arg14 : memref<!tpu.dma_semaphore, #tpu.memory_space<semaphore_mem>>) src(%dma_wait3A_42 : memref<10000x128xf32, #tpu.memory_space<hbm>>) dst(%arg10 : memref<80x128xf32, #tpu.memory_space<vmem>>)
    %scan3A = arith.constant 0 : i32
    %scan3A_43 = arith.constant 0 : i32
    %scan3A_44 = arith.constant 80 : i32
    %scan3A_45 = arith.addi %scan3A_43, %scan3A_44 : i32
    %scan3A_46 = arith.constant 1 : i32
    scf.for %scan3A_144 = %scan3A_43 to %scan3A_45 step %scan3A_46  : i32 {
      %get3A = arith.index_cast %scan3A_144 : i32 to index
      %get3A_145 = arith.constant 0 : index
      %get3A_146 = tpu.vector_load %arg9[%get3A, %get3A_145] {strides = array<i32>} : memref<80x128xf32, #tpu.memory_space<vmem>>, vector<1x16xf32>,
      %get3A_147 = vector.shape_cast %get3A_146 : vector<1x16xf32> to vector<16xf32>
      %get3A_148 = arith.index_cast %scan3A_144 : i32 to index
      %get3A_149 = arith.constant 0 : index
      %get3A_150 = tpu.vector_load %arg10[%get3A_148, %get3A_149] {strides = array<i32>} : memref<80x128xf32, #tpu.memory_space<vmem>>, vector<1x16xf32>,
      %get3A_151 = vector.shape_cast %get3A_150 : vector<1x16xf32> to vector<16xf32>
      %add3A_152 = arith.addf %get3A_147, %get3A_151 : vector<16xf32>
      %swap3A = arith.index_cast %scan3A_144 : i32 to index
      %swap3A_153 = arith.constant 0 : index
      %swap3A_154 = tpu.vector_load %arg9[%swap3A, %swap3A_153] {strides = array<i32>} : memref<80x128xf32, #tpu.memory_space<vmem>>, vector<1x16xf32>,
      %swap3A_155 = vector.shape_cast %swap3A_154 : vector<1x16xf32> to vector<16xf32>
      %swap3A_156 = vector.shape_cast %add3A_152 : vector<16xf32> to vector<1x16xf32>
      tpu.vector_store %arg9[%swap3A, %swap3A_153], %swap3A_156 {strides = array<i32>} : memref<80x128xf32, #tpu.memory_space<vmem>>, vector<1x16xf32>,
      %get3A_157 = arith.index_cast %scan3A_144 : i32 to index
      %get3A_158 = arith.constant 16 : index
      %get3A_159 = tpu.vector_load %arg9[%get3A_157, %get3A_158] {strides = array<i32>} : memref<80x128xf32, #tpu.memory_space<vmem>>, vector<1x16xf32>,
      %get3A_160 = vector.shape_cast %get3A_159 : vector<1x16xf32> to vector<16xf32>
      %get3A_161 = arith.index_cast %scan3A_144 : i32 to index
      %get3A_162 = arith.constant 16 : index
      %get3A_163 = tpu.vector_load %arg10[%get3A_161, %get3A_162] {strides = array<i32>} : memref<80x128xf32, #tpu.memory_space<vmem>>, vector<1x16xf32>,
      %get3A_164 = vector.shape_cast %get3A_163 : vector<1x16xf32> to vector<16xf32>
      %add3A_165 = arith.addf %get3A_160, %get3A_164 : vector<16xf32>
      %swap3A_166 = arith.index_cast %scan3A_144 : i32 to index
      %swap3A_167 = arith.constant 16 : index
      %swap3A_168 = tpu.vector_load %arg9[%swap3A_166, %swap3A_167] {strides = array<i32>} : memref<80x128xf32, #tpu.memory_space<vmem>>, vector<1x16xf32>,
      %swap3A_169 = vector.shape_cast %swap3A_168 : vector<1x16xf32> to vector<16xf32>
      %swap3A_170 = vector.shape_cast %add3A_165 : vector<16xf32> to vector<1x16xf32>
      tpu.vector_store %arg9[%swap3A_166, %swap3A_167], %swap3A_170 {strides = array<i32>} : memref<80x128xf32, #tpu.memory_space<vmem>>, vector<1x16xf32>,
      %get3A_171 = arith.index_cast %scan3A_144 : i32 to index
      %get3A_172 = arith.constant 32 : index
      %get3A_173 = tpu.vector_load %arg9[%get3A_171, %get3A_172] {strides = array<i32>} : memref<80x128xf32, #tpu.memory_space<vmem>>, vector<1x16xf32>,
      %get3A_174 = vector.shape_cast %get3A_173 : vector<1x16xf32> to vector<16xf32>
      %get3A_175 = arith.index_cast %scan3A_144 : i32 to index
      %get3A_176 = arith.constant 32 : index
      %get3A_177 = tpu.vector_load %arg10[%get3A_175, %get3A_176] {strides = array<i32>} : memref<80x128xf32, #tpu.memory_space<vmem>>, vector<1x16xf32>,
      %get3A_178 = vector.shape_cast %get3A_177 : vector<1x16xf32> to vector<16xf32>
      %add3A_179 = arith.addf %get3A_174, %get3A_178 : vector<16xf32>
      %swap3A_180 = arith.index_cast %scan3A_144 : i32 to index
      %swap3A_181 = arith.constant 32 : index
      %swap3A_182 = tpu.vector_load %arg9[%swap3A_180, %swap3A_181] {strides = array<i32>} : memref<80x128xf32, #tpu.memory_space<vmem>>, vector<1x16xf32>,
      %swap3A_183 = vector.shape_cast %swap3A_182 : vector<1x16xf32> to vector<16xf32>
      %swap3A_184 = vector.shape_cast %add3A_179 : vector<16xf32> to vector<1x16xf32>
      tpu.vector_store %arg9[%swap3A_180, %swap3A_181], %swap3A_184 {strides = array<i32>} : memref<80x128xf32, #tpu.memory_space<vmem>>, vector<1x16xf32>,
      %get3A_185 = arith.index_cast %scan3A_144 : i32 to index
      %get3A_186 = arith.constant 48 : index
      %get3A_187 = tpu.vector_load %arg9[%get3A_185, %get3A_186] {strides = array<i32>} : memref<80x128xf32, #tpu.memory_space<vmem>>, vector<1x16xf32>,
      %get3A_188 = vector.shape_cast %get3A_187 : vector<1x16xf32> to vector<16xf32>
      %get3A_189 = arith.index_cast %scan3A_144 : i32 to index
      %get3A_190 = arith.constant 48 : index
      %get3A_191 = tpu.vector_load %arg10[%get3A_189, %get3A_190] {strides = array<i32>} : memref<80x128xf32, #tpu.memory_space<vmem>>, vector<1x16xf32>,
      %get3A_192 = vector.shape_cast %get3A_191 : vector<1x16xf32> to vector<16xf32>
      %add3A_193 = arith.addf %get3A_188, %get3A_192 : vector<16xf32>
      %swap3A_194 = arith.index_cast %scan3A_144 : i32 to index
      %swap3A_195 = arith.constant 48 : index
      %swap3A_196 = tpu.vector_load %arg9[%swap3A_194, %swap3A_195] {strides = array<i32>} : memref<80x128xf32, #tpu.memory_space<vmem>>, vector<1x16xf32>,
      %swap3A_197 = vector.shape_cast %swap3A_196 : vector<1x16xf32> to vector<16xf32>
      %swap3A_198 = vector.shape_cast %add3A_193 : vector<16xf32> to vector<1x16xf32>
      tpu.vector_store %arg9[%swap3A_194, %swap3A_195], %swap3A_198 {strides = array<i32>} : memref<80x128xf32, #tpu.memory_space<vmem>>, vector<1x16xf32>,
      %get3A_199 = arith.index_cast %scan3A_144 : i32 to index
      %get3A_200 = arith.constant 64 : index
      %get3A_201 = tpu.vector_load %arg9[%get3A_199, %get3A_200] {strides = array<i32>} : memref<80x128xf32, #tpu.memory_space<vmem>>, vector<1x16xf32>,
      %get3A_202 = vector.shape_cast %get3A_201 : vector<1x16xf32> to vector<16xf32>
      %get3A_203 = arith.index_cast %scan3A_144 : i32 to index
      %get3A_204 = arith.constant 64 : index
      %get3A_205 = tpu.vector_load %arg10[%get3A_203, %get3A_204] {strides = array<i32>} : memref<80x128xf32, #tpu.memory_space<vmem>>, vector<1x16xf32>,
      %get3A_206 = vector.shape_cast %get3A_205 : vector<1x16xf32> to vector<16xf32>
      %add3A_207 = arith.addf %get3A_202, %get3A_206 : vector<16xf32>
      %swap3A_208 = arith.index_cast %scan3A_144 : i32 to index
      %swap3A_209 = arith.constant 64 : index
      %swap3A_210 = tpu.vector_load %arg9[%swap3A_208, %swap3A_209] {strides = array<i32>} : memref<80x128xf32, #tpu.memory_space<vmem>>, vector<1x16xf32>,
      %swap3A_211 = vector.shape_cast %swap3A_210 : vector<1x16xf32> to vector<16xf32>
      %swap3A_212 = vector.shape_cast %add3A_207 : vector<16xf32> to vector<1x16xf32>
      tpu.vector_store %arg9[%swap3A_208, %swap3A_209], %swap3A_212 {strides = array<i32>} : memref<80x128xf32, #tpu.memory_space<vmem>>, vector<1x16xf32>,
      %get3A_213 = arith.index_cast %scan3A_144 : i32 to index
      %get3A_214 = arith.constant 80 : index
      %get3A_215 = tpu.vector_load %arg9[%get3A_213, %get3A_214] {strides = array<i32>} : memref<80x128xf32, #tpu.memory_space<vmem>>, vector<1x16xf32>,
      %get3A_216 = vector.shape_cast %get3A_215 : vector<1x16xf32> to vector<16xf32>
      %get3A_217 = arith.index_cast %scan3A_144 : i32 to index
      %get3A_218 = arith.constant 80 : index
      %get3A_219 = tpu.vector_load %arg10[%get3A_217, %get3A_218] {strides = array<i32>} : memref<80x128xf32, #tpu.memory_space<vmem>>, vector<1x16xf32>,
      %get3A_220 = vector.shape_cast %get3A_219 : vector<1x16xf32> to vector<16xf32>
      %add3A_221 = arith.addf %get3A_216, %get3A_220 : vector<16xf32>
      %swap3A_222 = arith.index_cast %scan3A_144 : i32 to index
      %swap3A_223 = arith.constant 80 : index
      %swap3A_224 = tpu.vector_load %arg9[%swap3A_222, %swap3A_223] {strides = array<i32>} : memref<80x128xf32, #tpu.memory_space<vmem>>, vector<1x16xf32>,
      %swap3A_225 = vector.shape_cast %swap3A_224 : vector<1x16xf32> to vector<16xf32>
      %swap3A_226 = vector.shape_cast %add3A_221 : vector<16xf32> to vector<1x16xf32>
      tpu.vector_store %arg9[%swap3A_222, %swap3A_223], %swap3A_226 {strides = array<i32>} : memref<80x128xf32, #tpu.memory_space<vmem>>, vector<1x16xf32>,
      %get3A_227 = arith.index_cast %scan3A_144 : i32 to index
      %get3A_228 = arith.constant 96 : index
      %get3A_229 = tpu.vector_load %arg9[%get3A_227, %get3A_228] {strides = array<i32>} : memref<80x128xf32, #tpu.memory_space<vmem>>, vector<1x16xf32>,
      %get3A_230 = vector.shape_cast %get3A_229 : vector<1x16xf32> to vector<16xf32>
      %get3A_231 = arith.index_cast %scan3A_144 : i32 to index
      %get3A_232 = arith.constant 96 : index
      %get3A_233 = tpu.vector_load %arg10[%get3A_231, %get3A_232] {strides = array<i32>} : memref<80x128xf32, #tpu.memory_space<vmem>>, vector<1x16xf32>,
      %get3A_234 = vector.shape_cast %get3A_233 : vector<1x16xf32> to vector<16xf32>
      %add3A_235 = arith.addf %get3A_230, %get3A_234 : vector<16xf32>
      %swap3A_236 = arith.index_cast %scan3A_144 : i32 to index
      %swap3A_237 = arith.constant 96 : index
      %swap3A_238 = tpu.vector_load %arg9[%swap3A_236, %swap3A_237] {strides = array<i32>} : memref<80x128xf32, #tpu.memory_space<vmem>>, vector<1x16xf32>,
      %swap3A_239 = vector.shape_cast %swap3A_238 : vector<1x16xf32> to vector<16xf32>
      %swap3A_240 = vector.shape_cast %add3A_235 : vector<16xf32> to vector<1x16xf32>
      tpu.vector_store %arg9[%swap3A_236, %swap3A_237], %swap3A_240 {strides = array<i32>} : memref<80x128xf32, #tpu.memory_space<vmem>>, vector<1x16xf32>,
      %get3A_241 = arith.index_cast %scan3A_144 : i32 to index
      %get3A_242 = arith.constant 112 : index
      %get3A_243 = tpu.vector_load %arg9[%get3A_241, %get3A_242] {strides = array<i32>} : memref<80x128xf32, #tpu.memory_space<vmem>>, vector<1x16xf32>,
      %get3A_244 = vector.shape_cast %get3A_243 : vector<1x16xf32> to vector<16xf32>
      %get3A_245 = arith.index_cast %scan3A_144 : i32 to index
      %get3A_246 = arith.constant 112 : index
      %get3A_247 = tpu.vector_load %arg10[%get3A_245, %get3A_246] {strides = array<i32>} : memref<80x128xf32, #tpu.memory_space<vmem>>, vector<1x16xf32>,
      %get3A_248 = vector.shape_cast %get3A_247 : vector<1x16xf32> to vector<16xf32>
      %add3A_249 = arith.addf %get3A_244, %get3A_248 : vector<16xf32>
      %swap3A_250 = arith.index_cast %scan3A_144 : i32 to index
      %swap3A_251 = arith.constant 112 : index
      %swap3A_252 = tpu.vector_load %arg9[%swap3A_250, %swap3A_251] {strides = array<i32>} : memref<80x128xf32, #tpu.memory_space<vmem>>, vector<1x16xf32>,
      %swap3A_253 = vector.shape_cast %swap3A_252 : vector<1x16xf32> to vector<16xf32>
      %swap3A_254 = vector.shape_cast %add3A_249 : vector<16xf32> to vector<1x16xf32>
      tpu.vector_store %arg9[%swap3A_250, %swap3A_251], %swap3A_254 {strides = array<i32>} : memref<80x128xf32, #tpu.memory_space<vmem>>, vector<1x16xf32>,
    }
    %scan3A_47 = arith.constant 80 : i32
    %add3A_48 = arith.constant 0 : i32
    %add3A_49 = arith.addi %mul3A_2, %add3A_48 : i32
    %dma_start3A_50 = arith.constant 0 : i32
    %dma_start3A_51 = tpu.memref_slice %arg6[%add3A_49, %dma_start3A_50] : memref<320000x128xf32, #tpu.memory_space<hbm>> -> memref<80x128xf32, #tpu.memory_space<hbm>>
    %dma_start3A_52 = arith.constant 0 : i32
    %dma_start3A_53 = tpu.memref_slice %arg6[%add3A_49, %dma_start3A_52] : memref<320000x128xf32, #tpu.memory_space<hbm>> -> memref<80x128xf32, #tpu.memory_space<hbm>>
    tpu.enqueue_dma source(%arg9 : memref<80x128xf32, #tpu.memory_space<vmem>>) target(%dma_start3A_53 : memref<80x128xf32, #tpu.memory_space<hbm>>) target_semaphore(%arg17 : memref<!tpu.dma_semaphore, #tpu.memory_space<semaphore_mem>>)
    %scan3A_54 = arith.constant 0 : i32
    %scan3A_55 = arith.constant 0 : i32
    %scan3A_56 = arith.constant 61 : i32
    %scan3A_57 = arith.addi %scan3A_55, %scan3A_56 : i32
    %scan3A_58 = arith.constant 1 : i32
    scf.for %scan3A_144 = %scan3A_55 to %scan3A_57 step %scan3A_58  : i32 {
      %mul3A_145 = arith.constant 2 : i32
      %mul3A_146 = arith.muli %mul3A_145, %scan3A_144 : i32
      %add3A_147 = arith.constant 1 : i32
      %add3A_148 = arith.addi %add3A_147, %mul3A_146 : i32
      %add3A_149 = arith.constant 0 : i32
      %add3A_150 = arith.addi %add3A_148, %add3A_149 : i32
      %sub3A = arith.constant 1 : i32
      %sub3A_151 = arith.subi %add3A_150, %sub3A : i32
      %mul3A_152 = arith.constant 80 : i32
      %mul3A_153 = arith.muli %sub3A_151, %mul3A_152 : i32
      %add3A_154 = arith.addi %mul3A_2, %mul3A_153 : i32
      %dma_wait3A_155 = arith.constant 0 : i32
      %dma_wait3A_156 = tpu.memref_slice %arg6[%add3A_154, %dma_wait3A_155] : memref<320000x128xf32, #tpu.memory_space<hbm>> -> memref<80x128xf32, #tpu.memory_space<hbm>>
      %dma_wait3A_157 = arith.constant 0 : i32
      %dma_wait3A_158 = tpu.memref_slice %arg6[%add3A_154, %dma_wait3A_157] : memref<320000x128xf32, #tpu.memory_space<hbm>> -> memref<80x128xf32, #tpu.memory_space<hbm>>
      tpu.wait_dma2 semaphore(%arg17 : memref<!tpu.dma_semaphore, #tpu.memory_space<semaphore_mem>>) src(%arg9 : memref<80x128xf32, #tpu.memory_space<vmem>>) dst(%dma_wait3A_158 : memref<80x128xf32, #tpu.memory_space<hbm>>)
      %add3A_159 = arith.constant 1 : i32
      %add3A_160 = arith.addi %add3A_150, %add3A_159 : i32
      %dma_start3A_161 = arith.constant 0 : i32
      %dma_start3A_162 = tpu.memref_slice %arg7[%add3A_160, %dma_start3A_161] : memref<125x80xi32, #tpu.memory_space<vmem>> -> memref<1x80xi32, #tpu.memory_space<vmem>>
      %dma_start3A_163 = tpu.memref_squeeze %dma_start3A_162 : memref<1x80xi32, #tpu.memory_space<vmem>> -> memref<80xi32, #tpu.memory_space<vmem>>
      %dma_start3A_164 = arith.constant 0 : i32
      %dma_start3A_165 = arith.constant 0 : i32
      %dma_start3A_166 = tpu.memref_slice %arg2[%dma_start3A_164, %dma_start3A_165] : memref<10000x128xf32, #tpu.memory_space<hbm>> -> memref<10000x128xf32, #tpu.memory_space<hbm>>
      tpu.enqueue_indirect_dma source(%dma_start3A_166 : memref<10000x128xf32, #tpu.memory_space<hbm>>) target(%arg9 : memref<80x128xf32, #tpu.memory_space<vmem>>) offsets(%dma_start3A_163 : memref<80xi32, #tpu.memory_space<vmem>>) semaphore(%arg13 : memref<!tpu.dma_semaphore, #tpu.memory_space<semaphore_mem>>)
      %dma_start3A_167 = arith.constant 0 : i32
      %dma_start3A_168 = tpu.memref_slice %arg8[%add3A_160, %dma_start3A_167] : memref<125x80xi32, #tpu.memory_space<vmem>> -> memref<1x80xi32, #tpu.memory_space<vmem>>
      %dma_start3A_169 = tpu.memref_squeeze %dma_start3A_168 : memref<1x80xi32, #tpu.memory_space<vmem>> -> memref<80xi32, #tpu.memory_space<vmem>>
      %dma_start3A_170 = arith.constant 0 : i32
      %dma_start3A_171 = arith.constant 0 : i32
      %dma_start3A_172 = tpu.memref_slice %arg3[%dma_start3A_170, %dma_start3A_171] : memref<10000x128xf32, #tpu.memory_space<hbm>> -> memref<10000x128xf32, #tpu.memory_space<hbm>>
      tpu.enqueue_indirect_dma source(%dma_start3A_172 : memref<10000x128xf32, #tpu.memory_space<hbm>>) target(%arg10 : memref<80x128xf32, #tpu.memory_space<vmem>>) offsets(%dma_start3A_169 : memref<80xi32, #tpu.memory_space<vmem>>) semaphore(%arg14 : memref<!tpu.dma_semaphore, #tpu.memory_space<semaphore_mem>>)
      %dma_wait3A_173 = arith.constant 0 : i32
      %dma_wait3A_174 = tpu.memref_slice %arg7[%add3A_150, %dma_wait3A_173] : memref<125x80xi32, #tpu.memory_space<vmem>> -> memref<1x80xi32, #tpu.memory_space<vmem>>
      %dma_wait3A_175 = tpu.memref_squeeze %dma_wait3A_174 : memref<1x80xi32, #tpu.memory_space<vmem>> -> memref<80xi32, #tpu.memory_space<vmem>>
      %dma_wait3A_176 = arith.constant 0 : i32
      %dma_wait3A_177 = arith.constant 0 : i32
      %dma_wait3A_178 = tpu.memref_slice %arg2[%dma_wait3A_176, %dma_wait3A_177] : memref<10000x128xf32, #tpu.memory_space<hbm>> -> memref<10000x128xf32, #tpu.memory_space<hbm>>
      tpu.wait_indirect_dma semaphore(%arg15 : memref<!tpu.dma_semaphore, #tpu.memory_space<semaphore_mem>>) src(%dma_wait3A_178 : memref<10000x128xf32, #tpu.memory_space<hbm>>) dst(%arg11 : memref<80x128xf32, #tpu.memory_space<vmem>>)
      %dma_wait3A_179 = arith.constant 0 : i32
      %dma_wait3A_180 = tpu.memref_slice %arg8[%add3A_150, %dma_wait3A_179] : memref<125x80xi32, #tpu.memory_space<vmem>> -> memref<1x80xi32, #tpu.memory_space<vmem>>
      %dma_wait3A_181 = tpu.memref_squeeze %dma_wait3A_180 : memref<1x80xi32, #tpu.memory_space<vmem>> -> memref<80xi32, #tpu.memory_space<vmem>>
      %dma_wait3A_182 = arith.constant 0 : i32
      %dma_wait3A_183 = arith.constant 0 : i32
      %dma_wait3A_184 = tpu.memref_slice %arg3[%dma_wait3A_182, %dma_wait3A_183] : memref<10000x128xf32, #tpu.memory_space<hbm>> -> memref<10000x128xf32, #tpu.memory_space<hbm>>
      tpu.wait_indirect_dma semaphore(%arg16 : memref<!tpu.dma_semaphore, #tpu.memory_space<semaphore_mem>>) src(%dma_wait3A_184 : memref<10000x128xf32, #tpu.memory_space<hbm>>) dst(%arg12 : memref<80x128xf32, #tpu.memory_space<vmem>>)
      %scan3A_185 = arith.constant 0 : i32
      %scan3A_186 = arith.constant 0 : i32
      %scan3A_187 = arith.constant 80 : i32
      %scan3A_188 = arith.addi %scan3A_186, %scan3A_187 : i32
      %scan3A_189 = arith.constant 1 : i32
      scf.for %scan3A_252 = %scan3A_186 to %scan3A_188 step %scan3A_189  : i32 {
        %get3A = arith.index_cast %scan3A_252 : i32 to index
        %get3A_253 = arith.constant 0 : index
        %get3A_254 = tpu.vector_load %arg11[%get3A, %get3A_253] {strides = array<i32>} : memref<80x128xf32, #tpu.memory_space<vmem>>, vector<1x16xf32>,
        %get3A_255 = vector.shape_cast %get3A_254 : vector<1x16xf32> to vector<16xf32>
        %get3A_256 = arith.index_cast %scan3A_252 : i32 to index
        %get3A_257 = arith.constant 0 : index
        %get3A_258 = tpu.vector_load %arg12[%get3A_256, %get3A_257] {strides = array<i32>} : memref<80x128xf32, #tpu.memory_space<vmem>>, vector<1x16xf32>,
        %get3A_259 = vector.shape_cast %get3A_258 : vector<1x16xf32> to vector<16xf32>
        %add3A_260 = arith.addf %get3A_255, %get3A_259 : vector<16xf32>
        %swap3A = arith.index_cast %scan3A_252 : i32 to index
        %swap3A_261 = arith.constant 0 : index
        %swap3A_262 = tpu.vector_load %arg11[%swap3A, %swap3A_261] {strides = array<i32>} : memref<80x128xf32, #tpu.memory_space<vmem>>, vector<1x16xf32>,
        %swap3A_263 = vector.shape_cast %swap3A_262 : vector<1x16xf32> to vector<16xf32>
        %swap3A_264 = vector.shape_cast %add3A_260 : vector<16xf32> to vector<1x16xf32>
        tpu.vector_store %arg11[%swap3A, %swap3A_261], %swap3A_264 {strides = array<i32>} : memref<80x128xf32, #tpu.memory_space<vmem>>, vector<1x16xf32>,
        %get3A_265 = arith.index_cast %scan3A_252 : i32 to index
        %get3A_266 = arith.constant 16 : index
        %get3A_267 = tpu.vector_load %arg11[%get3A_265, %get3A_266] {strides = array<i32>} : memref<80x128xf32, #tpu.memory_space<vmem>>, vector<1x16xf32>,
        %get3A_268 = vector.shape_cast %get3A_267 : vector<1x16xf32> to vector<16xf32>
        %get3A_269 = arith.index_cast %scan3A_252 : i32 to index
        %get3A_270 = arith.constant 16 : index
        %get3A_271 = tpu.vector_load %arg12[%get3A_269, %get3A_270] {strides = array<i32>} : memref<80x128xf32, #tpu.memory_space<vmem>>, vector<1x16xf32>,
        %get3A_272 = vector.shape_cast %get3A_271 : vector<1x16xf32> to vector<16xf32>
        %add3A_273 = arith.addf %get3A_268, %get3A_272 : vector<16xf32>
        %swap3A_274 = arith.index_cast %scan3A_252 : i32 to index
        %swap3A_275 = arith.constant 16 : index
        %swap3A_276 = tpu.vector_load %arg11[%swap3A_274, %swap3A_275] {strides = array<i32>} : memref<80x128xf32, #tpu.memory_space<vmem>>, vector<1x16xf32>,
        %swap3A_277 = vector.shape_cast %swap3A_276 : vector<1x16xf32> to vector<16xf32>
        %swap3A_278 = vector.shape_cast %add3A_273 : vector<16xf32> to vector<1x16xf32>
        tpu.vector_store %arg11[%swap3A_274, %swap3A_275], %swap3A_278 {strides = array<i32>} : memref<80x128xf32, #tpu.memory_space<vmem>>, vector<1x16xf32>,
        %get3A_279 = arith.index_cast %scan3A_252 : i32 to index
        %get3A_280 = arith.constant 32 : index
        %get3A_281 = tpu.vector_load %arg11[%get3A_279, %get3A_280] {strides = array<i32>} : memref<80x128xf32, #tpu.memory_space<vmem>>, vector<1x16xf32>,
        %get3A_282 = vector.shape_cast %get3A_281 : vector<1x16xf32> to vector<16xf32>
        %get3A_283 = arith.index_cast %scan3A_252 : i32 to index
        %get3A_284 = arith.constant 32 : index
        %get3A_285 = tpu.vector_load %arg12[%get3A_283, %get3A_284] {strides = array<i32>} : memref<80x128xf32, #tpu.memory_space<vmem>>, vector<1x16xf32>,
        %get3A_286 = vector.shape_cast %get3A_285 : vector<1x16xf32> to vector<16xf32>
        %add3A_287 = arith.addf %get3A_282, %get3A_286 : vector<16xf32>
        %swap3A_288 = arith.index_cast %scan3A_252 : i32 to index
        %swap3A_289 = arith.constant 32 : index
        %swap3A_290 = tpu.vector_load %arg11[%swap3A_288, %swap3A_289] {strides = array<i32>} : memref<80x128xf32, #tpu.memory_space<vmem>>, vector<1x16xf32>,
        %swap3A_291 = vector.shape_cast %swap3A_290 : vector<1x16xf32> to vector<16xf32>
        %swap3A_292 = vector.shape_cast %add3A_287 : vector<16xf32> to vector<1x16xf32>
        tpu.vector_store %arg11[%swap3A_288, %swap3A_289], %swap3A_292 {strides = array<i32>} : memref<80x128xf32, #tpu.memory_space<vmem>>, vector<1x16xf32>,
        %get3A_293 = arith.index_cast %scan3A_252 : i32 to index
        %get3A_294 = arith.constant 48 : index
        %get3A_295 = tpu.vector_load %arg11[%get3A_293, %get3A_294] {strides = array<i32>} : memref<80x128xf32, #tpu.memory_space<vmem>>, vector<1x16xf32>,
        %get3A_296 = vector.shape_cast %get3A_295 : vector<1x16xf32> to vector<16xf32>
        %get3A_297 = arith.index_cast %scan3A_252 : i32 to index
        %get3A_298 = arith.constant 48 : index
        %get3A_299 = tpu.vector_load %arg12[%get3A_297, %get3A_298] {strides = array<i32>} : memref<80x128xf32, #tpu.memory_space<vmem>>, vector<1x16xf32>,
        %get3A_300 = vector.shape_cast %get3A_299 : vector<1x16xf32> to vector<16xf32>
        %add3A_301 = arith.addf %get3A_296, %get3A_300 : vector<16xf32>
        %swap3A_302 = arith.index_cast %scan3A_252 : i32 to index
        %swap3A_303 = arith.constant 48 : index
        %swap3A_304 = tpu.vector_load %arg11[%swap3A_302, %swap3A_303] {strides = array<i32>} : memref<80x128xf32, #tpu.memory_space<vmem>>, vector<1x16xf32>,
        %swap3A_305 = vector.shape_cast %swap3A_304 : vector<1x16xf32> to vector<16xf32>
        %swap3A_306 = vector.shape_cast %add3A_301 : vector<16xf32> to vector<1x16xf32>
        tpu.vector_store %arg11[%swap3A_302, %swap3A_303], %swap3A_306 {strides = array<i32>} : memref<80x128xf32, #tpu.memory_space<vmem>>, vector<1x16xf32>,
        %get3A_307 = arith.index_cast %scan3A_252 : i32 to index
        %get3A_308 = arith.constant 64 : index
        %get3A_309 = tpu.vector_load %arg11[%get3A_307, %get3A_308] {strides = array<i32>} : memref<80x128xf32, #tpu.memory_space<vmem>>, vector<1x16xf32>,
        %get3A_310 = vector.shape_cast %get3A_309 : vector<1x16xf32> to vector<16xf32>
        %get3A_311 = arith.index_cast %scan3A_252 : i32 to index
        %get3A_312 = arith.constant 64 : index
        %get3A_313 = tpu.vector_load %arg12[%get3A_311, %get3A_312] {strides = array<i32>} : memref<80x128xf32, #tpu.memory_space<vmem>>, vector<1x16xf32>,
        %get3A_314 = vector.shape_cast %get3A_313 : vector<1x16xf32> to vector<16xf32>
        %add3A_315 = arith.addf %get3A_310, %get3A_314 : vector<16xf32>
        %swap3A_316 = arith.index_cast %scan3A_252 : i32 to index
        %swap3A_317 = arith.constant 64 : index
        %swap3A_318 = tpu.vector_load %arg11[%swap3A_316, %swap3A_317] {strides = array<i32>} : memref<80x128xf32, #tpu.memory_space<vmem>>, vector<1x16xf32>,
        %swap3A_319 = vector.shape_cast %swap3A_318 : vector<1x16xf32> to vector<16xf32>
        %swap3A_320 = vector.shape_cast %add3A_315 : vector<16xf32> to vector<1x16xf32>
        tpu.vector_store %arg11[%swap3A_316, %swap3A_317], %swap3A_320 {strides = array<i32>} : memref<80x128xf32, #tpu.memory_space<vmem>>, vector<1x16xf32>,
        %get3A_321 = arith.index_cast %scan3A_252 : i32 to index
        %get3A_322 = arith.constant 80 : index
        %get3A_323 = tpu.vector_load %arg11[%get3A_321, %get3A_322] {strides = array<i32>} : memref<80x128xf32, #tpu.memory_space<vmem>>, vector<1x16xf32>,
        %get3A_324 = vector.shape_cast %get3A_323 : vector<1x16xf32> to vector<16xf32>
        %get3A_325 = arith.index_cast %scan3A_252 : i32 to index
        %get3A_326 = arith.constant 80 : index
        %get3A_327 = tpu.vector_load %arg12[%get3A_325, %get3A_326] {strides = array<i32>} : memref<80x128xf32, #tpu.memory_space<vmem>>, vector<1x16xf32>,
        %get3A_328 = vector.shape_cast %get3A_327 : vector<1x16xf32> to vector<16xf32>
        %add3A_329 = arith.addf %get3A_324, %get3A_328 : vector<16xf32>
        %swap3A_330 = arith.index_cast %scan3A_252 : i32 to index
        %swap3A_331 = arith.constant 80 : index
        %swap3A_332 = tpu.vector_load %arg11[%swap3A_330, %swap3A_331] {strides = array<i32>} : memref<80x128xf32, #tpu.memory_space<vmem>>, vector<1x16xf32>,
        %swap3A_333 = vector.shape_cast %swap3A_332 : vector<1x16xf32> to vector<16xf32>
        %swap3A_334 = vector.shape_cast %add3A_329 : vector<16xf32> to vector<1x16xf32>
        tpu.vector_store %arg11[%swap3A_330, %swap3A_331], %swap3A_334 {strides = array<i32>} : memref<80x128xf32, #tpu.memory_space<vmem>>, vector<1x16xf32>,
        %get3A_335 = arith.index_cast %scan3A_252 : i32 to index
        %get3A_336 = arith.constant 96 : index
        %get3A_337 = tpu.vector_load %arg11[%get3A_335, %get3A_336] {strides = array<i32>} : memref<80x128xf32, #tpu.memory_space<vmem>>, vector<1x16xf32>,
        %get3A_338 = vector.shape_cast %get3A_337 : vector<1x16xf32> to vector<16xf32>
        %get3A_339 = arith.index_cast %scan3A_252 : i32 to index
        %get3A_340 = arith.constant 96 : index
        %get3A_341 = tpu.vector_load %arg12[%get3A_339, %get3A_340] {strides = array<i32>} : memref<80x128xf32, #tpu.memory_space<vmem>>, vector<1x16xf32>,
        %get3A_342 = vector.shape_cast %get3A_341 : vector<1x16xf32> to vector<16xf32>
        %add3A_343 = arith.addf %get3A_338, %get3A_342 : vector<16xf32>
        %swap3A_344 = arith.index_cast %scan3A_252 : i32 to index
        %swap3A_345 = arith.constant 96 : index
        %swap3A_346 = tpu.vector_load %arg11[%swap3A_344, %swap3A_345] {strides = array<i32>} : memref<80x128xf32, #tpu.memory_space<vmem>>, vector<1x16xf32>,
        %swap3A_347 = vector.shape_cast %swap3A_346 : vector<1x16xf32> to vector<16xf32>
        %swap3A_348 = vector.shape_cast %add3A_343 : vector<16xf32> to vector<1x16xf32>
        tpu.vector_store %arg11[%swap3A_344, %swap3A_345], %swap3A_348 {strides = array<i32>} : memref<80x128xf32, #tpu.memory_space<vmem>>, vector<1x16xf32>,
        %get3A_349 = arith.index_cast %scan3A_252 : i32 to index
        %get3A_350 = arith.constant 112 : index
        %get3A_351 = tpu.vector_load %arg11[%get3A_349, %get3A_350] {strides = array<i32>} : memref<80x128xf32, #tpu.memory_space<vmem>>, vector<1x16xf32>,
        %get3A_352 = vector.shape_cast %get3A_351 : vector<1x16xf32> to vector<16xf32>
        %get3A_353 = arith.index_cast %scan3A_252 : i32 to index
        %get3A_354 = arith.constant 112 : index
        %get3A_355 = tpu.vector_load %arg12[%get3A_353, %get3A_354] {strides = array<i32>} : memref<80x128xf32, #tpu.memory_space<vmem>>, vector<1x16xf32>,
        %get3A_356 = vector.shape_cast %get3A_355 : vector<1x16xf32> to vector<16xf32>
        %add3A_357 = arith.addf %get3A_352, %get3A_356 : vector<16xf32>
        %swap3A_358 = arith.index_cast %scan3A_252 : i32 to index
        %swap3A_359 = arith.constant 112 : index
        %swap3A_360 = tpu.vector_load %arg11[%swap3A_358, %swap3A_359] {strides = array<i32>} : memref<80x128xf32, #tpu.memory_space<vmem>>, vector<1x16xf32>,
        %swap3A_361 = vector.shape_cast %swap3A_360 : vector<1x16xf32> to vector<16xf32>
        %swap3A_362 = vector.shape_cast %add3A_357 : vector<16xf32> to vector<1x16xf32>
        tpu.vector_store %arg11[%swap3A_358, %swap3A_359], %swap3A_362 {strides = array<i32>} : memref<80x128xf32, #tpu.memory_space<vmem>>, vector<1x16xf32>,
      }
      %scan3A_190 = arith.constant 80 : i32
      %mul3A_191 = arith.constant 80 : i32
      %mul3A_192 = arith.muli %add3A_150, %mul3A_191 : i32
      %add3A_193 = arith.addi %mul3A_2, %mul3A_192 : i32
      %dma_start3A_194 = arith.constant 0 : i32
      %dma_start3A_195 = tpu.memref_slice %arg6[%add3A_193, %dma_start3A_194] : memref<320000x128xf32, #tpu.memory_space<hbm>> -> memref<80x128xf32, #tpu.memory_space<hbm>>
      %dma_start3A_196 = arith.constant 0 : i32
      %dma_start3A_197 = tpu.memref_slice %arg6[%add3A_193, %dma_start3A_196] : memref<320000x128xf32, #tpu.memory_space<hbm>> -> memref<80x128xf32, #tpu.memory_space<hbm>>
      tpu.enqueue_dma source(%arg11 : memref<80x128xf32, #tpu.memory_space<vmem>>) target(%dma_start3A_197 : memref<80x128xf32, #tpu.memory_space<hbm>>) target_semaphore(%arg18 : memref<!tpu.dma_semaphore, #tpu.memory_space<semaphore_mem>>)
      %mul3A_198 = arith.constant 2 : i32
      %mul3A_199 = arith.muli %mul3A_198, %scan3A_144 : i32
      %add3A_200 = arith.constant 1 : i32
      %add3A_201 = arith.addi %add3A_200, %mul3A_199 : i32
      %add3A_202 = arith.constant 1 : i32
      %add3A_203 = arith.addi %add3A_201, %add3A_202 : i32
      %sub3A_204 = arith.constant 1 : i32
      %sub3A_205 = arith.subi %add3A_203, %sub3A_204 : i32
      %mul3A_206 = arith.constant 80 : i32
      %mul3A_207 = arith.muli %sub3A_205, %mul3A_206 : i32
      %add3A_208 = arith.addi %mul3A_2, %mul3A_207 : i32
      %dma_wait3A_209 = arith.constant 0 : i32
      %dma_wait3A_210 = tpu.memref_slice %arg6[%add3A_208, %dma_wait3A_209] : memref<320000x128xf32, #tpu.memory_space<hbm>> -> memref<80x128xf32, #tpu.memory_space<hbm>>
      %dma_wait3A_211 = arith.constant 0 : i32
      %dma_wait3A_212 = tpu.memref_slice %arg6[%add3A_208, %dma_wait3A_211] : memref<320000x128xf32, #tpu.memory_space<hbm>> -> memref<80x128xf32, #tpu.memory_space<hbm>>
      tpu.wait_dma2 semaphore(%arg18 : memref<!tpu.dma_semaphore, #tpu.memory_space<semaphore_mem>>) src(%arg11 : memref<80x128xf32, #tpu.memory_space<vmem>>) dst(%dma_wait3A_212 : memref<80x128xf32, #tpu.memory_space<hbm>>)
      %add3A_213 = arith.constant 1 : i32
      %add3A_214 = arith.addi %add3A_203, %add3A_213 : i32
      %dma_start3A_215 = arith.constant 0 : i32
      %dma_start3A_216 = tpu.memref_slice %arg7[%add3A_214, %dma_start3A_215] : memref<125x80xi32, #tpu.memory_space<vmem>> -> memref<1x80xi32, #tpu.memory_space<vmem>>
      %dma_start3A_217 = tpu.memref_squeeze %dma_start3A_216 : memref<1x80xi32, #tpu.memory_space<vmem>> -> memref<80xi32, #tpu.memory_space<vmem>>
      %dma_start3A_218 = arith.constant 0 : i32
      %dma_start3A_219 = arith.constant 0 : i32
      %dma_start3A_220 = tpu.memref_slice %arg2[%dma_start3A_218, %dma_start3A_219] : memref<10000x128xf32, #tpu.memory_space<hbm>> -> memref<10000x128xf32, #tpu.memory_space<hbm>>
      tpu.enqueue_indirect_dma source(%dma_start3A_220 : memref<10000x128xf32, #tpu.memory_space<hbm>>) target(%arg11 : memref<80x128xf32, #tpu.memory_space<vmem>>) offsets(%dma_start3A_217 : memref<80xi32, #tpu.memory_space<vmem>>) semaphore(%arg15 : memref<!tpu.dma_semaphore, #tpu.memory_space<semaphore_mem>>)
      %dma_start3A_221 = arith.constant 0 : i32
      %dma_start3A_222 = tpu.memref_slice %arg8[%add3A_214, %dma_start3A_221] : memref<125x80xi32, #tpu.memory_space<vmem>> -> memref<1x80xi32, #tpu.memory_space<vmem>>
      %dma_start3A_223 = tpu.memref_squeeze %dma_start3A_222 : memref<1x80xi32, #tpu.memory_space<vmem>> -> memref<80xi32, #tpu.memory_space<vmem>>
      %dma_start3A_224 = arith.constant 0 : i32
      %dma_start3A_225 = arith.constant 0 : i32
      %dma_start3A_226 = tpu.memref_slice %arg3[%dma_start3A_224, %dma_start3A_225] : memref<10000x128xf32, #tpu.memory_space<hbm>> -> memref<10000x128xf32, #tpu.memory_space<hbm>>
      tpu.enqueue_indirect_dma source(%dma_start3A_226 : memref<10000x128xf32, #tpu.memory_space<hbm>>) target(%arg12 : memref<80x128xf32, #tpu.memory_space<vmem>>) offsets(%dma_start3A_223 : memref<80xi32, #tpu.memory_space<vmem>>) semaphore(%arg16 : memref<!tpu.dma_semaphore, #tpu.memory_space<semaphore_mem>>)
      %dma_wait3A_227 = arith.constant 0 : i32
      %dma_wait3A_228 = tpu.memref_slice %arg7[%add3A_203, %dma_wait3A_227] : memref<125x80xi32, #tpu.memory_space<vmem>> -> memref<1x80xi32, #tpu.memory_space<vmem>>
      %dma_wait3A_229 = tpu.memref_squeeze %dma_wait3A_228 : memref<1x80xi32, #tpu.memory_space<vmem>> -> memref<80xi32, #tpu.memory_space<vmem>>
      %dma_wait3A_230 = arith.constant 0 : i32
      %dma_wait3A_231 = arith.constant 0 : i32
      %dma_wait3A_232 = tpu.memref_slice %arg2[%dma_wait3A_230, %dma_wait3A_231] : memref<10000x128xf32, #tpu.memory_space<hbm>> -> memref<10000x128xf32, #tpu.memory_space<hbm>>
      tpu.wait_indirect_dma semaphore(%arg13 : memref<!tpu.dma_semaphore, #tpu.memory_space<semaphore_mem>>) src(%dma_wait3A_232 : memref<10000x128xf32, #tpu.memory_space<hbm>>) dst(%arg9 : memref<80x128xf32, #tpu.memory_space<vmem>>)
      %dma_wait3A_233 = arith.constant 0 : i32
      %dma_wait3A_234 = tpu.memref_slice %arg8[%add3A_203, %dma_wait3A_233] : memref<125x80xi32, #tpu.memory_space<vmem>> -> memref<1x80xi32, #tpu.memory_space<vmem>>
      %dma_wait3A_235 = tpu.memref_squeeze %dma_wait3A_234 : memref<1x80xi32, #tpu.memory_space<vmem>> -> memref<80xi32, #tpu.memory_space<vmem>>
      %dma_wait3A_236 = arith.constant 0 : i32
      %dma_wait3A_237 = arith.constant 0 : i32
      %dma_wait3A_238 = tpu.memref_slice %arg3[%dma_wait3A_236, %dma_wait3A_237] : memref<10000x128xf32, #tpu.memory_space<hbm>> -> memref<10000x128xf32, #tpu.memory_space<hbm>>
      tpu.wait_indirect_dma semaphore(%arg14 : memref<!tpu.dma_semaphore, #tpu.memory_space<semaphore_mem>>) src(%dma_wait3A_238 : memref<10000x128xf32, #tpu.memory_space<hbm>>) dst(%arg10 : memref<80x128xf32, #tpu.memory_space<vmem>>)
      %scan3A_239 = arith.constant 0 : i32
      %scan3A_240 = arith.constant 0 : i32
      %scan3A_241 = arith.constant 80 : i32
      %scan3A_242 = arith.addi %scan3A_240, %scan3A_241 : i32
      %scan3A_243 = arith.constant 1 : i32
      scf.for %scan3A_252 = %scan3A_240 to %scan3A_242 step %scan3A_243  : i32 {
        %get3A = arith.index_cast %scan3A_252 : i32 to index
        %get3A_253 = arith.constant 0 : index
        %get3A_254 = tpu.vector_load %arg9[%get3A, %get3A_253] {strides = array<i32>} : memref<80x128xf32, #tpu.memory_space<vmem>>, vector<1x16xf32>,
        %get3A_255 = vector.shape_cast %get3A_254 : vector<1x16xf32> to vector<16xf32>
        %get3A_256 = arith.index_cast %scan3A_252 : i32 to index
        %get3A_257 = arith.constant 0 : index
        %get3A_258 = tpu.vector_load %arg10[%get3A_256, %get3A_257] {strides = array<i32>} : memref<80x128xf32, #tpu.memory_space<vmem>>, vector<1x16xf32>,
        %get3A_259 = vector.shape_cast %get3A_258 : vector<1x16xf32> to vector<16xf32>
        %add3A_260 = arith.addf %get3A_255, %get3A_259 : vector<16xf32>
        %swap3A = arith.index_cast %scan3A_252 : i32 to index
        %swap3A_261 = arith.constant 0 : index
        %swap3A_262 = tpu.vector_load %arg9[%swap3A, %swap3A_261] {strides = array<i32>} : memref<80x128xf32, #tpu.memory_space<vmem>>, vector<1x16xf32>,
        %swap3A_263 = vector.shape_cast %swap3A_262 : vector<1x16xf32> to vector<16xf32>
        %swap3A_264 = vector.shape_cast %add3A_260 : vector<16xf32> to vector<1x16xf32>
        tpu.vector_store %arg9[%swap3A, %swap3A_261], %swap3A_264 {strides = array<i32>} : memref<80x128xf32, #tpu.memory_space<vmem>>, vector<1x16xf32>,
        %get3A_265 = arith.index_cast %scan3A_252 : i32 to index
        %get3A_266 = arith.constant 16 : index
        %get3A_267 = tpu.vector_load %arg9[%get3A_265, %get3A_266] {strides = array<i32>} : memref<80x128xf32, #tpu.memory_space<vmem>>, vector<1x16xf32>,
        %get3A_268 = vector.shape_cast %get3A_267 : vector<1x16xf32> to vector<16xf32>
        %get3A_269 = arith.index_cast %scan3A_252 : i32 to index
        %get3A_270 = arith.constant 16 : index
        %get3A_271 = tpu.vector_load %arg10[%get3A_269, %get3A_270] {strides = array<i32>} : memref<80x128xf32, #tpu.memory_space<vmem>>, vector<1x16xf32>,
        %get3A_272 = vector.shape_cast %get3A_271 : vector<1x16xf32> to vector<16xf32>
        %add3A_273 = arith.addf %get3A_268, %get3A_272 : vector<16xf32>
        %swap3A_274 = arith.index_cast %scan3A_252 : i32 to index
        %swap3A_275 = arith.constant 16 : index
        %swap3A_276 = tpu.vector_load %arg9[%swap3A_274, %swap3A_275] {strides = array<i32>} : memref<80x128xf32, #tpu.memory_space<vmem>>, vector<1x16xf32>,
        %swap3A_277 = vector.shape_cast %swap3A_276 : vector<1x16xf32> to vector<16xf32>
        %swap3A_278 = vector.shape_cast %add3A_273 : vector<16xf32> to vector<1x16xf32>
        tpu.vector_store %arg9[%swap3A_274, %swap3A_275], %swap3A_278 {strides = array<i32>} : memref<80x128xf32, #tpu.memory_space<vmem>>, vector<1x16xf32>,
        %get3A_279 = arith.index_cast %scan3A_252 : i32 to index
        %get3A_280 = arith.constant 32 : index
        %get3A_281 = tpu.vector_load %arg9[%get3A_279, %get3A_280] {strides = array<i32>} : memref<80x128xf32, #tpu.memory_space<vmem>>, vector<1x16xf32>,
        %get3A_282 = vector.shape_cast %get3A_281 : vector<1x16xf32> to vector<16xf32>
        %get3A_283 = arith.index_cast %scan3A_252 : i32 to index
        %get3A_284 = arith.constant 32 : index
        %get3A_285 = tpu.vector_load %arg10[%get3A_283, %get3A_284] {strides = array<i32>} : memref<80x128xf32, #tpu.memory_space<vmem>>, vector<1x16xf32>,
        %get3A_286 = vector.shape_cast %get3A_285 : vector<1x16xf32> to vector<16xf32>
        %add3A_287 = arith.addf %get3A_282, %get3A_286 : vector<16xf32>
        %swap3A_288 = arith.index_cast %scan3A_252 : i32 to index
        %swap3A_289 = arith.constant 32 : index
        %swap3A_290 = tpu.vector_load %arg9[%swap3A_288, %swap3A_289] {strides = array<i32>} : memref<80x128xf32, #tpu.memory_space<vmem>>, vector<1x16xf32>,
        %swap3A_291 = vector.shape_cast %swap3A_290 : vector<1x16xf32> to vector<16xf32>
        %swap3A_292 = vector.shape_cast %add3A_287 : vector<16xf32> to vector<1x16xf32>
        tpu.vector_store %arg9[%swap3A_288, %swap3A_289], %swap3A_292 {strides = array<i32>} : memref<80x128xf32, #tpu.memory_space<vmem>>, vector<1x16xf32>,
        %get3A_293 = arith.index_cast %scan3A_252 : i32 to index
        %get3A_294 = arith.constant 48 : index
        %get3A_295 = tpu.vector_load %arg9[%get3A_293, %get3A_294] {strides = array<i32>} : memref<80x128xf32, #tpu.memory_space<vmem>>, vector<1x16xf32>,
        %get3A_296 = vector.shape_cast %get3A_295 : vector<1x16xf32> to vector<16xf32>
        %get3A_297 = arith.index_cast %scan3A_252 : i32 to index
        %get3A_298 = arith.constant 48 : index
        %get3A_299 = tpu.vector_load %arg10[%get3A_297, %get3A_298] {strides = array<i32>} : memref<80x128xf32, #tpu.memory_space<vmem>>, vector<1x16xf32>,
        %get3A_300 = vector.shape_cast %get3A_299 : vector<1x16xf32> to vector<16xf32>
        %add3A_301 = arith.addf %get3A_296, %get3A_300 : vector<16xf32>
        %swap3A_302 = arith.index_cast %scan3A_252 : i32 to index
        %swap3A_303 = arith.constant 48 : index
        %swap3A_304 = tpu.vector_load %arg9[%swap3A_302, %swap3A_303] {strides = array<i32>} : memref<80x128xf32, #tpu.memory_space<vmem>>, vector<1x16xf32>,
        %swap3A_305 = vector.shape_cast %swap3A_304 : vector<1x16xf32> to vector<16xf32>
        %swap3A_306 = vector.shape_cast %add3A_301 : vector<16xf32> to vector<1x16xf32>
        tpu.vector_store %arg9[%swap3A_302, %swap3A_303], %swap3A_306 {strides = array<i32>} : memref<80x128xf32, #tpu.memory_space<vmem>>, vector<1x16xf32>,
        %get3A_307 = arith.index_cast %scan3A_252 : i32 to index
        %get3A_308 = arith.constant 64 : index
        %get3A_309 = tpu.vector_load %arg9[%get3A_307, %get3A_308] {strides = array<i32>} : memref<80x128xf32, #tpu.memory_space<vmem>>, vector<1x16xf32>,
        %get3A_310 = vector.shape_cast %get3A_309 : vector<1x16xf32> to vector<16xf32>
        %get3A_311 = arith.index_cast %scan3A_252 : i32 to index
        %get3A_312 = arith.constant 64 : index
        %get3A_313 = tpu.vector_load %arg10[%get3A_311, %get3A_312] {strides = array<i32>} : memref<80x128xf32, #tpu.memory_space<vmem>>, vector<1x16xf32>,
        %get3A_314 = vector.shape_cast %get3A_313 : vector<1x16xf32> to vector<16xf32>
        %add3A_315 = arith.addf %get3A_310, %get3A_314 : vector<16xf32>
        %swap3A_316 = arith.index_cast %scan3A_252 : i32 to index
        %swap3A_317 = arith.constant 64 : index
        %swap3A_318 = tpu.vector_load %arg9[%swap3A_316, %swap3A_317] {strides = array<i32>} : memref<80x128xf32, #tpu.memory_space<vmem>>, vector<1x16xf32>,
        %swap3A_319 = vector.shape_cast %swap3A_318 : vector<1x16xf32> to vector<16xf32>
        %swap3A_320 = vector.shape_cast %add3A_315 : vector<16xf32> to vector<1x16xf32>
        tpu.vector_store %arg9[%swap3A_316, %swap3A_317], %swap3A_320 {strides = array<i32>} : memref<80x128xf32, #tpu.memory_space<vmem>>, vector<1x16xf32>,
        %get3A_321 = arith.index_cast %scan3A_252 : i32 to index
        %get3A_322 = arith.constant 80 : index
        %get3A_323 = tpu.vector_load %arg9[%get3A_321, %get3A_322] {strides = array<i32>} : memref<80x128xf32, #tpu.memory_space<vmem>>, vector<1x16xf32>,
        %get3A_324 = vector.shape_cast %get3A_323 : vector<1x16xf32> to vector<16xf32>
        %get3A_325 = arith.index_cast %scan3A_252 : i32 to index
        %get3A_326 = arith.constant 80 : index
        %get3A_327 = tpu.vector_load %arg10[%get3A_325, %get3A_326] {strides = array<i32>} : memref<80x128xf32, #tpu.memory_space<vmem>>, vector<1x16xf32>,
        %get3A_328 = vector.shape_cast %get3A_327 : vector<1x16xf32> to vector<16xf32>
        %add3A_329 = arith.addf %get3A_324, %get3A_328 : vector<16xf32>
        %swap3A_330 = arith.index_cast %scan3A_252 : i32 to index
        %swap3A_331 = arith.constant 80 : index
        %swap3A_332 = tpu.vector_load %arg9[%swap3A_330, %swap3A_331] {strides = array<i32>} : memref<80x128xf32, #tpu.memory_space<vmem>>, vector<1x16xf32>,
        %swap3A_333 = vector.shape_cast %swap3A_332 : vector<1x16xf32> to vector<16xf32>
        %swap3A_334 = vector.shape_cast %add3A_329 : vector<16xf32> to vector<1x16xf32>
        tpu.vector_store %arg9[%swap3A_330, %swap3A_331], %swap3A_334 {strides = array<i32>} : memref<80x128xf32, #tpu.memory_space<vmem>>, vector<1x16xf32>,
        %get3A_335 = arith.index_cast %scan3A_252 : i32 to index
        %get3A_336 = arith.constant 96 : index
        %get3A_337 = tpu.vector_load %arg9[%get3A_335, %get3A_336] {strides = array<i32>} : memref<80x128xf32, #tpu.memory_space<vmem>>, vector<1x16xf32>,
        %get3A_338 = vector.shape_cast %get3A_337 : vector<1x16xf32> to vector<16xf32>
        %get3A_339 = arith.index_cast %scan3A_252 : i32 to index
        %get3A_340 = arith.constant 96 : index
        %get3A_341 = tpu.vector_load %arg10[%get3A_339, %get3A_340] {strides = array<i32>} : memref<80x128xf32, #tpu.memory_space<vmem>>, vector<1x16xf32>,
        %get3A_342 = vector.shape_cast %get3A_341 : vector<1x16xf32> to vector<16xf32>
        %add3A_343 = arith.addf %get3A_338, %get3A_342 : vector<16xf32>
        %swap3A_344 = arith.index_cast %scan3A_252 : i32 to index
        %swap3A_345 = arith.constant 96 : index
        %swap3A_346 = tpu.vector_load %arg9[%swap3A_344, %swap3A_345] {strides = array<i32>} : memref<80x128xf32, #tpu.memory_space<vmem>>, vector<1x16xf32>,
        %swap3A_347 = vector.shape_cast %swap3A_346 : vector<1x16xf32> to vector<16xf32>
        %swap3A_348 = vector.shape_cast %add3A_343 : vector<16xf32> to vector<1x16xf32>
        tpu.vector_store %arg9[%swap3A_344, %swap3A_345], %swap3A_348 {strides = array<i32>} : memref<80x128xf32, #tpu.memory_space<vmem>>, vector<1x16xf32>,
        %get3A_349 = arith.index_cast %scan3A_252 : i32 to index
        %get3A_350 = arith.constant 112 : index
        %get3A_351 = tpu.vector_load %arg9[%get3A_349, %get3A_350] {strides = array<i32>} : memref<80x128xf32, #tpu.memory_space<vmem>>, vector<1x16xf32>,
        %get3A_352 = vector.shape_cast %get3A_351 : vector<1x16xf32> to vector<16xf32>
        %get3A_353 = arith.index_cast %scan3A_252 : i32 to index
        %get3A_354 = arith.constant 112 : index
        %get3A_355 = tpu.vector_load %arg10[%get3A_353, %get3A_354] {strides = array<i32>} : memref<80x128xf32, #tpu.memory_space<vmem>>, vector<1x16xf32>,
        %get3A_356 = vector.shape_cast %get3A_355 : vector<1x16xf32> to vector<16xf32>
        %add3A_357 = arith.addf %get3A_352, %get3A_356 : vector<16xf32>
        %swap3A_358 = arith.index_cast %scan3A_252 : i32 to index
        %swap3A_359 = arith.constant 112 : index
        %swap3A_360 = tpu.vector_load %arg9[%swap3A_358, %swap3A_359] {strides = array<i32>} : memref<80x128xf32, #tpu.memory_space<vmem>>, vector<1x16xf32>,
        %swap3A_361 = vector.shape_cast %swap3A_360 : vector<1x16xf32> to vector<16xf32>
        %swap3A_362 = vector.shape_cast %add3A_357 : vector<16xf32> to vector<1x16xf32>
        tpu.vector_store %arg9[%swap3A_358, %swap3A_359], %swap3A_362 {strides = array<i32>} : memref<80x128xf32, #tpu.memory_space<vmem>>, vector<1x16xf32>,
      }
      %scan3A_244 = arith.constant 80 : i32
      %mul3A_245 = arith.constant 80 : i32
      %mul3A_246 = arith.muli %add3A_203, %mul3A_245 : i32
      %add3A_247 = arith.addi %mul3A_2, %mul3A_246 : i32
      %dma_start3A_248 = arith.constant 0 : i32
      %dma_start3A_249 = tpu.memref_slice %arg6[%add3A_247, %dma_start3A_248] : memref<320000x128xf32, #tpu.memory_space<hbm>> -> memref<80x128xf32, #tpu.memory_space<hbm>>
      %dma_start3A_250 = arith.constant 0 : i32
      %dma_start3A_251 = tpu.memref_slice %arg6[%add3A_247, %dma_start3A_250] : memref<320000x128xf32, #tpu.memory_space<hbm>> -> memref<80x128xf32, #tpu.memory_space<hbm>>
      tpu.enqueue_dma source(%arg9 : memref<80x128xf32, #tpu.memory_space<vmem>>) target(%dma_start3A_251 : memref<80x128xf32, #tpu.memory_space<hbm>>) target_semaphore(%arg17 : memref<!tpu.dma_semaphore, #tpu.memory_space<semaphore_mem>>)
    }
    %scan3A_59 = arith.constant 61 : i32
    %add3A_60 = arith.constant 9760 : i32
    %add3A_61 = arith.addi %mul3A_2, %add3A_60 : i32
    %dma_wait3A_62 = arith.constant 0 : i32
    %dma_wait3A_63 = tpu.memref_slice %arg6[%add3A_61, %dma_wait3A_62] : memref<320000x128xf32, #tpu.memory_space<hbm>> -> memref<80x128xf32, #tpu.memory_space<hbm>>
    %dma_wait3A_64 = arith.constant 0 : i32
    %dma_wait3A_65 = tpu.memref_slice %arg6[%add3A_61, %dma_wait3A_64] : memref<320000x128xf32, #tpu.memory_space<hbm>> -> memref<80x128xf32, #tpu.memory_space<hbm>>
    tpu.wait_dma2 semaphore(%arg17 : memref<!tpu.dma_semaphore, #tpu.memory_space<semaphore_mem>>) src(%arg9 : memref<80x128xf32, #tpu.memory_space<vmem>>) dst(%dma_wait3A_65 : memref<80x128xf32, #tpu.memory_space<hbm>>)
    %dma_start3A_66 = arith.constant 124 : i32
    %dma_start3A_67 = arith.constant 0 : i32
    %dma_start3A_68 = tpu.memref_slice %arg7[%dma_start3A_66, %dma_start3A_67] : memref<125x80xi32, #tpu.memory_space<vmem>> -> memref<1x80xi32, #tpu.memory_space<vmem>>
    %dma_start3A_69 = tpu.memref_squeeze %dma_start3A_68 : memref<1x80xi32, #tpu.memory_space<vmem>> -> memref<80xi32, #tpu.memory_space<vmem>>
    %dma_start3A_70 = arith.constant 0 : i32
    %dma_start3A_71 = arith.constant 0 : i32
    %dma_start3A_72 = tpu.memref_slice %arg2[%dma_start3A_70, %dma_start3A_71] : memref<10000x128xf32, #tpu.memory_space<hbm>> -> memref<10000x128xf32, #tpu.memory_space<hbm>>
    tpu.enqueue_indirect_dma source(%dma_start3A_72 : memref<10000x128xf32, #tpu.memory_space<hbm>>) target(%arg9 : memref<80x128xf32, #tpu.memory_space<vmem>>) offsets(%dma_start3A_69 : memref<80xi32, #tpu.memory_space<vmem>>) semaphore(%arg13 : memref<!tpu.dma_semaphore, #tpu.memory_space<semaphore_mem>>)
    %dma_start3A_73 = arith.constant 124 : i32
    %dma_start3A_74 = arith.constant 0 : i32
    %dma_start3A_75 = tpu.memref_slice %arg8[%dma_start3A_73, %dma_start3A_74] : memref<125x80xi32, #tpu.memory_space<vmem>> -> memref<1x80xi32, #tpu.memory_space<vmem>>
    %dma_start3A_76 = tpu.memref_squeeze %dma_start3A_75 : memref<1x80xi32, #tpu.memory_space<vmem>> -> memref<80xi32, #tpu.memory_space<vmem>>
    %dma_start3A_77 = arith.constant 0 : i32
    %dma_start3A_78 = arith.constant 0 : i32
    %dma_start3A_79 = tpu.memref_slice %arg3[%dma_start3A_77, %dma_start3A_78] : memref<10000x128xf32, #tpu.memory_space<hbm>> -> memref<10000x128xf32, #tpu.memory_space<hbm>>
    tpu.enqueue_indirect_dma source(%dma_start3A_79 : memref<10000x128xf32, #tpu.memory_space<hbm>>) target(%arg10 : memref<80x128xf32, #tpu.memory_space<vmem>>) offsets(%dma_start3A_76 : memref<80xi32, #tpu.memory_space<vmem>>) semaphore(%arg14 : memref<!tpu.dma_semaphore, #tpu.memory_space<semaphore_mem>>)
    %dma_wait3A_80 = arith.constant 123 : i32
    %dma_wait3A_81 = arith.constant 0 : i32
    %dma_wait3A_82 = tpu.memref_slice %arg7[%dma_wait3A_80, %dma_wait3A_81] : memref<125x80xi32, #tpu.memory_space<vmem>> -> memref<1x80xi32, #tpu.memory_space<vmem>>
    %dma_wait3A_83 = tpu.memref_squeeze %dma_wait3A_82 : memref<1x80xi32, #tpu.memory_space<vmem>> -> memref<80xi32, #tpu.memory_space<vmem>>
    %dma_wait3A_84 = arith.constant 0 : i32
    %dma_wait3A_85 = arith.constant 0 : i32
    %dma_wait3A_86 = tpu.memref_slice %arg2[%dma_wait3A_84, %dma_wait3A_85] : memref<10000x128xf32, #tpu.memory_space<hbm>> -> memref<10000x128xf32, #tpu.memory_space<hbm>>
    tpu.wait_indirect_dma semaphore(%arg15 : memref<!tpu.dma_semaphore, #tpu.memory_space<semaphore_mem>>) src(%dma_wait3A_86 : memref<10000x128xf32, #tpu.memory_space<hbm>>) dst(%arg11 : memref<80x128xf32, #tpu.memory_space<vmem>>)
    %dma_wait3A_87 = arith.constant 123 : i32
    %dma_wait3A_88 = arith.constant 0 : i32
    %dma_wait3A_89 = tpu.memref_slice %arg8[%dma_wait3A_87, %dma_wait3A_88] : memref<125x80xi32, #tpu.memory_space<vmem>> -> memref<1x80xi32, #tpu.memory_space<vmem>>
    %dma_wait3A_90 = tpu.memref_squeeze %dma_wait3A_89 : memref<1x80xi32, #tpu.memory_space<vmem>> -> memref<80xi32, #tpu.memory_space<vmem>>
    %dma_wait3A_91 = arith.constant 0 : i32
    %dma_wait3A_92 = arith.constant 0 : i32
    %dma_wait3A_93 = tpu.memref_slice %arg3[%dma_wait3A_91, %dma_wait3A_92] : memref<10000x128xf32, #tpu.memory_space<hbm>> -> memref<10000x128xf32, #tpu.memory_space<hbm>>
    tpu.wait_indirect_dma semaphore(%arg16 : memref<!tpu.dma_semaphore, #tpu.memory_space<semaphore_mem>>) src(%dma_wait3A_93 : memref<10000x128xf32, #tpu.memory_space<hbm>>) dst(%arg12 : memref<80x128xf32, #tpu.memory_space<vmem>>)
    %scan3A_94 = arith.constant 0 : i32
    %scan3A_95 = arith.constant 0 : i32
    %scan3A_96 = arith.constant 80 : i32
    %scan3A_97 = arith.addi %scan3A_95, %scan3A_96 : i32
    %scan3A_98 = arith.constant 1 : i32
    scf.for %scan3A_144 = %scan3A_95 to %scan3A_97 step %scan3A_98  : i32 {
      %get3A = arith.index_cast %scan3A_144 : i32 to index
      %get3A_145 = arith.constant 0 : index
      %get3A_146 = tpu.vector_load %arg11[%get3A, %get3A_145] {strides = array<i32>} : memref<80x128xf32, #tpu.memory_space<vmem>>, vector<1x16xf32>,
      %get3A_147 = vector.shape_cast %get3A_146 : vector<1x16xf32> to vector<16xf32>
      %get3A_148 = arith.index_cast %scan3A_144 : i32 to index
      %get3A_149 = arith.constant 0 : index
      %get3A_150 = tpu.vector_load %arg12[%get3A_148, %get3A_149] {strides = array<i32>} : memref<80x128xf32, #tpu.memory_space<vmem>>, vector<1x16xf32>,
      %get3A_151 = vector.shape_cast %get3A_150 : vector<1x16xf32> to vector<16xf32>
      %add3A_152 = arith.addf %get3A_147, %get3A_151 : vector<16xf32>
      %swap3A = arith.index_cast %scan3A_144 : i32 to index
      %swap3A_153 = arith.constant 0 : index
      %swap3A_154 = tpu.vector_load %arg11[%swap3A, %swap3A_153] {strides = array<i32>} : memref<80x128xf32, #tpu.memory_space<vmem>>, vector<1x16xf32>,
      %swap3A_155 = vector.shape_cast %swap3A_154 : vector<1x16xf32> to vector<16xf32>
      %swap3A_156 = vector.shape_cast %add3A_152 : vector<16xf32> to vector<1x16xf32>
      tpu.vector_store %arg11[%swap3A, %swap3A_153], %swap3A_156 {strides = array<i32>} : memref<80x128xf32, #tpu.memory_space<vmem>>, vector<1x16xf32>,
      %get3A_157 = arith.index_cast %scan3A_144 : i32 to index
      %get3A_158 = arith.constant 16 : index
      %get3A_159 = tpu.vector_load %arg11[%get3A_157, %get3A_158] {strides = array<i32>} : memref<80x128xf32, #tpu.memory_space<vmem>>, vector<1x16xf32>,
      %get3A_160 = vector.shape_cast %get3A_159 : vector<1x16xf32> to vector<16xf32>
      %get3A_161 = arith.index_cast %scan3A_144 : i32 to index
      %get3A_162 = arith.constant 16 : index
      %get3A_163 = tpu.vector_load %arg12[%get3A_161, %get3A_162] {strides = array<i32>} : memref<80x128xf32, #tpu.memory_space<vmem>>, vector<1x16xf32>,
      %get3A_164 = vector.shape_cast %get3A_163 : vector<1x16xf32> to vector<16xf32>
      %add3A_165 = arith.addf %get3A_160, %get3A_164 : vector<16xf32>
      %swap3A_166 = arith.index_cast %scan3A_144 : i32 to index
      %swap3A_167 = arith.constant 16 : index
      %swap3A_168 = tpu.vector_load %arg11[%swap3A_166, %swap3A_167] {strides = array<i32>} : memref<80x128xf32, #tpu.memory_space<vmem>>, vector<1x16xf32>,
      %swap3A_169 = vector.shape_cast %swap3A_168 : vector<1x16xf32> to vector<16xf32>
      %swap3A_170 = vector.shape_cast %add3A_165 : vector<16xf32> to vector<1x16xf32>
      tpu.vector_store %arg11[%swap3A_166, %swap3A_167], %swap3A_170 {strides = array<i32>} : memref<80x128xf32, #tpu.memory_space<vmem>>, vector<1x16xf32>,
      %get3A_171 = arith.index_cast %scan3A_144 : i32 to index
      %get3A_172 = arith.constant 32 : index
      %get3A_173 = tpu.vector_load %arg11[%get3A_171, %get3A_172] {strides = array<i32>} : memref<80x128xf32, #tpu.memory_space<vmem>>, vector<1x16xf32>,
      %get3A_174 = vector.shape_cast %get3A_173 : vector<1x16xf32> to vector<16xf32>
      %get3A_175 = arith.index_cast %scan3A_144 : i32 to index
      %get3A_176 = arith.constant 32 : index
      %get3A_177 = tpu.vector_load %arg12[%get3A_175, %get3A_176] {strides = array<i32>} : memref<80x128xf32, #tpu.memory_space<vmem>>, vector<1x16xf32>,
      %get3A_178 = vector.shape_cast %get3A_177 : vector<1x16xf32> to vector<16xf32>
      %add3A_179 = arith.addf %get3A_174, %get3A_178 : vector<16xf32>
      %swap3A_180 = arith.index_cast %scan3A_144 : i32 to index
      %swap3A_181 = arith.constant 32 : index
      %swap3A_182 = tpu.vector_load %arg11[%swap3A_180, %swap3A_181] {strides = array<i32>} : memref<80x128xf32, #tpu.memory_space<vmem>>, vector<1x16xf32>,
      %swap3A_183 = vector.shape_cast %swap3A_182 : vector<1x16xf32> to vector<16xf32>
      %swap3A_184 = vector.shape_cast %add3A_179 : vector<16xf32> to vector<1x16xf32>
      tpu.vector_store %arg11[%swap3A_180, %swap3A_181], %swap3A_184 {strides = array<i32>} : memref<80x128xf32, #tpu.memory_space<vmem>>, vector<1x16xf32>,
      %get3A_185 = arith.index_cast %scan3A_144 : i32 to index
      %get3A_186 = arith.constant 48 : index
      %get3A_187 = tpu.vector_load %arg11[%get3A_185, %get3A_186] {strides = array<i32>} : memref<80x128xf32, #tpu.memory_space<vmem>>, vector<1x16xf32>,
      %get3A_188 = vector.shape_cast %get3A_187 : vector<1x16xf32> to vector<16xf32>
      %get3A_189 = arith.index_cast %scan3A_144 : i32 to index
      %get3A_190 = arith.constant 48 : index
      %get3A_191 = tpu.vector_load %arg12[%get3A_189, %get3A_190] {strides = array<i32>} : memref<80x128xf32, #tpu.memory_space<vmem>>, vector<1x16xf32>,
      %get3A_192 = vector.shape_cast %get3A_191 : vector<1x16xf32> to vector<16xf32>
      %add3A_193 = arith.addf %get3A_188, %get3A_192 : vector<16xf32>
      %swap3A_194 = arith.index_cast %scan3A_144 : i32 to index
      %swap3A_195 = arith.constant 48 : index
      %swap3A_196 = tpu.vector_load %arg11[%swap3A_194, %swap3A_195] {strides = array<i32>} : memref<80x128xf32, #tpu.memory_space<vmem>>, vector<1x16xf32>,
      %swap3A_197 = vector.shape_cast %swap3A_196 : vector<1x16xf32> to vector<16xf32>
      %swap3A_198 = vector.shape_cast %add3A_193 : vector<16xf32> to vector<1x16xf32>
      tpu.vector_store %arg11[%swap3A_194, %swap3A_195], %swap3A_198 {strides = array<i32>} : memref<80x128xf32, #tpu.memory_space<vmem>>, vector<1x16xf32>,
      %get3A_199 = arith.index_cast %scan3A_144 : i32 to index
      %get3A_200 = arith.constant 64 : index
      %get3A_201 = tpu.vector_load %arg11[%get3A_199, %get3A_200] {strides = array<i32>} : memref<80x128xf32, #tpu.memory_space<vmem>>, vector<1x16xf32>,
      %get3A_202 = vector.shape_cast %get3A_201 : vector<1x16xf32> to vector<16xf32>
      %get3A_203 = arith.index_cast %scan3A_144 : i32 to index
      %get3A_204 = arith.constant 64 : index
      %get3A_205 = tpu.vector_load %arg12[%get3A_203, %get3A_204] {strides = array<i32>} : memref<80x128xf32, #tpu.memory_space<vmem>>, vector<1x16xf32>,
      %get3A_206 = vector.shape_cast %get3A_205 : vector<1x16xf32> to vector<16xf32>
      %add3A_207 = arith.addf %get3A_202, %get3A_206 : vector<16xf32>
      %swap3A_208 = arith.index_cast %scan3A_144 : i32 to index
      %swap3A_209 = arith.constant 64 : index
      %swap3A_210 = tpu.vector_load %arg11[%swap3A_208, %swap3A_209] {strides = array<i32>} : memref<80x128xf32, #tpu.memory_space<vmem>>, vector<1x16xf32>,
      %swap3A_211 = vector.shape_cast %swap3A_210 : vector<1x16xf32> to vector<16xf32>
      %swap3A_212 = vector.shape_cast %add3A_207 : vector<16xf32> to vector<1x16xf32>
      tpu.vector_store %arg11[%swap3A_208, %swap3A_209], %swap3A_212 {strides = array<i32>} : memref<80x128xf32, #tpu.memory_space<vmem>>, vector<1x16xf32>,
      %get3A_213 = arith.index_cast %scan3A_144 : i32 to index
      %get3A_214 = arith.constant 80 : index
      %get3A_215 = tpu.vector_load %arg11[%get3A_213, %get3A_214] {strides = array<i32>} : memref<80x128xf32, #tpu.memory_space<vmem>>, vector<1x16xf32>,
      %get3A_216 = vector.shape_cast %get3A_215 : vector<1x16xf32> to vector<16xf32>
      %get3A_217 = arith.index_cast %scan3A_144 : i32 to index
      %get3A_218 = arith.constant 80 : index
      %get3A_219 = tpu.vector_load %arg12[%get3A_217, %get3A_218] {strides = array<i32>} : memref<80x128xf32, #tpu.memory_space<vmem>>, vector<1x16xf32>,
      %get3A_220 = vector.shape_cast %get3A_219 : vector<1x16xf32> to vector<16xf32>
      %add3A_221 = arith.addf %get3A_216, %get3A_220 : vector<16xf32>
      %swap3A_222 = arith.index_cast %scan3A_144 : i32 to index
      %swap3A_223 = arith.constant 80 : index
      %swap3A_224 = tpu.vector_load %arg11[%swap3A_222, %swap3A_223] {strides = array<i32>} : memref<80x128xf32, #tpu.memory_space<vmem>>, vector<1x16xf32>,
      %swap3A_225 = vector.shape_cast %swap3A_224 : vector<1x16xf32> to vector<16xf32>
      %swap3A_226 = vector.shape_cast %add3A_221 : vector<16xf32> to vector<1x16xf32>
      tpu.vector_store %arg11[%swap3A_222, %swap3A_223], %swap3A_226 {strides = array<i32>} : memref<80x128xf32, #tpu.memory_space<vmem>>, vector<1x16xf32>,
      %get3A_227 = arith.index_cast %scan3A_144 : i32 to index
      %get3A_228 = arith.constant 96 : index
      %get3A_229 = tpu.vector_load %arg11[%get3A_227, %get3A_228] {strides = array<i32>} : memref<80x128xf32, #tpu.memory_space<vmem>>, vector<1x16xf32>,
      %get3A_230 = vector.shape_cast %get3A_229 : vector<1x16xf32> to vector<16xf32>
      %get3A_231 = arith.index_cast %scan3A_144 : i32 to index
      %get3A_232 = arith.constant 96 : index
      %get3A_233 = tpu.vector_load %arg12[%get3A_231, %get3A_232] {strides = array<i32>} : memref<80x128xf32, #tpu.memory_space<vmem>>, vector<1x16xf32>,
      %get3A_234 = vector.shape_cast %get3A_233 : vector<1x16xf32> to vector<16xf32>
      %add3A_235 = arith.addf %get3A_230, %get3A_234 : vector<16xf32>
      %swap3A_236 = arith.index_cast %scan3A_144 : i32 to index
      %swap3A_237 = arith.constant 96 : index
      %swap3A_238 = tpu.vector_load %arg11[%swap3A_236, %swap3A_237] {strides = array<i32>} : memref<80x128xf32, #tpu.memory_space<vmem>>, vector<1x16xf32>,
      %swap3A_239 = vector.shape_cast %swap3A_238 : vector<1x16xf32> to vector<16xf32>
      %swap3A_240 = vector.shape_cast %add3A_235 : vector<16xf32> to vector<1x16xf32>
      tpu.vector_store %arg11[%swap3A_236, %swap3A_237], %swap3A_240 {strides = array<i32>} : memref<80x128xf32, #tpu.memory_space<vmem>>, vector<1x16xf32>,
      %get3A_241 = arith.index_cast %scan3A_144 : i32 to index
      %get3A_242 = arith.constant 112 : index
      %get3A_243 = tpu.vector_load %arg11[%get3A_241, %get3A_242] {strides = array<i32>} : memref<80x128xf32, #tpu.memory_space<vmem>>, vector<1x16xf32>,
      %get3A_244 = vector.shape_cast %get3A_243 : vector<1x16xf32> to vector<16xf32>
      %get3A_245 = arith.index_cast %scan3A_144 : i32 to index
      %get3A_246 = arith.constant 112 : index
      %get3A_247 = tpu.vector_load %arg12[%get3A_245, %get3A_246] {strides = array<i32>} : memref<80x128xf32, #tpu.memory_space<vmem>>, vector<1x16xf32>,
      %get3A_248 = vector.shape_cast %get3A_247 : vector<1x16xf32> to vector<16xf32>
      %add3A_249 = arith.addf %get3A_244, %get3A_248 : vector<16xf32>
      %swap3A_250 = arith.index_cast %scan3A_144 : i32 to index
      %swap3A_251 = arith.constant 112 : index
      %swap3A_252 = tpu.vector_load %arg11[%swap3A_250, %swap3A_251] {strides = array<i32>} : memref<80x128xf32, #tpu.memory_space<vmem>>, vector<1x16xf32>,
      %swap3A_253 = vector.shape_cast %swap3A_252 : vector<1x16xf32> to vector<16xf32>
      %swap3A_254 = vector.shape_cast %add3A_249 : vector<16xf32> to vector<1x16xf32>
      tpu.vector_store %arg11[%swap3A_250, %swap3A_251], %swap3A_254 {strides = array<i32>} : memref<80x128xf32, #tpu.memory_space<vmem>>, vector<1x16xf32>,
    }
    %scan3A_99 = arith.constant 80 : i32
    %add3A_100 = arith.constant 9840 : i32
    %add3A_101 = arith.addi %mul3A_2, %add3A_100 : i32
    %dma_start3A_102 = arith.constant 0 : i32
    %dma_start3A_103 = tpu.memref_slice %arg6[%add3A_101, %dma_start3A_102] : memref<320000x128xf32, #tpu.memory_space<hbm>> -> memref<80x128xf32, #tpu.memory_space<hbm>>
    %dma_start3A_104 = arith.constant 0 : i32
    %dma_start3A_105 = tpu.memref_slice %arg6[%add3A_101, %dma_start3A_104] : memref<320000x128xf32, #tpu.memory_space<hbm>> -> memref<80x128xf32, #tpu.memory_space<hbm>>
    tpu.enqueue_dma source(%arg11 : memref<80x128xf32, #tpu.memory_space<vmem>>) target(%dma_start3A_105 : memref<80x128xf32, #tpu.memory_space<hbm>>) target_semaphore(%arg18 : memref<!tpu.dma_semaphore, #tpu.memory_space<semaphore_mem>>)
    %dma_wait3A_106 = arith.constant 124 : i32
    %dma_wait3A_107 = arith.constant 0 : i32
    %dma_wait3A_108 = tpu.memref_slice %arg7[%dma_wait3A_106, %dma_wait3A_107] : memref<125x80xi32, #tpu.memory_space<vmem>> -> memref<1x80xi32, #tpu.memory_space<vmem>>
    %dma_wait3A_109 = tpu.memref_squeeze %dma_wait3A_108 : memref<1x80xi32, #tpu.memory_space<vmem>> -> memref<80xi32, #tpu.memory_space<vmem>>
    %dma_wait3A_110 = arith.constant 0 : i32
    %dma_wait3A_111 = arith.constant 0 : i32
    %dma_wait3A_112 = tpu.memref_slice %arg2[%dma_wait3A_110, %dma_wait3A_111] : memref<10000x128xf32, #tpu.memory_space<hbm>> -> memref<10000x128xf32, #tpu.memory_space<hbm>>
    tpu.wait_indirect_dma semaphore(%arg13 : memref<!tpu.dma_semaphore, #tpu.memory_space<semaphore_mem>>) src(%dma_wait3A_112 : memref<10000x128xf32, #tpu.memory_space<hbm>>) dst(%arg9 : memref<80x128xf32, #tpu.memory_space<vmem>>)
    %dma_wait3A_113 = arith.constant 124 : i32
    %dma_wait3A_114 = arith.constant 0 : i32
    %dma_wait3A_115 = tpu.memref_slice %arg8[%dma_wait3A_113, %dma_wait3A_114] : memref<125x80xi32, #tpu.memory_space<vmem>> -> memref<1x80xi32, #tpu.memory_space<vmem>>
    %dma_wait3A_116 = tpu.memref_squeeze %dma_wait3A_115 : memref<1x80xi32, #tpu.memory_space<vmem>> -> memref<80xi32, #tpu.memory_space<vmem>>
    %dma_wait3A_117 = arith.constant 0 : i32
    %dma_wait3A_118 = arith.constant 0 : i32
    %dma_wait3A_119 = tpu.memref_slice %arg3[%dma_wait3A_117, %dma_wait3A_118] : memref<10000x128xf32, #tpu.memory_space<hbm>> -> memref<10000x128xf32, #tpu.memory_space<hbm>>
    tpu.wait_indirect_dma semaphore(%arg14 : memref<!tpu.dma_semaphore, #tpu.memory_space<semaphore_mem>>) src(%dma_wait3A_119 : memref<10000x128xf32, #tpu.memory_space<hbm>>) dst(%arg10 : memref<80x128xf32, #tpu.memory_space<vmem>>)
    %scan3A_120 = arith.constant 0 : i32
    %scan3A_121 = arith.constant 0 : i32
    %scan3A_122 = arith.constant 80 : i32
    %scan3A_123 = arith.addi %scan3A_121, %scan3A_122 : i32
    %scan3A_124 = arith.constant 1 : i32
    scf.for %scan3A_144 = %scan3A_121 to %scan3A_123 step %scan3A_124  : i32 {
      %get3A = arith.index_cast %scan3A_144 : i32 to index
      %get3A_145 = arith.constant 0 : index
      %get3A_146 = tpu.vector_load %arg9[%get3A, %get3A_145] {strides = array<i32>} : memref<80x128xf32, #tpu.memory_space<vmem>>, vector<1x16xf32>,
      %get3A_147 = vector.shape_cast %get3A_146 : vector<1x16xf32> to vector<16xf32>
      %get3A_148 = arith.index_cast %scan3A_144 : i32 to index
      %get3A_149 = arith.constant 0 : index
      %get3A_150 = tpu.vector_load %arg10[%get3A_148, %get3A_149] {strides = array<i32>} : memref<80x128xf32, #tpu.memory_space<vmem>>, vector<1x16xf32>,
      %get3A_151 = vector.shape_cast %get3A_150 : vector<1x16xf32> to vector<16xf32>
      %add3A_152 = arith.addf %get3A_147, %get3A_151 : vector<16xf32>
      %swap3A = arith.index_cast %scan3A_144 : i32 to index
      %swap3A_153 = arith.constant 0 : index
      %swap3A_154 = tpu.vector_load %arg9[%swap3A, %swap3A_153] {strides = array<i32>} : memref<80x128xf32, #tpu.memory_space<vmem>>, vector<1x16xf32>,
      %swap3A_155 = vector.shape_cast %swap3A_154 : vector<1x16xf32> to vector<16xf32>
      %swap3A_156 = vector.shape_cast %add3A_152 : vector<16xf32> to vector<1x16xf32>
      tpu.vector_store %arg9[%swap3A, %swap3A_153], %swap3A_156 {strides = array<i32>} : memref<80x128xf32, #tpu.memory_space<vmem>>, vector<1x16xf32>,
      %get3A_157 = arith.index_cast %scan3A_144 : i32 to index
      %get3A_158 = arith.constant 16 : index
      %get3A_159 = tpu.vector_load %arg9[%get3A_157, %get3A_158] {strides = array<i32>} : memref<80x128xf32, #tpu.memory_space<vmem>>, vector<1x16xf32>,
      %get3A_160 = vector.shape_cast %get3A_159 : vector<1x16xf32> to vector<16xf32>
      %get3A_161 = arith.index_cast %scan3A_144 : i32 to index
      %get3A_162 = arith.constant 16 : index
      %get3A_163 = tpu.vector_load %arg10[%get3A_161, %get3A_162] {strides = array<i32>} : memref<80x128xf32, #tpu.memory_space<vmem>>, vector<1x16xf32>,
      %get3A_164 = vector.shape_cast %get3A_163 : vector<1x16xf32> to vector<16xf32>
      %add3A_165 = arith.addf %get3A_160, %get3A_164 : vector<16xf32>
      %swap3A_166 = arith.index_cast %scan3A_144 : i32 to index
      %swap3A_167 = arith.constant 16 : index
      %swap3A_168 = tpu.vector_load %arg9[%swap3A_166, %swap3A_167] {strides = array<i32>} : memref<80x128xf32, #tpu.memory_space<vmem>>, vector<1x16xf32>,
      %swap3A_169 = vector.shape_cast %swap3A_168 : vector<1x16xf32> to vector<16xf32>
      %swap3A_170 = vector.shape_cast %add3A_165 : vector<16xf32> to vector<1x16xf32>
      tpu.vector_store %arg9[%swap3A_166, %swap3A_167], %swap3A_170 {strides = array<i32>} : memref<80x128xf32, #tpu.memory_space<vmem>>, vector<1x16xf32>,
      %get3A_171 = arith.index_cast %scan3A_144 : i32 to index
      %get3A_172 = arith.constant 32 : index
      %get3A_173 = tpu.vector_load %arg9[%get3A_171, %get3A_172] {strides = array<i32>} : memref<80x128xf32, #tpu.memory_space<vmem>>, vector<1x16xf32>,
      %get3A_174 = vector.shape_cast %get3A_173 : vector<1x16xf32> to vector<16xf32>
      %get3A_175 = arith.index_cast %scan3A_144 : i32 to index
      %get3A_176 = arith.constant 32 : index
      %get3A_177 = tpu.vector_load %arg10[%get3A_175, %get3A_176] {strides = array<i32>} : memref<80x128xf32, #tpu.memory_space<vmem>>, vector<1x16xf32>,
      %get3A_178 = vector.shape_cast %get3A_177 : vector<1x16xf32> to vector<16xf32>
      %add3A_179 = arith.addf %get3A_174, %get3A_178 : vector<16xf32>
      %swap3A_180 = arith.index_cast %scan3A_144 : i32 to index
      %swap3A_181 = arith.constant 32 : index
      %swap3A_182 = tpu.vector_load %arg9[%swap3A_180, %swap3A_181] {strides = array<i32>} : memref<80x128xf32, #tpu.memory_space<vmem>>, vector<1x16xf32>,
      %swap3A_183 = vector.shape_cast %swap3A_182 : vector<1x16xf32> to vector<16xf32>
      %swap3A_184 = vector.shape_cast %add3A_179 : vector<16xf32> to vector<1x16xf32>
      tpu.vector_store %arg9[%swap3A_180, %swap3A_181], %swap3A_184 {strides = array<i32>} : memref<80x128xf32, #tpu.memory_space<vmem>>, vector<1x16xf32>,
      %get3A_185 = arith.index_cast %scan3A_144 : i32 to index
      %get3A_186 = arith.constant 48 : index
      %get3A_187 = tpu.vector_load %arg9[%get3A_185, %get3A_186] {strides = array<i32>} : memref<80x128xf32, #tpu.memory_space<vmem>>, vector<1x16xf32>,
      %get3A_188 = vector.shape_cast %get3A_187 : vector<1x16xf32> to vector<16xf32>
      %get3A_189 = arith.index_cast %scan3A_144 : i32 to index
      %get3A_190 = arith.constant 48 : index
      %get3A_191 = tpu.vector_load %arg10[%get3A_189, %get3A_190] {strides = array<i32>} : memref<80x128xf32, #tpu.memory_space<vmem>>, vector<1x16xf32>,
      %get3A_192 = vector.shape_cast %get3A_191 : vector<1x16xf32> to vector<16xf32>
      %add3A_193 = arith.addf %get3A_188, %get3A_192 : vector<16xf32>
      %swap3A_194 = arith.index_cast %scan3A_144 : i32 to index
      %swap3A_195 = arith.constant 48 : index
      %swap3A_196 = tpu.vector_load %arg9[%swap3A_194, %swap3A_195] {strides = array<i32>} : memref<80x128xf32, #tpu.memory_space<vmem>>, vector<1x16xf32>,
      %swap3A_197 = vector.shape_cast %swap3A_196 : vector<1x16xf32> to vector<16xf32>
      %swap3A_198 = vector.shape_cast %add3A_193 : vector<16xf32> to vector<1x16xf32>
      tpu.vector_store %arg9[%swap3A_194, %swap3A_195], %swap3A_198 {strides = array<i32>} : memref<80x128xf32, #tpu.memory_space<vmem>>, vector<1x16xf32>,
      %get3A_199 = arith.index_cast %scan3A_144 : i32 to index
      %get3A_200 = arith.constant 64 : index
      %get3A_201 = tpu.vector_load %arg9[%get3A_199, %get3A_200] {strides = array<i32>} : memref<80x128xf32, #tpu.memory_space<vmem>>, vector<1x16xf32>,
      %get3A_202 = vector.shape_cast %get3A_201 : vector<1x16xf32> to vector<16xf32>
      %get3A_203 = arith.index_cast %scan3A_144 : i32 to index
      %get3A_204 = arith.constant 64 : index
      %get3A_205 = tpu.vector_load %arg10[%get3A_203, %get3A_204] {strides = array<i32>} : memref<80x128xf32, #tpu.memory_space<vmem>>, vector<1x16xf32>,
      %get3A_206 = vector.shape_cast %get3A_205 : vector<1x16xf32> to vector<16xf32>
      %add3A_207 = arith.addf %get3A_202, %get3A_206 : vector<16xf32>
      %swap3A_208 = arith.index_cast %scan3A_144 : i32 to index
      %swap3A_209 = arith.constant 64 : index
      %swap3A_210 = tpu.vector_load %arg9[%swap3A_208, %swap3A_209] {strides = array<i32>} : memref<80x128xf32, #tpu.memory_space<vmem>>, vector<1x16xf32>,
      %swap3A_211 = vector.shape_cast %swap3A_210 : vector<1x16xf32> to vector<16xf32>
      %swap3A_212 = vector.shape_cast %add3A_207 : vector<16xf32> to vector<1x16xf32>
      tpu.vector_store %arg9[%swap3A_208, %swap3A_209], %swap3A_212 {strides = array<i32>} : memref<80x128xf32, #tpu.memory_space<vmem>>, vector<1x16xf32>,
      %get3A_213 = arith.index_cast %scan3A_144 : i32 to index
      %get3A_214 = arith.constant 80 : index
      %get3A_215 = tpu.vector_load %arg9[%get3A_213, %get3A_214] {strides = array<i32>} : memref<80x128xf32, #tpu.memory_space<vmem>>, vector<1x16xf32>,
      %get3A_216 = vector.shape_cast %get3A_215 : vector<1x16xf32> to vector<16xf32>
      %get3A_217 = arith.index_cast %scan3A_144 : i32 to index
      %get3A_218 = arith.constant 80 : index
      %get3A_219 = tpu.vector_load %arg10[%get3A_217, %get3A_218] {strides = array<i32>} : memref<80x128xf32, #tpu.memory_space<vmem>>, vector<1x16xf32>,
      %get3A_220 = vector.shape_cast %get3A_219 : vector<1x16xf32> to vector<16xf32>
      %add3A_221 = arith.addf %get3A_216, %get3A_220 : vector<16xf32>
      %swap3A_222 = arith.index_cast %scan3A_144 : i32 to index
      %swap3A_223 = arith.constant 80 : index
      %swap3A_224 = tpu.vector_load %arg9[%swap3A_222, %swap3A_223] {strides = array<i32>} : memref<80x128xf32, #tpu.memory_space<vmem>>, vector<1x16xf32>,
      %swap3A_225 = vector.shape_cast %swap3A_224 : vector<1x16xf32> to vector<16xf32>
      %swap3A_226 = vector.shape_cast %add3A_221 : vector<16xf32> to vector<1x16xf32>
      tpu.vector_store %arg9[%swap3A_222, %swap3A_223], %swap3A_226 {strides = array<i32>} : memref<80x128xf32, #tpu.memory_space<vmem>>, vector<1x16xf32>,
      %get3A_227 = arith.index_cast %scan3A_144 : i32 to index
      %get3A_228 = arith.constant 96 : index
      %get3A_229 = tpu.vector_load %arg9[%get3A_227, %get3A_228] {strides = array<i32>} : memref<80x128xf32, #tpu.memory_space<vmem>>, vector<1x16xf32>,
      %get3A_230 = vector.shape_cast %get3A_229 : vector<1x16xf32> to vector<16xf32>
      %get3A_231 = arith.index_cast %scan3A_144 : i32 to index
      %get3A_232 = arith.constant 96 : index
      %get3A_233 = tpu.vector_load %arg10[%get3A_231, %get3A_232] {strides = array<i32>} : memref<80x128xf32, #tpu.memory_space<vmem>>, vector<1x16xf32>,
      %get3A_234 = vector.shape_cast %get3A_233 : vector<1x16xf32> to vector<16xf32>
      %add3A_235 = arith.addf %get3A_230, %get3A_234 : vector<16xf32>
      %swap3A_236 = arith.index_cast %scan3A_144 : i32 to index
      %swap3A_237 = arith.constant 96 : index
      %swap3A_238 = tpu.vector_load %arg9[%swap3A_236, %swap3A_237] {strides = array<i32>} : memref<80x128xf32, #tpu.memory_space<vmem>>, vector<1x16xf32>,
      %swap3A_239 = vector.shape_cast %swap3A_238 : vector<1x16xf32> to vector<16xf32>
      %swap3A_240 = vector.shape_cast %add3A_235 : vector<16xf32> to vector<1x16xf32>
      tpu.vector_store %arg9[%swap3A_236, %swap3A_237], %swap3A_240 {strides = array<i32>} : memref<80x128xf32, #tpu.memory_space<vmem>>, vector<1x16xf32>,
      %get3A_241 = arith.index_cast %scan3A_144 : i32 to index
      %get3A_242 = arith.constant 112 : index
      %get3A_243 = tpu.vector_load %arg9[%get3A_241, %get3A_242] {strides = array<i32>} : memref<80x128xf32, #tpu.memory_space<vmem>>, vector<1x16xf32>,
      %get3A_244 = vector.shape_cast %get3A_243 : vector<1x16xf32> to vector<16xf32>
      %get3A_245 = arith.index_cast %scan3A_144 : i32 to index
      %get3A_246 = arith.constant 112 : index
      %get3A_247 = tpu.vector_load %arg10[%get3A_245, %get3A_246] {strides = array<i32>} : memref<80x128xf32, #tpu.memory_space<vmem>>, vector<1x16xf32>,
      %get3A_248 = vector.shape_cast %get3A_247 : vector<1x16xf32> to vector<16xf32>
      %add3A_249 = arith.addf %get3A_244, %get3A_248 : vector<16xf32>
      %swap3A_250 = arith.index_cast %scan3A_144 : i32 to index
      %swap3A_251 = arith.constant 112 : index
      %swap3A_252 = tpu.vector_load %arg9[%swap3A_250, %swap3A_251] {strides = array<i32>} : memref<80x128xf32, #tpu.memory_space<vmem>>, vector<1x16xf32>,
      %swap3A_253 = vector.shape_cast %swap3A_252 : vector<1x16xf32> to vector<16xf32>
      %swap3A_254 = vector.shape_cast %add3A_249 : vector<16xf32> to vector<1x16xf32>
      tpu.vector_store %arg9[%swap3A_250, %swap3A_251], %swap3A_254 {strides = array<i32>} : memref<80x128xf32, #tpu.memory_space<vmem>>, vector<1x16xf32>,
    }
    %scan3A_125 = arith.constant 80 : i32
    %add3A_126 = arith.constant 9840 : i32
    %add3A_127 = arith.addi %mul3A_2, %add3A_126 : i32
    %dma_wait3A_128 = arith.constant 0 : i32
    %dma_wait3A_129 = tpu.memref_slice %arg6[%add3A_127, %dma_wait3A_128] : memref<320000x128xf32, #tpu.memory_space<hbm>> -> memref<80x128xf32, #tpu.memory_space<hbm>>
    %dma_wait3A_130 = arith.constant 0 : i32
    %dma_wait3A_131 = tpu.memref_slice %arg6[%add3A_127, %dma_wait3A_130] : memref<320000x128xf32, #tpu.memory_space<hbm>> -> memref<80x128xf32, #tpu.memory_space<hbm>>
    tpu.wait_dma2 semaphore(%arg18 : memref<!tpu.dma_semaphore, #tpu.memory_space<semaphore_mem>>) src(%arg11 : memref<80x128xf32, #tpu.memory_space<vmem>>) dst(%dma_wait3A_131 : memref<80x128xf32, #tpu.memory_space<hbm>>)
    %add3A_132 = arith.constant 9920 : i32
    %add3A_133 = arith.addi %mul3A_2, %add3A_132 : i32
    %dma_start3A_134 = arith.constant 0 : i32
    %dma_start3A_135 = tpu.memref_slice %arg6[%add3A_133, %dma_start3A_134] : memref<320000x128xf32, #tpu.memory_space<hbm>> -> memref<80x128xf32, #tpu.memory_space<hbm>>
    %dma_start3A_136 = arith.constant 0 : i32
    %dma_start3A_137 = tpu.memref_slice %arg6[%add3A_133, %dma_start3A_136] : memref<320000x128xf32, #tpu.memory_space<hbm>> -> memref<80x128xf32, #tpu.memory_space<hbm>>
    tpu.enqueue_dma source(%arg9 : memref<80x128xf32, #tpu.memory_space<vmem>>) target(%dma_start3A_137 : memref<80x128xf32, #tpu.memory_space<hbm>>) target_semaphore(%arg17 : memref<!tpu.dma_semaphore, #tpu.memory_space<semaphore_mem>>)
    %add3A_138 = arith.constant 9920 : i32
    %add3A_139 = arith.addi %mul3A_2, %add3A_138 : i32
    %dma_wait3A_140 = arith.constant 0 : i32
    %dma_wait3A_141 = tpu.memref_slice %arg6[%add3A_139, %dma_wait3A_140] : memref<320000x128xf32, #tpu.memory_space<hbm>> -> memref<80x128xf32, #tpu.memory_space<hbm>>
    %dma_wait3A_142 = arith.constant 0 : i32
    %dma_wait3A_143 = tpu.memref_slice %arg6[%add3A_139, %dma_wait3A_142] : memref<320000x128xf32, #tpu.memory_space<hbm>> -> memref<80x128xf32, #tpu.memory_space<hbm>>
    tpu.wait_dma2 semaphore(%arg17 : memref<!tpu.dma_semaphore, #tpu.memory_space<semaphore_mem>>) src(%arg9 : memref<80x128xf32, #tpu.memory_space<vmem>>) dst(%dma_wait3A_143 : memref<80x128xf32, #tpu.memory_space<hbm>>)
    return
  }
}

module attributes {stable_mosaic.version = 14 : i64} {
  func.func @_node_pre_body(%arg0: i32, %arg1: memref<1000x128xf32, #tpu.memory_space<vmem>>, %arg2: memref<1x128xf32, #tpu.memory_space<vmem>>, %arg3: memref<1x128xf32, #tpu.memory_space<vmem>>, %arg4: memref<1x128xf32, #tpu.memory_space<vmem>>, %arg5: memref<1x128xf32, #tpu.memory_space<vmem>>, %arg6: memref<1x128xf32, #tpu.memory_space<vmem>>, %arg7: memref<1x128xf32, #tpu.memory_space<vmem>>, %arg8: memref<1x128xf32, #tpu.memory_space<vmem>>, %arg9: memref<1x128xf32, #tpu.memory_space<vmem>>, %arg10: memref<1x128xf32, #tpu.memory_space<vmem>>, %arg11: memref<128x128xf32, #tpu.memory_space<vmem>>, %arg12: memref<1x128xf32, #tpu.memory_space<vmem>>, %arg13: memref<128x128xf32, #tpu.memory_space<vmem>>, %arg14: memref<128x128xf32, #tpu.memory_space<vmem>>, %arg15: memref<1x128xf32, #tpu.memory_space<vmem>>, %arg16: memref<128x128xf32, #tpu.memory_space<vmem>>, %arg17: memref<1000x128xf32, #tpu.memory_space<vmem>>, %arg18: memref<1000x128xf32, #tpu.memory_space<vmem>>, %arg19: memref<1000x128xf32, #tpu.memory_space<vmem>>) attributes {dimension_semantics = [#tpu.dimension_semantics<arbitrary>], iteration_bounds = array<i64: 10>, scalar_prefetch = 0 : i64, scratch_operands = 0 : i64, tpu.core_type = #tpu.core_type<tc>, window_params = [{transform_indices = @transform_0, window_bounds = array<i64: 1000, 128>}, {pipeline_mode = #tpu.pipeline_mode<synchronous>, transform_indices = @transform_1, window_bounds = array<i64: 1, 128>}, {pipeline_mode = #tpu.pipeline_mode<synchronous>, transform_indices = @transform_2, window_bounds = array<i64: 1, 128>}, {pipeline_mode = #tpu.pipeline_mode<synchronous>, transform_indices = @transform_3, window_bounds = array<i64: 1, 128>}, {pipeline_mode = #tpu.pipeline_mode<synchronous>, transform_indices = @transform_4, window_bounds = array<i64: 1, 128>}, {pipeline_mode = #tpu.pipeline_mode<synchronous>, transform_indices = @transform_5, window_bounds = array<i64: 1, 128>}, {pipeline_mode = #tpu.pipeline_mode<synchronous>, transform_indices = @transform_6, window_bounds = array<i64: 1, 128>}, {pipeline_mode = #tpu.pipeline_mode<synchronous>, transform_indices = @transform_7, window_bounds = array<i64: 1, 128>}, {pipeline_mode = #tpu.pipeline_mode<synchronous>, transform_indices = @transform_8, window_bounds = array<i64: 1, 128>}, {pipeline_mode = #tpu.pipeline_mode<synchronous>, transform_indices = @transform_9, window_bounds = array<i64: 1, 128>}, {pipeline_mode = #tpu.pipeline_mode<synchronous>, transform_indices = @transform_10, window_bounds = array<i64: 128, 128>}, {pipeline_mode = #tpu.pipeline_mode<synchronous>, transform_indices = @transform_11, window_bounds = array<i64: 1, 128>}, {pipeline_mode = #tpu.pipeline_mode<synchronous>, transform_indices = @transform_12, window_bounds = array<i64: 128, 128>}, {pipeline_mode = #tpu.pipeline_mode<synchronous>, transform_indices = @transform_13, window_bounds = array<i64: 128, 128>}, {pipeline_mode = #tpu.pipeline_mode<synchronous>, transform_indices = @transform_14, window_bounds = array<i64: 1, 128>}, {pipeline_mode = #tpu.pipeline_mode<synchronous>, transform_indices = @transform_15, window_bounds = array<i64: 128, 128>}, {transform_indices = @transform_16, window_bounds = array<i64: 1000, 128>}, {transform_indices = @transform_17, window_bounds = array<i64: 1000, 128>}, {transform_indices = @transform_18, window_bounds = array<i64: 1000, 128>}]} {
    %get3A = arith.constant 0 : index
    %get3A_0 = arith.constant 0 : index
    %get3A_1 = vector.load %arg1[%get3A, %get3A_0] : memref<1000x128xf32, #tpu.memory_space<vmem>>, vector<1000x128xf32>
    %get3A_2 = arith.constant 0 : index
    %get3A_3 = arith.constant 0 : index
    %get3A_4 = vector.load %arg2[%get3A_2, %get3A_3] : memref<1x128xf32, #tpu.memory_space<vmem>>, vector<1x128xf32>
    %get3A_5 = arith.constant 0 : index
    %get3A_6 = arith.constant 0 : index
    %get3A_7 = vector.load %arg9[%get3A_5, %get3A_6] : memref<1x128xf32, #tpu.memory_space<vmem>>, vector<1x128xf32>
    %get3A_8 = arith.constant 0 : index
    %get3A_9 = arith.constant 0 : index
    %get3A_10 = vector.load %arg10[%get3A_8, %get3A_9] : memref<1x128xf32, #tpu.memory_space<vmem>>, vector<1x128xf32>
    %reduce_sum3A = arith.constant dense<0.000000e+00> : vector<1xf32>
    %reduce_sum3A_11 = vector.multi_reduction <add>, %get3A_4, %reduce_sum3A [1] : vector<1x128xf32> to vector<1xf32>
    %broadcast_in_dim3A = vector.shape_cast %reduce_sum3A_11 : vector<1xf32> to vector<1x1xf32>
    %div3A = arith.constant 1.280000e+02 : f32
    %div3A_12 = vector.broadcast %div3A : f32 to vector<1x1xf32>
    %div3A_13 = arith.divf %broadcast_in_dim3A, %div3A_12 : vector<1x1xf32>
    %jit3A = arith.constant 0 : i32
    %reduce_sum3A_14 = arith.constant dense<0.000000e+00> : vector<1xf32>
    %reduce_sum3A_15 = vector.multi_reduction <add>, %get3A_4, %reduce_sum3A_14 [1] : vector<1x128xf32> to vector<1xf32>
    %broadcast_in_dim3A_16 = vector.shape_cast %reduce_sum3A_15 : vector<1xf32> to vector<1x1xf32>
    %div3A_17 = arith.constant 1.280000e+02 : f32
    %div3A_18 = vector.broadcast %div3A_17 : f32 to vector<1x1xf32>
    %div3A_19 = arith.divf %broadcast_in_dim3A_16, %div3A_18 : vector<1x1xf32>
    %sub3A = vector.broadcast %div3A_19 : vector<1x1xf32> to vector<1x128xf32>
    %sub3A_20 = arith.subf %get3A_4, %sub3A : vector<1x128xf32>
    %square3A = arith.mulf %sub3A_20, %sub3A_20 : vector<1x128xf32>
    %convert_element_type3A = arith.sitofp %jit3A : i32 to f32
    %sub3A_21 = arith.constant 1.280000e+02 : f32
    %sub3A_22 = arith.subf %sub3A_21, %convert_element_type3A : f32
    %reduce_sum3A_23 = arith.constant dense<0.000000e+00> : vector<1xf32>
    %reduce_sum3A_24 = vector.multi_reduction <add>, %square3A, %reduce_sum3A_23 [1] : vector<1x128xf32> to vector<1xf32>
    %broadcast_in_dim3A_25 = vector.shape_cast %reduce_sum3A_24 : vector<1xf32> to vector<1x1xf32>
    %div3A_26 = vector.broadcast %sub3A_22 : f32 to vector<1x1xf32>
    %div3A_27 = arith.divf %broadcast_in_dim3A_25, %div3A_26 : vector<1x1xf32>
    %gt3A = arith.constant 0.000000e+00 : f32
    %gt3A_28 = arith.cmpf ogt, %sub3A_22, %gt3A : f32
    %jit3A_29 = arith.constant 0x7FC00000 : f32
    %broadcast_in_dim3A_30 = vector.broadcast %jit3A_29 : f32 to vector<1x1xf32>
    %select_n3A = arith.select %gt3A_28, %div3A_27, %broadcast_in_dim3A_30 : vector<1x1xf32>
    %sub3A_31 = vector.broadcast %div3A_13 : vector<1x1xf32> to vector<1x128xf32>
    %sub3A_32 = arith.subf %get3A_4, %sub3A_31 : vector<1x128xf32>
    %add3A = arith.constant 9.99999974E-6 : f32
    %add3A_33 = vector.broadcast %add3A : f32 to vector<1x1xf32>
    %add3A_34 = arith.addf %select_n3A, %add3A_33 : vector<1x1xf32>
    %sqrt3A = math.sqrt %add3A_34 : vector<1x1xf32>
    %div3A_35 = vector.broadcast %sqrt3A : vector<1x1xf32> to vector<1x128xf32>
    %div3A_36 = arith.divf %sub3A_32, %div3A_35 : vector<1x128xf32>
    %mul3A = arith.mulf %div3A_36, %get3A_7 : vector<1x128xf32>
    %add3A_37 = arith.addf %mul3A, %get3A_10 : vector<1x128xf32>
    %max3A = arith.constant 0.000000e+00 : f32
    %max3A_38 = vector.broadcast %max3A : f32 to vector<1x128xf32>
    %max3A_39 = arith.maximumf %add3A_37, %max3A_38 : vector<1x128xf32>
    %get3A_40 = arith.constant 0 : index
    %get3A_41 = arith.constant 0 : index
    %get3A_42 = vector.load %arg16[%get3A_40, %get3A_41] : memref<128x128xf32, #tpu.memory_space<vmem>>, vector<128x128xf32>
    %dot_general3A = arith.constant dense<0.000000e+00> : vector<1x128xf32>
    %dot_general3A_43 = tpu.matmul %max3A_39, %get3A_42, %dot_general3A {dimension_numbers = #tpu.dot_dimension_numbers<[1], [0], [0], [1], [0, 0, 1, 1], [], []>, transpose_lhs_hint = false} : vector<1x128xf32>, vector<128x128xf32>, vector<1x128xf32> -> vector<1x128xf32>
    %get3A_44 = arith.constant 0 : index
    %get3A_45 = arith.constant 0 : index
    %get3A_46 = vector.load %arg3[%get3A_44, %get3A_45] : memref<1x128xf32, #tpu.memory_space<vmem>>, vector<1x128xf32>
    %get3A_47 = arith.constant 0 : index
    %get3A_48 = arith.constant 0 : index
    %get3A_49 = vector.load %arg4[%get3A_47, %get3A_48] : memref<1x128xf32, #tpu.memory_space<vmem>>, vector<1x128xf32>
    %reduce_sum3A_50 = arith.constant dense<0.000000e+00> : vector<1000xf32>
    %reduce_sum3A_51 = vector.multi_reduction <add>, %get3A_1, %reduce_sum3A_50 [1] : vector<1000x128xf32> to vector<1000xf32>
    %broadcast_in_dim3A_52 = vector.shape_cast %reduce_sum3A_51 : vector<1000xf32> to vector<1000x1xf32>
    %div3A_53 = arith.constant 1.280000e+02 : f32
    %div3A_54 = vector.broadcast %div3A_53 : f32 to vector<1000x1xf32>
    %div3A_55 = arith.divf %broadcast_in_dim3A_52, %div3A_54 : vector<1000x1xf32>
    %jit3A_56 = arith.constant 0 : i32
    %reduce_sum3A_57 = arith.constant dense<0.000000e+00> : vector<1000xf32>
    %reduce_sum3A_58 = vector.multi_reduction <add>, %get3A_1, %reduce_sum3A_57 [1] : vector<1000x128xf32> to vector<1000xf32>
    %broadcast_in_dim3A_59 = vector.shape_cast %reduce_sum3A_58 : vector<1000xf32> to vector<1000x1xf32>
    %div3A_60 = arith.constant 1.280000e+02 : f32
    %div3A_61 = vector.broadcast %div3A_60 : f32 to vector<1000x1xf32>
    %div3A_62 = arith.divf %broadcast_in_dim3A_59, %div3A_61 : vector<1000x1xf32>
    %sub3A_63 = vector.broadcast %div3A_62 : vector<1000x1xf32> to vector<1000x128xf32>
    %sub3A_64 = arith.subf %get3A_1, %sub3A_63 : vector<1000x128xf32>
    %square3A_65 = arith.mulf %sub3A_64, %sub3A_64 : vector<1000x128xf32>
    %convert_element_type3A_66 = arith.sitofp %jit3A_56 : i32 to f32
    %sub3A_67 = arith.constant 1.280000e+02 : f32
    %sub3A_68 = arith.subf %sub3A_67, %convert_element_type3A_66 : f32
    %reduce_sum3A_69 = arith.constant dense<0.000000e+00> : vector<1000xf32>
    %reduce_sum3A_70 = vector.multi_reduction <add>, %square3A_65, %reduce_sum3A_69 [1] : vector<1000x128xf32> to vector<1000xf32>
    %broadcast_in_dim3A_71 = vector.shape_cast %reduce_sum3A_70 : vector<1000xf32> to vector<1000x1xf32>
    %div3A_72 = vector.broadcast %sub3A_68 : f32 to vector<1000x1xf32>
    %div3A_73 = arith.divf %broadcast_in_dim3A_71, %div3A_72 : vector<1000x1xf32>
    %gt3A_74 = arith.constant 0.000000e+00 : f32
    %gt3A_75 = arith.cmpf ogt, %sub3A_68, %gt3A_74 : f32
    %jit3A_76 = arith.constant 0x7FC00000 : f32
    %broadcast_in_dim3A_77 = vector.broadcast %jit3A_76 : f32 to vector<1000x1xf32>
    %select_n3A_78 = arith.select %gt3A_75, %div3A_73, %broadcast_in_dim3A_77 : vector<1000x1xf32>
    %sub3A_79 = vector.broadcast %div3A_55 : vector<1000x1xf32> to vector<1000x128xf32>
    %sub3A_80 = arith.subf %get3A_1, %sub3A_79 : vector<1000x128xf32>
    %add3A_81 = arith.constant 9.99999974E-6 : f32
    %add3A_82 = vector.broadcast %add3A_81 : f32 to vector<1000x1xf32>
    %add3A_83 = arith.addf %select_n3A_78, %add3A_82 : vector<1000x1xf32>
    %sqrt3A_84 = math.sqrt %add3A_83 : vector<1000x1xf32>
    %div3A_85 = vector.broadcast %sqrt3A_84 : vector<1000x1xf32> to vector<1000x128xf32>
    %div3A_86 = arith.divf %sub3A_80, %div3A_85 : vector<1000x128xf32>
    %mul3A_87 = vector.broadcast %get3A_46 : vector<1x128xf32> to vector<1000x128xf32>
    %mul3A_88 = arith.mulf %div3A_86, %mul3A_87 : vector<1000x128xf32>
    %add3A_89 = vector.broadcast %get3A_49 : vector<1x128xf32> to vector<1000x128xf32>
    %add3A_90 = arith.addf %mul3A_88, %add3A_89 : vector<1000x128xf32>
    %max3A_91 = arith.constant 0.000000e+00 : f32
    %max3A_92 = vector.broadcast %max3A_91 : f32 to vector<1000x128xf32>
    %max3A_93 = arith.maximumf %add3A_90, %max3A_92 : vector<1000x128xf32>
    %get3A_94 = arith.constant 0 : index
    %get3A_95 = arith.constant 0 : index
    %get3A_96 = vector.load %arg11[%get3A_94, %get3A_95] : memref<128x128xf32, #tpu.memory_space<vmem>>, vector<128x128xf32>
    %dot_general3A_97 = arith.constant dense<0.000000e+00> : vector<1000x128xf32>
    %dot_general3A_98 = tpu.matmul %max3A_93, %get3A_96, %dot_general3A_97 {dimension_numbers = #tpu.dot_dimension_numbers<[1], [0], [0], [1], [0, 0, 1, 1], [], []>, transpose_lhs_hint = false} : vector<1000x128xf32>, vector<128x128xf32>, vector<1000x128xf32> -> vector<1000x128xf32>
    %get3A_99 = arith.constant 0 : index
    %get3A_100 = arith.constant 0 : index
    %get3A_101 = vector.load %arg12[%get3A_99, %get3A_100] : memref<1x128xf32, #tpu.memory_space<vmem>>, vector<1x128xf32>
    %add3A_102 = vector.broadcast %get3A_101 : vector<1x128xf32> to vector<1000x128xf32>
    %add3A_103 = arith.addf %dot_general3A_98, %add3A_102 : vector<1000x128xf32>
    %add3A_104 = vector.broadcast %dot_general3A_43 : vector<1x128xf32> to vector<1000x128xf32>
    %add3A_105 = arith.addf %add3A_103, %add3A_104 : vector<1000x128xf32>
    %swap3A = arith.constant 0 : index
    %swap3A_106 = arith.constant 0 : index
    %swap3A_107 = vector.load %arg17[%swap3A, %swap3A_106] : memref<1000x128xf32, #tpu.memory_space<vmem>>, vector<1000x128xf32>
    tpu.vector_store %arg17[%swap3A, %swap3A_106], %add3A_105 {strides = array<i32>} : memref<1000x128xf32, #tpu.memory_space<vmem>>, vector<1000x128xf32>,
    %get3A_108 = arith.constant 0 : index
    %get3A_109 = arith.constant 0 : index
    %get3A_110 = vector.load %arg5[%get3A_108, %get3A_109] : memref<1x128xf32, #tpu.memory_space<vmem>>, vector<1x128xf32>
    %get3A_111 = arith.constant 0 : index
    %get3A_112 = arith.constant 0 : index
    %get3A_113 = vector.load %arg6[%get3A_111, %get3A_112] : memref<1x128xf32, #tpu.memory_space<vmem>>, vector<1x128xf32>
    %reduce_sum3A_114 = arith.constant dense<0.000000e+00> : vector<1000xf32>
    %reduce_sum3A_115 = vector.multi_reduction <add>, %get3A_1, %reduce_sum3A_114 [1] : vector<1000x128xf32> to vector<1000xf32>
    %broadcast_in_dim3A_116 = vector.shape_cast %reduce_sum3A_115 : vector<1000xf32> to vector<1000x1xf32>
    %div3A_117 = arith.constant 1.280000e+02 : f32
    %div3A_118 = vector.broadcast %div3A_117 : f32 to vector<1000x1xf32>
    %div3A_119 = arith.divf %broadcast_in_dim3A_116, %div3A_118 : vector<1000x1xf32>
    %jit3A_120 = arith.constant 0 : i32
    %reduce_sum3A_121 = arith.constant dense<0.000000e+00> : vector<1000xf32>
    %reduce_sum3A_122 = vector.multi_reduction <add>, %get3A_1, %reduce_sum3A_121 [1] : vector<1000x128xf32> to vector<1000xf32>
    %broadcast_in_dim3A_123 = vector.shape_cast %reduce_sum3A_122 : vector<1000xf32> to vector<1000x1xf32>
    %div3A_124 = arith.constant 1.280000e+02 : f32
    %div3A_125 = vector.broadcast %div3A_124 : f32 to vector<1000x1xf32>
    %div3A_126 = arith.divf %broadcast_in_dim3A_123, %div3A_125 : vector<1000x1xf32>
    %sub3A_127 = vector.broadcast %div3A_126 : vector<1000x1xf32> to vector<1000x128xf32>
    %sub3A_128 = arith.subf %get3A_1, %sub3A_127 : vector<1000x128xf32>
    %square3A_129 = arith.mulf %sub3A_128, %sub3A_128 : vector<1000x128xf32>
    %convert_element_type3A_130 = arith.sitofp %jit3A_120 : i32 to f32
    %sub3A_131 = arith.constant 1.280000e+02 : f32
    %sub3A_132 = arith.subf %sub3A_131, %convert_element_type3A_130 : f32
    %reduce_sum3A_133 = arith.constant dense<0.000000e+00> : vector<1000xf32>
    %reduce_sum3A_134 = vector.multi_reduction <add>, %square3A_129, %reduce_sum3A_133 [1] : vector<1000x128xf32> to vector<1000xf32>
    %broadcast_in_dim3A_135 = vector.shape_cast %reduce_sum3A_134 : vector<1000xf32> to vector<1000x1xf32>
    %div3A_136 = vector.broadcast %sub3A_132 : f32 to vector<1000x1xf32>
    %div3A_137 = arith.divf %broadcast_in_dim3A_135, %div3A_136 : vector<1000x1xf32>
    %gt3A_138 = arith.constant 0.000000e+00 : f32
    %gt3A_139 = arith.cmpf ogt, %sub3A_132, %gt3A_138 : f32
    %jit3A_140 = arith.constant 0x7FC00000 : f32
    %broadcast_in_dim3A_141 = vector.broadcast %jit3A_140 : f32 to vector<1000x1xf32>
    %select_n3A_142 = arith.select %gt3A_139, %div3A_137, %broadcast_in_dim3A_141 : vector<1000x1xf32>
    %sub3A_143 = vector.broadcast %div3A_119 : vector<1000x1xf32> to vector<1000x128xf32>
    %sub3A_144 = arith.subf %get3A_1, %sub3A_143 : vector<1000x128xf32>
    %add3A_145 = arith.constant 9.99999974E-6 : f32
    %add3A_146 = vector.broadcast %add3A_145 : f32 to vector<1000x1xf32>
    %add3A_147 = arith.addf %select_n3A_142, %add3A_146 : vector<1000x1xf32>
    %sqrt3A_148 = math.sqrt %add3A_147 : vector<1000x1xf32>
    %div3A_149 = vector.broadcast %sqrt3A_148 : vector<1000x1xf32> to vector<1000x128xf32>
    %div3A_150 = arith.divf %sub3A_144, %div3A_149 : vector<1000x128xf32>
    %mul3A_151 = vector.broadcast %get3A_110 : vector<1x128xf32> to vector<1000x128xf32>
    %mul3A_152 = arith.mulf %div3A_150, %mul3A_151 : vector<1000x128xf32>
    %add3A_153 = vector.broadcast %get3A_113 : vector<1x128xf32> to vector<1000x128xf32>
    %add3A_154 = arith.addf %mul3A_152, %add3A_153 : vector<1000x128xf32>
    %max3A_155 = arith.constant 0.000000e+00 : f32
    %max3A_156 = vector.broadcast %max3A_155 : f32 to vector<1000x128xf32>
    %max3A_157 = arith.maximumf %add3A_154, %max3A_156 : vector<1000x128xf32>
    %get3A_158 = arith.constant 0 : index
    %get3A_159 = arith.constant 0 : index
    %get3A_160 = vector.load %arg13[%get3A_158, %get3A_159] : memref<128x128xf32, #tpu.memory_space<vmem>>, vector<128x128xf32>
    %dot_general3A_161 = arith.constant dense<0.000000e+00> : vector<1000x128xf32>
    %dot_general3A_162 = tpu.matmul %max3A_157, %get3A_160, %dot_general3A_161 {dimension_numbers = #tpu.dot_dimension_numbers<[1], [0], [0], [1], [0, 0, 1, 1], [], []>, transpose_lhs_hint = false} : vector<1000x128xf32>, vector<128x128xf32>, vector<1000x128xf32> -> vector<1000x128xf32>
    %swap3A_163 = arith.constant 0 : index
    %swap3A_164 = arith.constant 0 : index
    %swap3A_165 = vector.load %arg18[%swap3A_163, %swap3A_164] : memref<1000x128xf32, #tpu.memory_space<vmem>>, vector<1000x128xf32>
    tpu.vector_store %arg18[%swap3A_163, %swap3A_164], %dot_general3A_162 {strides = array<i32>} : memref<1000x128xf32, #tpu.memory_space<vmem>>, vector<1000x128xf32>,
    %get3A_166 = arith.constant 0 : index
    %get3A_167 = arith.constant 0 : index
    %get3A_168 = vector.load %arg7[%get3A_166, %get3A_167] : memref<1x128xf32, #tpu.memory_space<vmem>>, vector<1x128xf32>
    %get3A_169 = arith.constant 0 : index
    %get3A_170 = arith.constant 0 : index
    %get3A_171 = vector.load %arg8[%get3A_169, %get3A_170] : memref<1x128xf32, #tpu.memory_space<vmem>>, vector<1x128xf32>
    %reduce_sum3A_172 = arith.constant dense<0.000000e+00> : vector<1000xf32>
    %reduce_sum3A_173 = vector.multi_reduction <add>, %get3A_1, %reduce_sum3A_172 [1] : vector<1000x128xf32> to vector<1000xf32>
    %broadcast_in_dim3A_174 = vector.shape_cast %reduce_sum3A_173 : vector<1000xf32> to vector<1000x1xf32>
    %div3A_175 = arith.constant 1.280000e+02 : f32
    %div3A_176 = vector.broadcast %div3A_175 : f32 to vector<1000x1xf32>
    %div3A_177 = arith.divf %broadcast_in_dim3A_174, %div3A_176 : vector<1000x1xf32>
    %jit3A_178 = arith.constant 0 : i32
    %reduce_sum3A_179 = arith.constant dense<0.000000e+00> : vector<1000xf32>
    %reduce_sum3A_180 = vector.multi_reduction <add>, %get3A_1, %reduce_sum3A_179 [1] : vector<1000x128xf32> to vector<1000xf32>
    %broadcast_in_dim3A_181 = vector.shape_cast %reduce_sum3A_180 : vector<1000xf32> to vector<1000x1xf32>
    %div3A_182 = arith.constant 1.280000e+02 : f32
    %div3A_183 = vector.broadcast %div3A_182 : f32 to vector<1000x1xf32>
    %div3A_184 = arith.divf %broadcast_in_dim3A_181, %div3A_183 : vector<1000x1xf32>
    %sub3A_185 = vector.broadcast %div3A_184 : vector<1000x1xf32> to vector<1000x128xf32>
    %sub3A_186 = arith.subf %get3A_1, %sub3A_185 : vector<1000x128xf32>
    %square3A_187 = arith.mulf %sub3A_186, %sub3A_186 : vector<1000x128xf32>
    %convert_element_type3A_188 = arith.sitofp %jit3A_178 : i32 to f32
    %sub3A_189 = arith.constant 1.280000e+02 : f32
    %sub3A_190 = arith.subf %sub3A_189, %convert_element_type3A_188 : f32
    %reduce_sum3A_191 = arith.constant dense<0.000000e+00> : vector<1000xf32>
    %reduce_sum3A_192 = vector.multi_reduction <add>, %square3A_187, %reduce_sum3A_191 [1] : vector<1000x128xf32> to vector<1000xf32>
    %broadcast_in_dim3A_193 = vector.shape_cast %reduce_sum3A_192 : vector<1000xf32> to vector<1000x1xf32>
    %div3A_194 = vector.broadcast %sub3A_190 : f32 to vector<1000x1xf32>
    %div3A_195 = arith.divf %broadcast_in_dim3A_193, %div3A_194 : vector<1000x1xf32>
    %gt3A_196 = arith.constant 0.000000e+00 : f32
    %gt3A_197 = arith.cmpf ogt, %sub3A_190, %gt3A_196 : f32
    %jit3A_198 = arith.constant 0x7FC00000 : f32
    %broadcast_in_dim3A_199 = vector.broadcast %jit3A_198 : f32 to vector<1000x1xf32>
    %select_n3A_200 = arith.select %gt3A_197, %div3A_195, %broadcast_in_dim3A_199 : vector<1000x1xf32>
    %sub3A_201 = vector.broadcast %div3A_177 : vector<1000x1xf32> to vector<1000x128xf32>
    %sub3A_202 = arith.subf %get3A_1, %sub3A_201 : vector<1000x128xf32>
    %add3A_203 = arith.constant 9.99999974E-6 : f32
    %add3A_204 = vector.broadcast %add3A_203 : f32 to vector<1000x1xf32>
    %add3A_205 = arith.addf %select_n3A_200, %add3A_204 : vector<1000x1xf32>
    %sqrt3A_206 = math.sqrt %add3A_205 : vector<1000x1xf32>
    %div3A_207 = vector.broadcast %sqrt3A_206 : vector<1000x1xf32> to vector<1000x128xf32>
    %div3A_208 = arith.divf %sub3A_202, %div3A_207 : vector<1000x128xf32>
    %mul3A_209 = vector.broadcast %get3A_168 : vector<1x128xf32> to vector<1000x128xf32>
    %mul3A_210 = arith.mulf %div3A_208, %mul3A_209 : vector<1000x128xf32>
    %add3A_211 = vector.broadcast %get3A_171 : vector<1x128xf32> to vector<1000x128xf32>
    %add3A_212 = arith.addf %mul3A_210, %add3A_211 : vector<1000x128xf32>
    %max3A_213 = arith.constant 0.000000e+00 : f32
    %max3A_214 = vector.broadcast %max3A_213 : f32 to vector<1000x128xf32>
    %max3A_215 = arith.maximumf %add3A_212, %max3A_214 : vector<1000x128xf32>
    %get3A_216 = arith.constant 0 : index
    %get3A_217 = arith.constant 0 : index
    %get3A_218 = vector.load %arg14[%get3A_216, %get3A_217] : memref<128x128xf32, #tpu.memory_space<vmem>>, vector<128x128xf32>
    %dot_general3A_219 = arith.constant dense<0.000000e+00> : vector<1000x128xf32>
    %dot_general3A_220 = tpu.matmul %max3A_215, %get3A_218, %dot_general3A_219 {dimension_numbers = #tpu.dot_dimension_numbers<[1], [0], [0], [1], [0, 0, 1, 1], [], []>, transpose_lhs_hint = false} : vector<1000x128xf32>, vector<128x128xf32>, vector<1000x128xf32> -> vector<1000x128xf32>
    %get3A_221 = arith.constant 0 : index
    %get3A_222 = arith.constant 0 : index
    %get3A_223 = vector.load %arg15[%get3A_221, %get3A_222] : memref<1x128xf32, #tpu.memory_space<vmem>>, vector<1x128xf32>
    %add3A_224 = vector.broadcast %get3A_223 : vector<1x128xf32> to vector<1000x128xf32>
    %add3A_225 = arith.addf %dot_general3A_220, %add3A_224 : vector<1000x128xf32>
    %swap3A_226 = arith.constant 0 : index
    %swap3A_227 = arith.constant 0 : index
    %swap3A_228 = vector.load %arg19[%swap3A_226, %swap3A_227] : memref<1000x128xf32, #tpu.memory_space<vmem>>, vector<1000x128xf32>
    tpu.vector_store %arg19[%swap3A_226, %swap3A_227], %add3A_225 {strides = array<i32>} : memref<1000x128xf32, #tpu.memory_space<vmem>>, vector<1000x128xf32>,
    return
  }
  func.func @transform_0(%arg0: i32) -> (i32, i32) {
    %c0_i32 = arith.constant 0 : i32
    %c0_i32_0 = arith.constant 0 : i32
    return %arg0, %c0_i32 : i32, i32
  }
  func.func @transform_1(%arg0: i32) -> (i32, i32) {
    %c0_i32 = arith.constant 0 : i32
    %c0_i32_0 = arith.constant 0 : i32
    %c0_i32_1 = arith.constant 0 : i32
    return %c0_i32, %c0_i32_0 : i32, i32
  }
  func.func @transform_2(%arg0: i32) -> (i32, i32) {
    %c0_i32 = arith.constant 0 : i32
    %c0_i32_0 = arith.constant 0 : i32
    %c0_i32_1 = arith.constant 0 : i32
    return %c0_i32, %c0_i32_0 : i32, i32
  }
  func.func @transform_3(%arg0: i32) -> (i32, i32) {
    %c0_i32 = arith.constant 0 : i32
    %c0_i32_0 = arith.constant 0 : i32
    %c0_i32_1 = arith.constant 0 : i32
    return %c0_i32, %c0_i32_0 : i32, i32
  }
  func.func @transform_4(%arg0: i32) -> (i32, i32) {
    %c0_i32 = arith.constant 0 : i32
    %c0_i32_0 = arith.constant 0 : i32
    %c0_i32_1 = arith.constant 0 : i32
    return %c0_i32, %c0_i32_0 : i32, i32
  }
  func.func @transform_5(%arg0: i32) -> (i32, i32) {
    %c0_i32 = arith.constant 0 : i32
    %c0_i32_0 = arith.constant 0 : i32
    %c0_i32_1 = arith.constant 0 : i32
    return %c0_i32, %c0_i32_0 : i32, i32
  }
  func.func @transform_6(%arg0: i32) -> (i32, i32) {
    %c0_i32 = arith.constant 0 : i32
    %c0_i32_0 = arith.constant 0 : i32
    %c0_i32_1 = arith.constant 0 : i32
    return %c0_i32, %c0_i32_0 : i32, i32
  }
  func.func @transform_7(%arg0: i32) -> (i32, i32) {
    %c0_i32 = arith.constant 0 : i32
    %c0_i32_0 = arith.constant 0 : i32
    %c0_i32_1 = arith.constant 0 : i32
    return %c0_i32, %c0_i32_0 : i32, i32
  }
  func.func @transform_8(%arg0: i32) -> (i32, i32) {
    %c0_i32 = arith.constant 0 : i32
    %c0_i32_0 = arith.constant 0 : i32
    %c0_i32_1 = arith.constant 0 : i32
    return %c0_i32, %c0_i32_0 : i32, i32
  }
  func.func @transform_9(%arg0: i32) -> (i32, i32) {
    %c0_i32 = arith.constant 0 : i32
    %c0_i32_0 = arith.constant 0 : i32
    %c0_i32_1 = arith.constant 0 : i32
    return %c0_i32, %c0_i32_0 : i32, i32
  }
  func.func @transform_10(%arg0: i32) -> (i32, i32) {
    %c0_i32 = arith.constant 0 : i32
    %c0_i32_0 = arith.constant 0 : i32
    %c0_i32_1 = arith.constant 0 : i32
    return %c0_i32, %c0_i32_0 : i32, i32
  }
  func.func @transform_11(%arg0: i32) -> (i32, i32) {
    %c0_i32 = arith.constant 0 : i32
    %c0_i32_0 = arith.constant 0 : i32
    %c0_i32_1 = arith.constant 0 : i32
    return %c0_i32, %c0_i32_0 : i32, i32
  }
  func.func @transform_12(%arg0: i32) -> (i32, i32) {
    %c0_i32 = arith.constant 0 : i32
    %c0_i32_0 = arith.constant 0 : i32
    %c0_i32_1 = arith.constant 0 : i32
    return %c0_i32, %c0_i32_0 : i32, i32
  }
  func.func @transform_13(%arg0: i32) -> (i32, i32) {
    %c0_i32 = arith.constant 0 : i32
    %c0_i32_0 = arith.constant 0 : i32
    %c0_i32_1 = arith.constant 0 : i32
    return %c0_i32, %c0_i32_0 : i32, i32
  }
  func.func @transform_14(%arg0: i32) -> (i32, i32) {
    %c0_i32 = arith.constant 0 : i32
    %c0_i32_0 = arith.constant 0 : i32
    %c0_i32_1 = arith.constant 0 : i32
    return %c0_i32, %c0_i32_0 : i32, i32
  }
  func.func @transform_15(%arg0: i32) -> (i32, i32) {
    %c0_i32 = arith.constant 0 : i32
    %c0_i32_0 = arith.constant 0 : i32
    %c0_i32_1 = arith.constant 0 : i32
    return %c0_i32, %c0_i32_0 : i32, i32
  }
  func.func @transform_16(%arg0: i32) -> (i32, i32) {
    %c0_i32 = arith.constant 0 : i32
    %c0_i32_0 = arith.constant 0 : i32
    return %arg0, %c0_i32 : i32, i32
  }
  func.func @transform_17(%arg0: i32) -> (i32, i32) {
    %c0_i32 = arith.constant 0 : i32
    %c0_i32_0 = arith.constant 0 : i32
    return %arg0, %c0_i32 : i32, i32
  }
  func.func @transform_18(%arg0: i32) -> (i32, i32) {
    %c0_i32 = arith.constant 0 : i32
    %c0_i32_0 = arith.constant 0 : i32
    return %arg0, %c0_i32 : i32, i32
  }
}

module attributes {stable_mosaic.version = 14 : i64} {
  func.func @_edge_mlp_body(%arg0: i32, %arg1: memref<2560x128xf32, #tpu.memory_space<vmem>>, %arg2: memref<2560x16xf32, #tpu.memory_space<vmem>>, %arg3: memref<1x16xf32, #tpu.memory_space<vmem>>, %arg4: memref<1x16xf32, #tpu.memory_space<vmem>>, %arg5: memref<16x128xf32, #tpu.memory_space<vmem>>, %arg6: memref<1x128xf32, #tpu.memory_space<vmem>>, %arg7: memref<1x128xf32, #tpu.memory_space<vmem>>, %arg8: memref<128x16xf32, #tpu.memory_space<vmem>>, %arg9: memref<1x16xf32, #tpu.memory_space<vmem>>, %arg10: memref<2560x16xf32, #tpu.memory_space<vmem>>) attributes {dimension_semantics = [#tpu.dimension_semantics<arbitrary>], iteration_bounds = array<i64: 125>, scalar_prefetch = 0 : i64, scratch_operands = 0 : i64, tpu.core_type = #tpu.core_type<tc>, window_params = [{transform_indices = @transform_0, window_bounds = array<i64: 2560, 128>}, {transform_indices = @transform_1, window_bounds = array<i64: 2560, 16>}, {pipeline_mode = #tpu.pipeline_mode<synchronous>, transform_indices = @transform_2, window_bounds = array<i64: 1, 16>}, {pipeline_mode = #tpu.pipeline_mode<synchronous>, transform_indices = @transform_3, window_bounds = array<i64: 1, 16>}, {pipeline_mode = #tpu.pipeline_mode<synchronous>, transform_indices = @transform_4, window_bounds = array<i64: 16, 128>}, {pipeline_mode = #tpu.pipeline_mode<synchronous>, transform_indices = @transform_5, window_bounds = array<i64: 1, 128>}, {pipeline_mode = #tpu.pipeline_mode<synchronous>, transform_indices = @transform_6, window_bounds = array<i64: 1, 128>}, {pipeline_mode = #tpu.pipeline_mode<synchronous>, transform_indices = @transform_7, window_bounds = array<i64: 128, 16>}, {pipeline_mode = #tpu.pipeline_mode<synchronous>, transform_indices = @transform_8, window_bounds = array<i64: 1, 16>}, {transform_indices = @transform_9, window_bounds = array<i64: 2560, 16>}]} {
    %get3A = arith.constant 0 : index
    %get3A_0 = arith.constant 0 : index
    %get3A_1 = vector.load %arg2[%get3A, %get3A_0] : memref<2560x16xf32, #tpu.memory_space<vmem>>, vector<2560x16xf32>
    %get3A_2 = arith.constant 0 : index
    %get3A_3 = arith.constant 0 : index
    %get3A_4 = vector.load %arg3[%get3A_2, %get3A_3] : memref<1x16xf32, #tpu.memory_space<vmem>>, vector<1x16xf32>
    %get3A_5 = arith.constant 0 : index
    %get3A_6 = arith.constant 0 : index
    %get3A_7 = vector.load %arg4[%get3A_5, %get3A_6] : memref<1x16xf32, #tpu.memory_space<vmem>>, vector<1x16xf32>
    %reduce_sum3A = arith.constant dense<0.000000e+00> : vector<2560xf32>
    %reduce_sum3A_8 = vector.multi_reduction <add>, %get3A_1, %reduce_sum3A [1] : vector<2560x16xf32> to vector<2560xf32>
    %broadcast_in_dim3A = vector.shape_cast %reduce_sum3A_8 : vector<2560xf32> to vector<2560x1xf32>
    %div3A = arith.constant 1.600000e+01 : f32
    %div3A_9 = vector.broadcast %div3A : f32 to vector<2560x1xf32>
    %div3A_10 = arith.divf %broadcast_in_dim3A, %div3A_9 : vector<2560x1xf32>
    %jit3A = arith.constant 0 : i32
    %reduce_sum3A_11 = arith.constant dense<0.000000e+00> : vector<2560xf32>
    %reduce_sum3A_12 = vector.multi_reduction <add>, %get3A_1, %reduce_sum3A_11 [1] : vector<2560x16xf32> to vector<2560xf32>
    %broadcast_in_dim3A_13 = vector.shape_cast %reduce_sum3A_12 : vector<2560xf32> to vector<2560x1xf32>
    %div3A_14 = arith.constant 1.600000e+01 : f32
    %div3A_15 = vector.broadcast %div3A_14 : f32 to vector<2560x1xf32>
    %div3A_16 = arith.divf %broadcast_in_dim3A_13, %div3A_15 : vector<2560x1xf32>
    %sub3A = vector.broadcast %div3A_16 : vector<2560x1xf32> to vector<2560x16xf32>
    %sub3A_17 = arith.subf %get3A_1, %sub3A : vector<2560x16xf32>
    %square3A = arith.mulf %sub3A_17, %sub3A_17 : vector<2560x16xf32>
    %convert_element_type3A = arith.sitofp %jit3A : i32 to f32
    %sub3A_18 = arith.constant 1.600000e+01 : f32
    %sub3A_19 = arith.subf %sub3A_18, %convert_element_type3A : f32
    %reduce_sum3A_20 = arith.constant dense<0.000000e+00> : vector<2560xf32>
    %reduce_sum3A_21 = vector.multi_reduction <add>, %square3A, %reduce_sum3A_20 [1] : vector<2560x16xf32> to vector<2560xf32>
    %broadcast_in_dim3A_22 = vector.shape_cast %reduce_sum3A_21 : vector<2560xf32> to vector<2560x1xf32>
    %div3A_23 = vector.broadcast %sub3A_19 : f32 to vector<2560x1xf32>
    %div3A_24 = arith.divf %broadcast_in_dim3A_22, %div3A_23 : vector<2560x1xf32>
    %gt3A = arith.constant 0.000000e+00 : f32
    %gt3A_25 = arith.cmpf ogt, %sub3A_19, %gt3A : f32
    %jit3A_26 = arith.constant 0x7FC00000 : f32
    %broadcast_in_dim3A_27 = vector.broadcast %jit3A_26 : f32 to vector<2560x1xf32>
    %select_n3A = arith.select %gt3A_25, %div3A_24, %broadcast_in_dim3A_27 : vector<2560x1xf32>
    %sub3A_28 = vector.broadcast %div3A_10 : vector<2560x1xf32> to vector<2560x16xf32>
    %sub3A_29 = arith.subf %get3A_1, %sub3A_28 : vector<2560x16xf32>
    %add3A = arith.constant 9.99999974E-6 : f32
    %add3A_30 = vector.broadcast %add3A : f32 to vector<2560x1xf32>
    %add3A_31 = arith.addf %select_n3A, %add3A_30 : vector<2560x1xf32>
    %sqrt3A = math.sqrt %add3A_31 : vector<2560x1xf32>
    %div3A_32 = vector.broadcast %sqrt3A : vector<2560x1xf32> to vector<2560x16xf32>
    %div3A_33 = arith.divf %sub3A_29, %div3A_32 : vector<2560x16xf32>
    %mul3A = vector.broadcast %get3A_4 : vector<1x16xf32> to vector<2560x16xf32>
    %mul3A_34 = arith.mulf %div3A_33, %mul3A : vector<2560x16xf32>
    %add3A_35 = vector.broadcast %get3A_7 : vector<1x16xf32> to vector<2560x16xf32>
    %add3A_36 = arith.addf %mul3A_34, %add3A_35 : vector<2560x16xf32>
    %max3A = arith.constant 0.000000e+00 : f32
    %max3A_37 = vector.broadcast %max3A : f32 to vector<2560x16xf32>
    %max3A_38 = arith.maximumf %add3A_36, %max3A_37 : vector<2560x16xf32>
    %get3A_39 = arith.constant 0 : index
    %get3A_40 = arith.constant 0 : index
    %get3A_41 = vector.load %arg5[%get3A_39, %get3A_40] : memref<16x128xf32, #tpu.memory_space<vmem>>, vector<16x128xf32>
    %dot_general3A = arith.constant dense<0.000000e+00> : vector<2560x128xf32>
    %dot_general3A_42 = tpu.matmul %max3A_38, %get3A_41, %dot_general3A {dimension_numbers = #tpu.dot_dimension_numbers<[1], [0], [0], [1], [0, 0, 1, 1], [], []>, transpose_lhs_hint = false} : vector<2560x16xf32>, vector<16x128xf32>, vector<2560x128xf32> -> vector<2560x128xf32>
    %get3A_43 = arith.constant 0 : index
    %get3A_44 = arith.constant 0 : index
    %get3A_45 = vector.load %arg1[%get3A_43, %get3A_44] : memref<2560x128xf32, #tpu.memory_space<vmem>>, vector<2560x128xf32>
    %add3A_46 = arith.addf %get3A_45, %dot_general3A_42 : vector<2560x128xf32>
    %get3A_47 = arith.constant 0 : index
    %get3A_48 = arith.constant 0 : index
    %get3A_49 = vector.load %arg6[%get3A_47, %get3A_48] : memref<1x128xf32, #tpu.memory_space<vmem>>, vector<1x128xf32>
    %get3A_50 = arith.constant 0 : index
    %get3A_51 = arith.constant 0 : index
    %get3A_52 = vector.load %arg7[%get3A_50, %get3A_51] : memref<1x128xf32, #tpu.memory_space<vmem>>, vector<1x128xf32>
    %reduce_sum3A_53 = arith.constant dense<0.000000e+00> : vector<2560xf32>
    %reduce_sum3A_54 = vector.multi_reduction <add>, %add3A_46, %reduce_sum3A_53 [1] : vector<2560x128xf32> to vector<2560xf32>
    %broadcast_in_dim3A_55 = vector.shape_cast %reduce_sum3A_54 : vector<2560xf32> to vector<2560x1xf32>
    %div3A_56 = arith.constant 1.280000e+02 : f32
    %div3A_57 = vector.broadcast %div3A_56 : f32 to vector<2560x1xf32>
    %div3A_58 = arith.divf %broadcast_in_dim3A_55, %div3A_57 : vector<2560x1xf32>
    %jit3A_59 = arith.constant 0 : i32
    %reduce_sum3A_60 = arith.constant dense<0.000000e+00> : vector<2560xf32>
    %reduce_sum3A_61 = vector.multi_reduction <add>, %add3A_46, %reduce_sum3A_60 [1] : vector<2560x128xf32> to vector<2560xf32>
    %broadcast_in_dim3A_62 = vector.shape_cast %reduce_sum3A_61 : vector<2560xf32> to vector<2560x1xf32>
    %div3A_63 = arith.constant 1.280000e+02 : f32
    %div3A_64 = vector.broadcast %div3A_63 : f32 to vector<2560x1xf32>
    %div3A_65 = arith.divf %broadcast_in_dim3A_62, %div3A_64 : vector<2560x1xf32>
    %sub3A_66 = vector.broadcast %div3A_65 : vector<2560x1xf32> to vector<2560x128xf32>
    %sub3A_67 = arith.subf %add3A_46, %sub3A_66 : vector<2560x128xf32>
    %square3A_68 = arith.mulf %sub3A_67, %sub3A_67 : vector<2560x128xf32>
    %convert_element_type3A_69 = arith.sitofp %jit3A_59 : i32 to f32
    %sub3A_70 = arith.constant 1.280000e+02 : f32
    %sub3A_71 = arith.subf %sub3A_70, %convert_element_type3A_69 : f32
    %reduce_sum3A_72 = arith.constant dense<0.000000e+00> : vector<2560xf32>
    %reduce_sum3A_73 = vector.multi_reduction <add>, %square3A_68, %reduce_sum3A_72 [1] : vector<2560x128xf32> to vector<2560xf32>
    %broadcast_in_dim3A_74 = vector.shape_cast %reduce_sum3A_73 : vector<2560xf32> to vector<2560x1xf32>
    %div3A_75 = vector.broadcast %sub3A_71 : f32 to vector<2560x1xf32>
    %div3A_76 = arith.divf %broadcast_in_dim3A_74, %div3A_75 : vector<2560x1xf32>
    %gt3A_77 = arith.constant 0.000000e+00 : f32
    %gt3A_78 = arith.cmpf ogt, %sub3A_71, %gt3A_77 : f32
    %jit3A_79 = arith.constant 0x7FC00000 : f32
    %broadcast_in_dim3A_80 = vector.broadcast %jit3A_79 : f32 to vector<2560x1xf32>
    %select_n3A_81 = arith.select %gt3A_78, %div3A_76, %broadcast_in_dim3A_80 : vector<2560x1xf32>
    %sub3A_82 = vector.broadcast %div3A_58 : vector<2560x1xf32> to vector<2560x128xf32>
    %sub3A_83 = arith.subf %add3A_46, %sub3A_82 : vector<2560x128xf32>
    %add3A_84 = arith.constant 9.99999974E-6 : f32
    %add3A_85 = vector.broadcast %add3A_84 : f32 to vector<2560x1xf32>
    %add3A_86 = arith.addf %select_n3A_81, %add3A_85 : vector<2560x1xf32>
    %sqrt3A_87 = math.sqrt %add3A_86 : vector<2560x1xf32>
    %div3A_88 = vector.broadcast %sqrt3A_87 : vector<2560x1xf32> to vector<2560x128xf32>
    %div3A_89 = arith.divf %sub3A_83, %div3A_88 : vector<2560x128xf32>
    %mul3A_90 = vector.broadcast %get3A_49 : vector<1x128xf32> to vector<2560x128xf32>
    %mul3A_91 = arith.mulf %div3A_89, %mul3A_90 : vector<2560x128xf32>
    %add3A_92 = vector.broadcast %get3A_52 : vector<1x128xf32> to vector<2560x128xf32>
    %add3A_93 = arith.addf %mul3A_91, %add3A_92 : vector<2560x128xf32>
    %max3A_94 = arith.constant 0.000000e+00 : f32
    %max3A_95 = vector.broadcast %max3A_94 : f32 to vector<2560x128xf32>
    %max3A_96 = arith.maximumf %add3A_93, %max3A_95 : vector<2560x128xf32>
    %get3A_97 = arith.constant 0 : index
    %get3A_98 = arith.constant 0 : index
    %get3A_99 = vector.load %arg8[%get3A_97, %get3A_98] : memref<128x16xf32, #tpu.memory_space<vmem>>, vector<128x16xf32>
    %dot_general3A_100 = arith.constant dense<0.000000e+00> : vector<2560x16xf32>
    %dot_general3A_101 = tpu.matmul %max3A_96, %get3A_99, %dot_general3A_100 {dimension_numbers = #tpu.dot_dimension_numbers<[1], [0], [0], [1], [0, 0, 1, 1], [], []>, transpose_lhs_hint = false} : vector<2560x128xf32>, vector<128x16xf32>, vector<2560x16xf32> -> vector<2560x16xf32>
    %add3A_102 = arith.addf %get3A_1, %dot_general3A_101 : vector<2560x16xf32>
    %get3A_103 = arith.constant 0 : index
    %get3A_104 = arith.constant 0 : index
    %get3A_105 = vector.load %arg9[%get3A_103, %get3A_104] : memref<1x16xf32, #tpu.memory_space<vmem>>, vector<1x16xf32>
    %add3A_106 = vector.broadcast %get3A_105 : vector<1x16xf32> to vector<2560x16xf32>
    %add3A_107 = arith.addf %add3A_102, %add3A_106 : vector<2560x16xf32>
    %swap3A = arith.constant 0 : index
    %swap3A_108 = arith.constant 0 : index
    %swap3A_109 = vector.load %arg10[%swap3A, %swap3A_108] : memref<2560x16xf32, #tpu.memory_space<vmem>>, vector<2560x16xf32>
    tpu.vector_store %arg10[%swap3A, %swap3A_108], %add3A_107 {strides = array<i32>} : memref<2560x16xf32, #tpu.memory_space<vmem>>, vector<2560x16xf32>,
    return
  }
  func.func @transform_0(%arg0: i32) -> (i32, i32) {
    %c0_i32 = arith.constant 0 : i32
    %c0_i32_0 = arith.constant 0 : i32
    return %arg0, %c0_i32 : i32, i32
  }
  func.func @transform_1(%arg0: i32) -> (i32, i32) {
    %c0_i32 = arith.constant 0 : i32
    %c0_i32_0 = arith.constant 0 : i32
    return %arg0, %c0_i32 : i32, i32
  }
  func.func @transform_2(%arg0: i32) -> (i32, i32) {
    %c0_i32 = arith.constant 0 : i32
    %c0_i32_0 = arith.constant 0 : i32
    %c0_i32_1 = arith.constant 0 : i32
    return %c0_i32, %c0_i32_0 : i32, i32
  }
  func.func @transform_3(%arg0: i32) -> (i32, i32) {
    %c0_i32 = arith.constant 0 : i32
    %c0_i32_0 = arith.constant 0 : i32
    %c0_i32_1 = arith.constant 0 : i32
    return %c0_i32, %c0_i32_0 : i32, i32
  }
  func.func @transform_4(%arg0: i32) -> (i32, i32) {
    %c0_i32 = arith.constant 0 : i32
    %c0_i32_0 = arith.constant 0 : i32
    %c0_i32_1 = arith.constant 0 : i32
    return %c0_i32, %c0_i32_0 : i32, i32
  }
  func.func @transform_5(%arg0: i32) -> (i32, i32) {
    %c0_i32 = arith.constant 0 : i32
    %c0_i32_0 = arith.constant 0 : i32
    %c0_i32_1 = arith.constant 0 : i32
    return %c0_i32, %c0_i32_0 : i32, i32
  }
  func.func @transform_6(%arg0: i32) -> (i32, i32) {
    %c0_i32 = arith.constant 0 : i32
    %c0_i32_0 = arith.constant 0 : i32
    %c0_i32_1 = arith.constant 0 : i32
    return %c0_i32, %c0_i32_0 : i32, i32
  }
  func.func @transform_7(%arg0: i32) -> (i32, i32) {
    %c0_i32 = arith.constant 0 : i32
    %c0_i32_0 = arith.constant 0 : i32
    %c0_i32_1 = arith.constant 0 : i32
    return %c0_i32, %c0_i32_0 : i32, i32
  }
  func.func @transform_8(%arg0: i32) -> (i32, i32) {
    %c0_i32 = arith.constant 0 : i32
    %c0_i32_0 = arith.constant 0 : i32
    %c0_i32_1 = arith.constant 0 : i32
    return %c0_i32, %c0_i32_0 : i32, i32
  }
  func.func @transform_9(%arg0: i32) -> (i32, i32) {
    %c0_i32 = arith.constant 0 : i32
    %c0_i32_0 = arith.constant 0 : i32
    return %arg0, %c0_i32 : i32, i32
  }
}

module attributes {stable_mosaic.version = 14 : i64} {
  func.func @_node_upd_body(%arg0: i32, %arg1: memref<1000x16xf32, #tpu.memory_space<vmem>>, %arg2: memref<1000x16xf32, #tpu.memory_space<vmem>>, %arg3: memref<1000x128xf32, #tpu.memory_space<vmem>>, %arg4: memref<1000x128xf32, #tpu.memory_space<vmem>>, %arg5: memref<1x128xf32, #tpu.memory_space<vmem>>, %arg6: memref<1x16xf32, #tpu.memory_space<vmem>>, %arg7: memref<1x16xf32, #tpu.memory_space<vmem>>, %arg8: memref<16x128xf32, #tpu.memory_space<vmem>>, %arg9: memref<1x128xf32, #tpu.memory_space<vmem>>, %arg10: memref<1x128xf32, #tpu.memory_space<vmem>>, %arg11: memref<128x256xf32, #tpu.memory_space<vmem>>, %arg12: memref<1x256xf32, #tpu.memory_space<vmem>>, %arg13: memref<1000x128xf32, #tpu.memory_space<vmem>>, %arg14: memref<1x128xf32, #tpu.memory_space<vmem>>) attributes {dimension_semantics = [#tpu.dimension_semantics<arbitrary>], iteration_bounds = array<i64: 10>, scalar_prefetch = 0 : i64, scratch_operands = 0 : i64, tpu.core_type = #tpu.core_type<tc>, window_params = [{transform_indices = @transform_0, window_bounds = array<i64: 1000, 16>}, {transform_indices = @transform_1, window_bounds = array<i64: 1000, 16>}, {transform_indices = @transform_2, window_bounds = array<i64: 1000, 128>}, {transform_indices = @transform_3, window_bounds = array<i64: 1000, 128>}, {pipeline_mode = #tpu.pipeline_mode<synchronous>, transform_indices = @transform_4, window_bounds = array<i64: 1, 128>}, {pipeline_mode = #tpu.pipeline_mode<synchronous>, transform_indices = @transform_5, window_bounds = array<i64: 1, 16>}, {pipeline_mode = #tpu.pipeline_mode<synchronous>, transform_indices = @transform_6, window_bounds = array<i64: 1, 16>}, {pipeline_mode = #tpu.pipeline_mode<synchronous>, transform_indices = @transform_7, window_bounds = array<i64: 16, 128>}, {pipeline_mode = #tpu.pipeline_mode<synchronous>, transform_indices = @transform_8, window_bounds = array<i64: 1, 128>}, {pipeline_mode = #tpu.pipeline_mode<synchronous>, transform_indices = @transform_9, window_bounds = array<i64: 1, 128>}, {pipeline_mode = #tpu.pipeline_mode<synchronous>, transform_indices = @transform_10, window_bounds = array<i64: 128, 256>}, {pipeline_mode = #tpu.pipeline_mode<synchronous>, transform_indices = @transform_11, window_bounds = array<i64: 1, 256>}, {transform_indices = @transform_12, window_bounds = array<i64: 1000, 128>}, {pipeline_mode = #tpu.pipeline_mode<synchronous>, transform_indices = @transform_13, window_bounds = array<i64: 1, 128>}]} {
    %get3A = arith.constant 0 : index
    %get3A_0 = arith.constant 0 : index
    %get3A_1 = vector.load %arg1[%get3A, %get3A_0] : memref<1000x16xf32, #tpu.memory_space<vmem>>, vector<1000x16xf32>
    %get3A_2 = arith.constant 0 : index
    %get3A_3 = arith.constant 0 : index
    %get3A_4 = vector.load %arg2[%get3A_2, %get3A_3] : memref<1000x16xf32, #tpu.memory_space<vmem>>, vector<1000x16xf32>
    %add3A = arith.addf %get3A_1, %get3A_4 : vector<1000x16xf32>
    %get3A_5 = arith.constant 0 : index
    %get3A_6 = arith.constant 0 : index
    %get3A_7 = vector.load %arg6[%get3A_5, %get3A_6] : memref<1x16xf32, #tpu.memory_space<vmem>>, vector<1x16xf32>
    %get3A_8 = arith.constant 0 : index
    %get3A_9 = arith.constant 0 : index
    %get3A_10 = vector.load %arg7[%get3A_8, %get3A_9] : memref<1x16xf32, #tpu.memory_space<vmem>>, vector<1x16xf32>
    %reduce_sum3A = arith.constant dense<0.000000e+00> : vector<1000xf32>
    %reduce_sum3A_11 = vector.multi_reduction <add>, %add3A, %reduce_sum3A [1] : vector<1000x16xf32> to vector<1000xf32>
    %broadcast_in_dim3A = vector.shape_cast %reduce_sum3A_11 : vector<1000xf32> to vector<1000x1xf32>
    %div3A = arith.constant 1.600000e+01 : f32
    %div3A_12 = vector.broadcast %div3A : f32 to vector<1000x1xf32>
    %div3A_13 = arith.divf %broadcast_in_dim3A, %div3A_12 : vector<1000x1xf32>
    %jit3A = arith.constant 0 : i32
    %reduce_sum3A_14 = arith.constant dense<0.000000e+00> : vector<1000xf32>
    %reduce_sum3A_15 = vector.multi_reduction <add>, %add3A, %reduce_sum3A_14 [1] : vector<1000x16xf32> to vector<1000xf32>
    %broadcast_in_dim3A_16 = vector.shape_cast %reduce_sum3A_15 : vector<1000xf32> to vector<1000x1xf32>
    %div3A_17 = arith.constant 1.600000e+01 : f32
    %div3A_18 = vector.broadcast %div3A_17 : f32 to vector<1000x1xf32>
    %div3A_19 = arith.divf %broadcast_in_dim3A_16, %div3A_18 : vector<1000x1xf32>
    %sub3A = vector.broadcast %div3A_19 : vector<1000x1xf32> to vector<1000x16xf32>
    %sub3A_20 = arith.subf %add3A, %sub3A : vector<1000x16xf32>
    %square3A = arith.mulf %sub3A_20, %sub3A_20 : vector<1000x16xf32>
    %convert_element_type3A = arith.sitofp %jit3A : i32 to f32
    %sub3A_21 = arith.constant 1.600000e+01 : f32
    %sub3A_22 = arith.subf %sub3A_21, %convert_element_type3A : f32
    %reduce_sum3A_23 = arith.constant dense<0.000000e+00> : vector<1000xf32>
    %reduce_sum3A_24 = vector.multi_reduction <add>, %square3A, %reduce_sum3A_23 [1] : vector<1000x16xf32> to vector<1000xf32>
    %broadcast_in_dim3A_25 = vector.shape_cast %reduce_sum3A_24 : vector<1000xf32> to vector<1000x1xf32>
    %div3A_26 = vector.broadcast %sub3A_22 : f32 to vector<1000x1xf32>
    %div3A_27 = arith.divf %broadcast_in_dim3A_25, %div3A_26 : vector<1000x1xf32>
    %gt3A = arith.constant 0.000000e+00 : f32
    %gt3A_28 = arith.cmpf ogt, %sub3A_22, %gt3A : f32
    %jit3A_29 = arith.constant 0x7FC00000 : f32
    %broadcast_in_dim3A_30 = vector.broadcast %jit3A_29 : f32 to vector<1000x1xf32>
    %select_n3A = arith.select %gt3A_28, %div3A_27, %broadcast_in_dim3A_30 : vector<1000x1xf32>
    %sub3A_31 = vector.broadcast %div3A_13 : vector<1000x1xf32> to vector<1000x16xf32>
    %sub3A_32 = arith.subf %add3A, %sub3A_31 : vector<1000x16xf32>
    %add3A_33 = arith.constant 9.99999974E-6 : f32
    %add3A_34 = vector.broadcast %add3A_33 : f32 to vector<1000x1xf32>
    %add3A_35 = arith.addf %select_n3A, %add3A_34 : vector<1000x1xf32>
    %sqrt3A = math.sqrt %add3A_35 : vector<1000x1xf32>
    %div3A_36 = vector.broadcast %sqrt3A : vector<1000x1xf32> to vector<1000x16xf32>
    %div3A_37 = arith.divf %sub3A_32, %div3A_36 : vector<1000x16xf32>
    %mul3A = vector.broadcast %get3A_7 : vector<1x16xf32> to vector<1000x16xf32>
    %mul3A_38 = arith.mulf %div3A_37, %mul3A : vector<1000x16xf32>
    %add3A_39 = vector.broadcast %get3A_10 : vector<1x16xf32> to vector<1000x16xf32>
    %add3A_40 = arith.addf %mul3A_38, %add3A_39 : vector<1000x16xf32>
    %max3A = arith.constant 0.000000e+00 : f32
    %max3A_41 = vector.broadcast %max3A : f32 to vector<1000x16xf32>
    %max3A_42 = arith.maximumf %add3A_40, %max3A_41 : vector<1000x16xf32>
    %get3A_43 = arith.constant 0 : index
    %get3A_44 = arith.constant 0 : index
    %get3A_45 = vector.load %arg8[%get3A_43, %get3A_44] : memref<16x128xf32, #tpu.memory_space<vmem>>, vector<16x128xf32>
    %dot_general3A = arith.constant dense<0.000000e+00> : vector<1000x128xf32>
    %dot_general3A_46 = tpu.matmul %max3A_42, %get3A_45, %dot_general3A {dimension_numbers = #tpu.dot_dimension_numbers<[1], [0], [0], [1], [0, 0, 1, 1], [], []>, transpose_lhs_hint = false} : vector<1000x16xf32>, vector<16x128xf32>, vector<1000x128xf32> -> vector<1000x128xf32>
    %get3A_47 = arith.constant 0 : index
    %get3A_48 = arith.constant 0 : index
    %get3A_49 = vector.load %arg4[%get3A_47, %get3A_48] : memref<1000x128xf32, #tpu.memory_space<vmem>>, vector<1000x128xf32>
    %add3A_50 = arith.addf %get3A_49, %dot_general3A_46 : vector<1000x128xf32>
    %get3A_51 = arith.constant 0 : index
    %get3A_52 = arith.constant 0 : index
    %get3A_53 = vector.load %arg9[%get3A_51, %get3A_52] : memref<1x128xf32, #tpu.memory_space<vmem>>, vector<1x128xf32>
    %get3A_54 = arith.constant 0 : index
    %get3A_55 = arith.constant 0 : index
    %get3A_56 = vector.load %arg10[%get3A_54, %get3A_55] : memref<1x128xf32, #tpu.memory_space<vmem>>, vector<1x128xf32>
    %reduce_sum3A_57 = arith.constant dense<0.000000e+00> : vector<1000xf32>
    %reduce_sum3A_58 = vector.multi_reduction <add>, %add3A_50, %reduce_sum3A_57 [1] : vector<1000x128xf32> to vector<1000xf32>
    %broadcast_in_dim3A_59 = vector.shape_cast %reduce_sum3A_58 : vector<1000xf32> to vector<1000x1xf32>
    %div3A_60 = arith.constant 1.280000e+02 : f32
    %div3A_61 = vector.broadcast %div3A_60 : f32 to vector<1000x1xf32>
    %div3A_62 = arith.divf %broadcast_in_dim3A_59, %div3A_61 : vector<1000x1xf32>
    %jit3A_63 = arith.constant 0 : i32
    %reduce_sum3A_64 = arith.constant dense<0.000000e+00> : vector<1000xf32>
    %reduce_sum3A_65 = vector.multi_reduction <add>, %add3A_50, %reduce_sum3A_64 [1] : vector<1000x128xf32> to vector<1000xf32>
    %broadcast_in_dim3A_66 = vector.shape_cast %reduce_sum3A_65 : vector<1000xf32> to vector<1000x1xf32>
    %div3A_67 = arith.constant 1.280000e+02 : f32
    %div3A_68 = vector.broadcast %div3A_67 : f32 to vector<1000x1xf32>
    %div3A_69 = arith.divf %broadcast_in_dim3A_66, %div3A_68 : vector<1000x1xf32>
    %sub3A_70 = vector.broadcast %div3A_69 : vector<1000x1xf32> to vector<1000x128xf32>
    %sub3A_71 = arith.subf %add3A_50, %sub3A_70 : vector<1000x128xf32>
    %square3A_72 = arith.mulf %sub3A_71, %sub3A_71 : vector<1000x128xf32>
    %convert_element_type3A_73 = arith.sitofp %jit3A_63 : i32 to f32
    %sub3A_74 = arith.constant 1.280000e+02 : f32
    %sub3A_75 = arith.subf %sub3A_74, %convert_element_type3A_73 : f32
    %reduce_sum3A_76 = arith.constant dense<0.000000e+00> : vector<1000xf32>
    %reduce_sum3A_77 = vector.multi_reduction <add>, %square3A_72, %reduce_sum3A_76 [1] : vector<1000x128xf32> to vector<1000xf32>
    %broadcast_in_dim3A_78 = vector.shape_cast %reduce_sum3A_77 : vector<1000xf32> to vector<1000x1xf32>
    %div3A_79 = vector.broadcast %sub3A_75 : f32 to vector<1000x1xf32>
    %div3A_80 = arith.divf %broadcast_in_dim3A_78, %div3A_79 : vector<1000x1xf32>
    %gt3A_81 = arith.constant 0.000000e+00 : f32
    %gt3A_82 = arith.cmpf ogt, %sub3A_75, %gt3A_81 : f32
    %jit3A_83 = arith.constant 0x7FC00000 : f32
    %broadcast_in_dim3A_84 = vector.broadcast %jit3A_83 : f32 to vector<1000x1xf32>
    %select_n3A_85 = arith.select %gt3A_82, %div3A_80, %broadcast_in_dim3A_84 : vector<1000x1xf32>
    %sub3A_86 = vector.broadcast %div3A_62 : vector<1000x1xf32> to vector<1000x128xf32>
    %sub3A_87 = arith.subf %add3A_50, %sub3A_86 : vector<1000x128xf32>
    %add3A_88 = arith.constant 9.99999974E-6 : f32
    %add3A_89 = vector.broadcast %add3A_88 : f32 to vector<1000x1xf32>
    %add3A_90 = arith.addf %select_n3A_85, %add3A_89 : vector<1000x1xf32>
    %sqrt3A_91 = math.sqrt %add3A_90 : vector<1000x1xf32>
    %div3A_92 = vector.broadcast %sqrt3A_91 : vector<1000x1xf32> to vector<1000x128xf32>
    %div3A_93 = arith.divf %sub3A_87, %div3A_92 : vector<1000x128xf32>
    %mul3A_94 = vector.broadcast %get3A_53 : vector<1x128xf32> to vector<1000x128xf32>
    %mul3A_95 = arith.mulf %div3A_93, %mul3A_94 : vector<1000x128xf32>
    %add3A_96 = vector.broadcast %get3A_56 : vector<1x128xf32> to vector<1000x128xf32>
    %add3A_97 = arith.addf %mul3A_95, %add3A_96 : vector<1000x128xf32>
    %max3A_98 = arith.constant 0.000000e+00 : f32
    %max3A_99 = vector.broadcast %max3A_98 : f32 to vector<1000x128xf32>
    %max3A_100 = arith.maximumf %add3A_97, %max3A_99 : vector<1000x128xf32>
    %get3A_101 = arith.constant 0 : index
    %get3A_102 = arith.constant 0 : index
    %get3A_103 = vector.load %arg11[%get3A_101, %get3A_102] : memref<128x256xf32, #tpu.memory_space<vmem>>, vector<128x256xf32>
    %dot_general3A_104 = arith.constant dense<0.000000e+00> : vector<1000x256xf32>
    %dot_general3A_105 = tpu.matmul %max3A_100, %get3A_103, %dot_general3A_104 {dimension_numbers = #tpu.dot_dimension_numbers<[1], [0], [0], [1], [0, 0, 1, 1], [], []>, transpose_lhs_hint = false} : vector<1000x128xf32>, vector<128x256xf32>, vector<1000x256xf32> -> vector<1000x256xf32>
    %get3A_106 = arith.constant 0 : index
    %get3A_107 = arith.constant 0 : index
    %get3A_108 = vector.load %arg12[%get3A_106, %get3A_107] : memref<1x256xf32, #tpu.memory_space<vmem>>, vector<1x256xf32>
    %add3A_109 = vector.broadcast %get3A_108 : vector<1x256xf32> to vector<1000x256xf32>
    %add3A_110 = arith.addf %dot_general3A_105, %add3A_109 : vector<1000x256xf32>
    %get3A_111 = arith.constant 0 : index
    %get3A_112 = arith.constant 0 : index
    %get3A_113 = vector.load %arg3[%get3A_111, %get3A_112] : memref<1000x128xf32, #tpu.memory_space<vmem>>, vector<1000x128xf32>
    %slice3A = vector.extract_strided_slice %add3A_110 {offsets = [0, 0], sizes = [1000, 128], strides = [1, 1]} : vector<1000x256xf32> to vector<1000x128xf32>
    %add3A_114 = arith.addf %get3A_113, %slice3A : vector<1000x128xf32>
    %swap3A = arith.constant 0 : index
    %swap3A_115 = arith.constant 0 : index
    %swap3A_116 = vector.load %arg13[%swap3A, %swap3A_115] : memref<1000x128xf32, #tpu.memory_space<vmem>>, vector<1000x128xf32>
    tpu.vector_store %arg13[%swap3A, %swap3A_115], %add3A_114 {strides = array<i32>} : memref<1000x128xf32, #tpu.memory_space<vmem>>, vector<1000x128xf32>,
    %slice3A_117 = vector.extract_strided_slice %add3A_110 {offsets = [0, 128], sizes = [1000, 128], strides = [1, 1]} : vector<1000x256xf32> to vector<1000x128xf32>
    %reduce_sum3A_118 = arith.constant dense<0.000000e+00> : vector<128xf32>
    %reduce_sum3A_119 = vector.multi_reduction <add>, %slice3A_117, %reduce_sum3A_118 [0] : vector<1000x128xf32> to vector<128xf32>
    %broadcast_in_dim3A_120 = vector.shape_cast %reduce_sum3A_119 : vector<128xf32> to vector<1x128xf32>
    %eq3A = arith.constant 0 : i32
    %eq3A_121 = arith.cmpi eq, %arg0, %eq3A : i32
    %convert_element_type3A_122 = arith.extui %eq3A_121 : i1 to i32
    %cond3A = arith.constant 0 : i32
    %cond3A_123 = arith.cmpi ne, %convert_element_type3A_122, %cond3A : i32
    scf.if %cond3A_123 {
      %get3A_129 = arith.constant 0 : index
      %get3A_130 = arith.constant 0 : index
      %get3A_131 = vector.load %arg5[%get3A_129, %get3A_130] : memref<1x128xf32, #tpu.memory_space<vmem>>, vector<1x128xf32>
      %add3A_132 = arith.addf %get3A_131, %broadcast_in_dim3A_120 : vector<1x128xf32>
      %swap3A_133 = arith.constant 0 : index
      %swap3A_134 = arith.constant 0 : index
      %swap3A_135 = vector.load %arg14[%swap3A_133, %swap3A_134] : memref<1x128xf32, #tpu.memory_space<vmem>>, vector<1x128xf32>
      tpu.vector_store %arg14[%swap3A_133, %swap3A_134], %add3A_132 {strides = array<i32>} : memref<1x128xf32, #tpu.memory_space<vmem>>, vector<1x128xf32>,
    } else {
    }
    %gt3A_124 = arith.constant 0 : i32
    %gt3A_125 = arith.cmpi sgt, %arg0, %gt3A_124 : i32
    %convert_element_type3A_126 = arith.extui %gt3A_125 : i1 to i32
    %cond3A_127 = arith.constant 0 : i32
    %cond3A_128 = arith.cmpi ne, %convert_element_type3A_126, %cond3A_127 : i32
    scf.if %cond3A_128 {
      %get3A_129 = arith.constant 0 : index
      %get3A_130 = arith.constant 0 : index
      %get3A_131 = vector.load %arg14[%get3A_129, %get3A_130] : memref<1x128xf32, #tpu.memory_space<vmem>>, vector<1x128xf32>
      %add3A_132 = arith.addf %get3A_131, %broadcast_in_dim3A_120 : vector<1x128xf32>
      %swap3A_133 = arith.constant 0 : index
      %swap3A_134 = arith.constant 0 : index
      %swap3A_135 = vector.load %arg14[%swap3A_133, %swap3A_134] : memref<1x128xf32, #tpu.memory_space<vmem>>, vector<1x128xf32>
      tpu.vector_store %arg14[%swap3A_133, %swap3A_134], %add3A_132 {strides = array<i32>} : memref<1x128xf32, #tpu.memory_space<vmem>>, vector<1x128xf32>,
    } else {
    }
    return
  }
  func.func @transform_0(%arg0: i32) -> (i32, i32) {
    %c0_i32 = arith.constant 0 : i32
    %c0_i32_0 = arith.constant 0 : i32
    return %arg0, %c0_i32 : i32, i32
  }
  func.func @transform_1(%arg0: i32) -> (i32, i32) {
    %c0_i32 = arith.constant 0 : i32
    %c0_i32_0 = arith.constant 0 : i32
    return %arg0, %c0_i32 : i32, i32
  }
  func.func @transform_2(%arg0: i32) -> (i32, i32) {
    %c0_i32 = arith.constant 0 : i32
    %c0_i32_0 = arith.constant 0 : i32
    return %arg0, %c0_i32 : i32, i32
  }
  func.func @transform_3(%arg0: i32) -> (i32, i32) {
    %c0_i32 = arith.constant 0 : i32
    %c0_i32_0 = arith.constant 0 : i32
    return %arg0, %c0_i32 : i32, i32
  }
  func.func @transform_4(%arg0: i32) -> (i32, i32) {
    %c0_i32 = arith.constant 0 : i32
    %c0_i32_0 = arith.constant 0 : i32
    %c0_i32_1 = arith.constant 0 : i32
    return %c0_i32, %c0_i32_0 : i32, i32
  }
  func.func @transform_5(%arg0: i32) -> (i32, i32) {
    %c0_i32 = arith.constant 0 : i32
    %c0_i32_0 = arith.constant 0 : i32
    %c0_i32_1 = arith.constant 0 : i32
    return %c0_i32, %c0_i32_0 : i32, i32
  }
  func.func @transform_6(%arg0: i32) -> (i32, i32) {
    %c0_i32 = arith.constant 0 : i32
    %c0_i32_0 = arith.constant 0 : i32
    %c0_i32_1 = arith.constant 0 : i32
    return %c0_i32, %c0_i32_0 : i32, i32
  }
  func.func @transform_7(%arg0: i32) -> (i32, i32) {
    %c0_i32 = arith.constant 0 : i32
    %c0_i32_0 = arith.constant 0 : i32
    %c0_i32_1 = arith.constant 0 : i32
    return %c0_i32, %c0_i32_0 : i32, i32
  }
  func.func @transform_8(%arg0: i32) -> (i32, i32) {
    %c0_i32 = arith.constant 0 : i32
    %c0_i32_0 = arith.constant 0 : i32
    %c0_i32_1 = arith.constant 0 : i32
    return %c0_i32, %c0_i32_0 : i32, i32
  }
  func.func @transform_9(%arg0: i32) -> (i32, i32) {
    %c0_i32 = arith.constant 0 : i32
    %c0_i32_0 = arith.constant 0 : i32
    %c0_i32_1 = arith.constant 0 : i32
    return %c0_i32, %c0_i32_0 : i32, i32
  }
  func.func @transform_10(%arg0: i32) -> (i32, i32) {
    %c0_i32 = arith.constant 0 : i32
    %c0_i32_0 = arith.constant 0 : i32
    %c0_i32_1 = arith.constant 0 : i32
    return %c0_i32, %c0_i32_0 : i32, i32
  }
  func.func @transform_11(%arg0: i32) -> (i32, i32) {
    %c0_i32 = arith.constant 0 : i32
    %c0_i32_0 = arith.constant 0 : i32
    %c0_i32_1 = arith.constant 0 : i32
    return %c0_i32, %c0_i32_0 : i32, i32
  }
  func.func @transform_12(%arg0: i32) -> (i32, i32) {
    %c0_i32 = arith.constant 0 : i32
    %c0_i32_0 = arith.constant 0 : i32
    return %arg0, %c0_i32 : i32, i32
  }
  func.func @transform_13(%arg0: i32) -> (i32, i32) {
    %c0_i32 = arith.constant 0 : i32
    %c0_i32_0 = arith.constant 0 : i32
    %c0_i32_1 = arith.constant 0 : i32
    return %c0_i32, %c0_i32_0 : i32, i32
  }
}

</mosaic_0001>

<sc_bundles>
// kernel: kernel.10.cloned.1.call-start
scs
__scs_entry_jumppad:
0x0: {  	(pc) =	sbr.rel $0x88, $3  }
0x1: {  	(tag) =	ssettag $0x0;
	lr =	simm.s32 $0x1  }
0x2: {  	[smem:$0x3F81] =	sst lr;
	_ =	strace $0xD0000000  }
0x3: {  	_ = 	snop  }
0x4: {  	_ = 	snop  }
0x5: {  	_ = 	snop  }
0x6: {  	_ = 	snop  }
0x7: {  	_ = 	snop  }
__scs_overlays_trampoline_lowered:
0x8: {  	[smem:$0x3F90] =	sst s0  }
0x9: {  	[smem:$0x3F91] =	sst s1  }
0xa: {  	[smem:$0x3F92] =	sst s2  }
0xb: {  	[smem:$0x3F93] =	sst s3  }
0xc: {  	[smem:$0x3F94] =	sst s4  }
0xd: {  	[smem:$0x3F95] =	sst s5  }
0xe: {  	[smem:$0x3F96] =	sst s6  }
0xf: {  	[smem:$0x3F97] =	sst s7  }
0x10: {  	[smem:$0x3F98] =	sst s8  }
0x11: {  	[smem:$0x3F99] =	sst s9;
	s0 =	simm.s32 @!p0 $0x0  }
0x12: {  	s1 =	sld [smem:$0x3F7F];
	s0 =	simm.s32 @p0 $0x1  }
0x13: {  	[smem:$0x3F9A] =	sst s0;
	s0 =	simm.s32 @!p1 $0x0  }
0x14: {  	s2 =	sld [smem:$0x3F7E];
	s0 =	simm.s32 @p1 $0x1  }
0x15: {  	[smem:$0x3F9B] =	sst s0;
	s0 =	simm.s32 @!p2 $0x0  }
0x16: {  	s3 =	sld [smem:$0x3FDB];
	s0 =	simm.s32 @p2 $0x1  }
0x17: {  	s4 =	simm.s32 $0x1BF5;
	[smem:$0x3F9D] =	sst s0  }
0x18: {  	s0 =	sld [smem:$0x3F80];
	_ =	swait.ge [sflag:s4], $0x0  }
0x19: {  	s7 =	sld [smem:$0x3F81]  }
0x1a: {  	s8 =	sadd.s32 $0xFFFFE003, lr  }
0x1b: {  	s9 =	sadd.s32 $0xFFFFFEF7, lr;
	s5 =	simm.s32 $0xFFFFFFFF;
	p2 =	slt.u32 s8, $0xFFFFF086  }
0x1c: {  	p1 =	slt.u32 s9, $0xF7A;
	s5 =	simm.s32 @!p2 $0x0  }
0x1d: {  	s5 =	simm.s32 @p1 $0x1;
	p0 =	seq.s32 s7, s2  }
0x1e: {  	s7 =	smul.u32 @!p0 $0xF7A, s2;
	p2 =	seq.s32 @!p0 s5, $0x0  }
0x1f: {  	s9 =	smul.u32 $0xF7A, s1;
	s8 =	simm.s32 @!p0 $0x1BF5;
	p2 =	por !p2, p0  }
0x20: {  	[sflag:s8] =	ssyncset.s32 @!p0 $0xFFFFF086;
	s6 =	sadd.s32 @!p0 s3, s7;
	s7 =	simm.s32 @!p0 $0x108  }
0x21: {  	s3 =	sadd.s32 s3, s9;
	s6 =	sadd.s32 @!p0 $0x88, s6;
	s7 =	simm.s32 @p2 $0x1082  }
0x22: {  	[simem:s7], [sflag:s8] =	dma.local @!p0 [hbm:s6], $0xF7A  }
0x23: {  	s9 =	sor.u32 $0xD0000000, s2;
	s6 =	simm.s32 $0x108;
	_ =	swait.ge @!p0 [sflag:s8], $0x0  }
0x24: {  	s3 =	sadd.s32 $0x88, s3;
	s6 =	simm.s32 @!p1 $0x1082;
	[sflag:s4] =	ssyncset.s32 $0xFFFFF086  }
0x25: {  	[simem:s6], [sflag:s4] =	dma.local [hbm:s3], $0xF7A  }
0x26: {  	[smem:$0x3F81] =	sst s1;
	(tag) =	ssettag s2;
	_ =	strace s9  }
0x27: {  	s1 =	sld [smem:$0x3F91]  }
0x28: {  	s2 =	sld [smem:$0x3F92]  }
0x29: {  	s4 =	sld [smem:$0x3F94]  }
0x2a: {  	p0 =	seq.s32 s5, $0x0;
	s5 =	sld [smem:$0x3F95]  }
0x2b: {  	s6 =	sld [smem:$0x3F96]  }
0x2c: {  	s7 =	sld [smem:$0x3F97]  }
0x2d: {  	s3 =	simm.s32 $0x108;
	s8 =	sld [smem:$0x3F98]  }
0x2e: {  	s3 =	simm.s32 @!p0 $0x1082;
	s9 =	sld [smem:$0x3F99]  }
0x2f: {  	lr =	sadd.s32 s0, s3;
	s0 =	sld [smem:$0x3F90]  }
0x30: {  	s3 =	sld [smem:$0x3F93]  }
0x31: {  	[smem:$0x3F9C] =	sst s10  }
0x32: {  	s10 =	sld [smem:$0x3F9A];
	_ =	sdelay $0x3  }
0x33: {  	p0 =	seq.s32 s10, $0x1;
	s10 =	sld [smem:$0x3F9C];
	_ =	sdelay $0x3  }
0x34: {  	[smem:$0x3F9C] =	sst s10  }
0x35: {  	s10 =	sld [smem:$0x3F9B];
	_ =	sdelay $0x3  }
0x36: {  	p1 =	seq.s32 s10, $0x1;
	s10 =	sld [smem:$0x3F9C];
	_ =	sdelay $0x3  }
0x37: {  	[smem:$0x3F9C] =	sst s10  }
0x38: {  	s10 =	sld [smem:$0x3F9D]  }
0x39: {  	_ = 	snop;
	(pc) =	sbr.ind lr, $3  }
0x3a: {  	_ = 	snop  }
0x3b: {  	_ = 	snop  }
0x3c: {  	p2 =	seq.s32 s10, $0x1;
	s10 =	sld [smem:$0x3F9C]  }
0x3d: {  	_ =	shalt  }
0x3e: {  	_ =	shalt  }
0x3f: {  	_ =	shalt  }
0x40: {  	_ =	shalt  }
0x41: {  	_ =	shalt  }
0x42: {  	_ =	shalt  }
0x43: {  	_ =	shalt  }
0x44: {  	_ =	shalt  }
0x45: {  	_ =	shalt  }
0x46: {  	_ =	shalt  }
0x47: {  	_ =	shalt  }
0x48: {  	_ =	shalt  }
0x49: {  	_ =	shalt  }
0x4a: {  	_ =	shalt  }
0x4b: {  	_ =	shalt  }
0x4c: {  	_ =	shalt  }
0x4d: {  	_ =	shalt  }
0x4e: {  	_ =	shalt  }
0x4f: {  	_ =	shalt  }
0x50: {  	_ =	shalt  }
0x51: {  	_ =	shalt  }
0x52: {  	_ =	shalt  }
0x53: {  	_ =	shalt  }
0x54: {  	_ =	shalt  }
0x55: {  	_ =	shalt  }
0x56: {  	_ =	shalt  }
0x57: {  	_ =	shalt  }
0x58: {  	_ =	shalt  }
0x59: {  	_ =	shalt  }
0x5a: {  	_ =	shalt  }
0x5b: {  	_ =	shalt  }
0x5c: {  	_ =	shalt  }
0x5d: {  	_ =	shalt  }
0x5e: {  	_ =	shalt  }
0x5f: {  	_ =	shalt  }
0x60: {  	_ =	shalt  }
0x61: {  	_ =	shalt  }
0x62: {  	_ =	shalt  }
0x63: {  	_ =	shalt  }
0x64: {  	_ =	shalt  }
0x65: {  	_ =	shalt  }
0x66: {  	_ =	shalt  }
0x67: {  	_ =	shalt  }
0x68: {  	_ =	shalt  }
0x69: {  	_ =	shalt  }
0x6a: {  	_ =	shalt  }
0x6b: {  	_ =	shalt  }
0x6c: {  	_ =	shalt  }
0x6d: {  	_ =	shalt  }
0x6e: {  	_ =	shalt  }
0x6f: {  	_ =	shalt  }
0x70: {  	_ =	shalt  }
0x71: {  	_ =	shalt  }
0x72: {  	_ =	shalt  }
0x73: {  	_ =	shalt  }
0x74: {  	_ =	shalt  }
0x75: {  	_ =	shalt  }
0x76: {  	_ =	shalt  }
0x77: {  	_ =	shalt  }
0x78: {  	_ =	shalt  }
0x79: {  	_ =	shalt  }
0x7a: {  	_ =	shalt  }
0x7b: {  	_ =	shalt  }
0x7c: {  	_ =	shalt  }
0x7d: {  	_ =	shalt  }
0x7e: {  	_ =	shalt  }
0x7f: {  	_ =	shalt  }
0x80: {  	_ =	shalt  }
0x81: {  	_ =	shalt  }
0x82: {  	_ =	shalt  }
0x83: {  	_ =	shalt  }
0x84: {  	_ =	shalt  }
0x85: {  	_ =	shalt  }
0x86: {  	_ =	shalt  }
0x87: {  	_ =	shalt  }
.Lfunc_end0:
.L_simem_size_0:
called_computation.1_lowered:
.L_overlay_start_0:
0x88: {  	s2 =	sld [smem:$0x3FD9]  }
0x89: {  	s3 =	sld [smem:$0x3FFE];
	_ =	sdelay $0x1  }
0x8a: {  	s1 =	srdreg.scid  }
0x8b: {  	s0 =	sand.u32 $0x1, s1  }
0x8c: {  	s14 =	sshll.u32 s0, $0xA;
	s2 =	sadd.s32 s3, s2  }
0x8d: {  	s2 =	sadd.s32 s2, s14  }
0x8e: {  	[smem:$0x3FA8] =	sst s2  }
0x8f: {  	_ = 	snop  }
0x90: {  	s2 =	sld [smem:$0x3FD0];
	_ =	sdelay $0x2  }
0x91: {  	s15 =	simm.s32 $0xA;
	s4 =	simm.s32 $0x10  }
0x92: {  	[smem:s4], [sflag:s15] =	dma.local [hbm:s2], $0x1  }
0x93: {  	_ =	swait.eq [sflag:s15], $0x1  }
0x94: {  	[sflag:s15] =	ssyncset.done $0x0  }
0x95: {  	[sflag:s15] =	ssyncadd.s32 $0xFFFFFFFF  }
0x96: {  	s16 =	sld [smem:$0x10];
	(tm) =	ssettm $0x1  }
0x97: {  	s17 =	sld [smem:$0x3FFB];
	_ =	sdelay $0x3  }
0x98: {  	_ =	strace s17  }
0x99: {  	s3 =	sld [smem:$0x3FFC];
	_ =	sdelay $0x3  }
0x9a: {  	_ =	strace s3  }
0x9b: {  	s3 =	sld [smem:$0x3FFD];
	_ =	sdelay $0x3  }
0x9c: {  	_ =	strace s3  }
0x9d: {  	_ =	strace $0x8FFFFFFF  }
0x9e: {  	s18 =	sld [smem:$0x3FDB];
	_ =	sdelay $0x1  }
0x9f: {  	s19 =	simm.s32 $_scs_section_size  }
0xa0: {  	s5 =	simm.s32 $_size__tile_overlayer_lowered;
	s6 =	simm.s32 $_tile_overlayer_lowered  }
0xa1: {  	s22 =	simm.s32 $0x1BFF;
	s21 =	sshll.u32 s6, $0x1;
	s3 =	sadd.s32 s19, s18  }
0xa2: {  	s7 =	simm.s32 $0x0;
	s20 =	sshll.u32 s5, $0x1;
	s5 =	sadd.s32 s21, s3  }
0xa3: {  	[timem:s7], [sflag:s22] =	dma.local [hbm:s5], s20  }
0xa4: {  	_ =	swait.ge [sflag:s22], s20  }
0xa5: {  	s4 =	ssub.s32 $0x0, s20;
	[sflag:s22] =	ssyncset.done $0x0  }
0xa6: {  	[sflag:s22] =	ssyncadd.s32 s4;
	_ =	sdelay $0x1  }
0xa7: {  	s23 =	simm.s32 $0x1B8B  }
0xa8: {  	_ =	swait.ge [sflag:s23], $0x1  }
0xa9: {  	[sflag:s23] =	ssyncset.done $0x0  }
0xaa: {  	s25 =	simm.s32 $0x1B8E;
	s24 =	sld [smem:$0x3FFE];
	[sflag:s23] =	ssyncadd.s32 $0xFFFFFFFF  }
0xab: {  	s26 =	simm.s32 $execute0_lowered;
	[smem:$0x3FD2] =	sst s25  }
0xac: {  	s5 =	sshll.u32 s26, $0x1;
	_ =	strace $0x80000049;
	[dreg:$0x1] =	wrdreg $0xFFFFFFFF  }
0xad: {  	s28 =	simm.s32 $_size_execute0_lowered;
	s3 =	sadd.s32 s3, s5;
	[dreg:$0x0] =	wrdreg $0x0  }
0xae: {  	s5 =	sshll.u32 s28, $0x1;
	[dreg:$0x2] =	wrdreg s3  }
0xaf: {  	[dreg:$0x3] =	wrdreg s5  }
0xb0: {  	[dreg:$0x4] =	wrdreg $0xC0  }
0xb1: {  	_ =	task [dreg:s7], $0x5FFFF  }
0xb2: {  	[dreg:$0x1] =	wrdreg $0xFFFFFFFF  }
0xb3: {  	[dreg:$0x0] =	wrdreg $0x60  }
0xb4: {  	[dreg:$0x2] =	wrdreg s24  }
0xb5: {  	[dreg:$0x3] =	wrdreg s16  }
0xb6: {  	[dreg:$0x4] =	wrdreg $0xA2000  }
0xb7: {  	[dreg:$0x5] =	wrdreg $0x9  }
0xb8: {  	_ =	task.clear_ibuf [dreg:s7], $0x6FFFF;
	_ =	strace $0x90000049  }
0xb9: {  	s29 =	simm.s32 $0x9;
	_ =	strace $0x8000004B  }
0xba: {  	_ =	swait.ge [sflag:s29], $0x1  }
0xbb: {  	[sflag:s29] =	ssyncadd.s32 $0xFFFFFFFF  }
0xbc: {  	_ =	strace $0x9000004B  }
0xbd: {  	_ =	sfence  }
0xbe: {  	s30 =	sld [smem:$0x0];
	_ =	sdelay $0x2  }
0xbf: {  	s31 =	sshll.u32 s1, $0xD;
	s1 =	sshrl.u32 s1, $0x2  }
0xc0: {  	s3 =	sand.u32 $0x4000, s31;
	s1 =	sadd.s32 s1, s30  }
0xc1: {  	s0 =	sor.u32 s3, s0;
	s1 =	sshll.u32 s1, $0x11  }
0xc2: {  	s0 =	sor.u32 s1, s0  }
0xc3: {  	s0 =	sadd.s32 $0x8F2B, s0  }
0xc4: {  	[sflag:s0] =	ssyncadd.remote.s32 $0x1  }
0xc5: {  	_ =	sfence.sel $0xFFFF  }
0xc6: {  	[dreg:$0x0] =	wrdreg $0xFFFFFFFF;
	(pc) =	sbr.abs _section_cstart, $3  }
0xc7: {  	[dreg:$0x1] =	wrdreg $0xFFFFFFFF  }
0xc8: {  	_ =	task.clear_ibuf [dreg:s7], $0x2FFFF;
	_ =	strace $0x9FFFFFFF  }
0xc9: {  	(tm) =	ssettm $0x7FFFFFFF  }
tec
execute0_lowered:
.L_overlay_start_1:
0x0: {  	(tag) =	ssettag $0x1  }
0x1: {  	s0 =	rddreg [dreg:$0x0]  }
0x2: {  	s13 =	rddreg [dreg:$0x1]  }
0x3: {  	s2 =	rddreg [dreg:$0x2];
	s3 =	simm.s32 $0x0;
	s1 =	srdreg.scid  }
0x4: {  	s14 =	stileid.u32;
	s30 =	simm.s32 $0x5;
	s31 =	simm.s32 $0x5200  }
0x5: {  	[smem:$0x7FF] =	sst s3;
	s5 =	sadd.s32 $0xA1A000, s0;
	s6 =	sadd.s32 $0x5000, s0  }
0x6: {  	s0 =	sadd.s32 $0x56000, s0;
	s1 =	sand.u32 $0x1, s1;
	s8 =	smul.u32 $0x4E000, s14  }
0x7: {  	s7 =	sshll.u32 s14, $0x1;
	s10 =	smul.u32 $0x2700, s14;
	s22 =	sshll.u32 s14, $0x6  }
0x8: {  	p0 =	sne.s32 s14, $0xF;
	s14 =	simm.s32 $0x3;
	s4 =	ssub.s32 $0x2, s1  }
0x9: {  	_ =	strace $0x8000004A;
	s7 =	sor.u32 s1, s7;
	s9 =	sshrl.u32 s4, $0x1  }
0xa: {  	s8 =	sshrl.u32 s8, $0x2;
	s11 =	smul.u32 $0x2710, s7;
	s23 =	sadd.s32 s13, s10  }
0xb: {  	s7 =	smul.u32 $0x27100, s7;
	s8 =	sadd.s32 s8, s2;
	[dreg:$0x5] =	wrdreg s23  }
0xc: {  	s4 =	ssub.s32 s4, s9;
	s9 =	sor.u32 $0x1C05, s22;
	[dreg:$0x4] =	wrdreg s8  }
0xd: {  	s24 =	sshrl.u32 s11, $0x3;
	s7 =	sadd.s32 s5, s7;
	s26 =	sadd.s32 $0x50, s11  }
0xe: {  	s12 =	sadd.s32 $0xA0, s11;
	s16 =	sadd.s32 $0xF0, s11;
	s17 =	sadd.s32 $0x140, s11  }
0xf: {  	s18 =	sadd.s32 $0x190, s11;
	s19 =	sadd.s32 $0x1E0, s11;
	s20 =	sadd.s32 $0x2670, s11  }
0x10: {  	s23 =	sadd.s32 $0x26C0, s11;
	s11 =	simm.s32 $0x100;
	[dreg:$0x6] =	wrdreg s7  }
0x11: {  	s25 =	sadd.s32 s6, s24;
	s28 =	sshll.u32 s26, $0x4;
	s7 =	sshrl.u32 s26, $0x3  }
0x12: {  	s29 =	sshll.u32 s12, $0x4;
	s21 =	sshll.u32 s20, $0x4;
	s22 =	sshrl.u32 s20, $0x3  }
0x13: {  	s24 =	sshll.u32 s23, $0x4;
	s26 =	smax.u32 s4, $0x1;
	[dreg:$0x7] =	wrdreg s25  }
0x14: {  	s4 =	simm.s32 $0x200;
	s8 =	sadd.s32 s5, s28;
	[dreg:$0x12] =	wrdreg s26  }
0x15: {  	s20 =	simm.s32 $0x0;
	s7 =	sadd.s32 s6, s7;
	[dreg:$0x8] =	wrdreg s8  }
0x16: {  	s28 =	sadd.s32 $0x138000, s2;
	[dreg:$0x9] =	wrdreg s7;
	s7 =	sadd.s32 s5, s29  }
0x17: {  	s8 =	sshrl.u32 s12, $0x3;
	s12 =	smul.u32 $0x27100, s1;
	[dreg:$0x13] =	wrdreg s28  }
0x18: {  	s1 =	smul.u32 $0x138800, s1;
	s29 =	sadd.s32 $0x27000, s13;
	[dreg:$0xa] =	wrdreg s7  }
0x19: {  	s13 =	simm.s32 $0x180;
	s7 =	sadd.s32 s6, s8;
	[dreg:$0x14] =	wrdreg s29  }
0x1a: {  	s8 =	simm.s32 $0x1;
	[dreg:$0xb] =	wrdreg s7;
	s15 =	sadd.s32 s10, s12  }
0x1b: {  	s1 =	sshrl.u32 s1, $0x3;
	s10 =	simm.s32 $0x50;
	s7 =	sadd.s32 s0, s15  }
0x1c: {  	s0 =	sadd.s32 s0, s1;
	s1 =	sadd.s32 s5, s21;
	[dreg:$0xc] =	wrdreg s7  }
0x1d: {  	s12 =	simm.s32 $0x2;
	[dreg:$0xd] =	wrdreg s1;
	s1 =	sadd.s32 s6, s22  }
0x1e: {  	s15 =	simm.s32 $0x4;
	s0 =	sadd.s32 $0x27000, s0;
	[dreg:$0xe] =	wrdreg s1  }
0x1f: {  	s7 =	sshrl.u32 s23, $0x3;
	s1 =	sadd.s32 s5, s24;
	[dreg:$0x11] =	wrdreg s0  }
0x20: {  	s25 =	sadd.s32 s6, s7;
	s0 =	simm.s32 $0x7A00;
	[dreg:$0xf] =	wrdreg s1  }
0x21: {  	s7 =	simm.s32 $0x80;
	[dreg:$0x10] =	wrdreg s25;
	s1 =	simm.s32 $0x2A00  }
.LBB2_1:
0x22: {  	s21 =	rddreg [dreg:$0x4]  }
0x23: {  	s22 =	rddreg [dreg:$0x5];
	s21 =	sshrl.u32 s21, $0x3  }
0x24: {  	[spmem:s21], [sflag:s9] =	dma.local [hbm:s22], $0x2700  }
0x25: {  	_ =	swait.ge [sflag:s30], $0x2700  }
0x26: {  	[sflag:s30] =	ssyncset.done $0x0;
	s22 =	rddreg [dreg:$0x13]  }
0x27: {  	s23 =	rddreg [dreg:$0x14];
	[sflag:s30] =	ssyncadd.s32 $0xFFFFD900;
	s22 =	sshrl.u32 @!p0 s22, $0x3  }
0x28: {  	[spmem:s22], [sflag:s9] =	dma.local @!p0 [hbm:s23], $0x100  }
0x29: {  	s23 =	simm.s32 @!p0 $0x5  }
0x2a: {  	_ =	swait.ge @!p0 [sflag:s23], $0x100  }
0x2b: {  	[sflag:s23] =	ssyncset.done @!p0 $0x0  }
0x2c: {  	[sflag:s23] =	ssyncadd.s32 @!p0 $0xFFFFFF00  }
0x2d: {  	s23 =	rddreg [dreg:$0x1]  }
0x2e: {  	[tilespmem:s31], [sflag:$0x5] =	stream.linear.gather [hbm4b:s23+s3], $0x2800, $0x38;
	[tilespmem:$0x1DA80] =	vst v63  }
0x2f: {  	_ =	swait.ge [sflag:s30], $0x2800  }
0x30: {  	[sflag:s30] =	ssyncset.done $0x0  }
0x31: {  	[sflag:s30] =	ssyncadd.s32 $0xFFFFD800  }
0x32: {  	[tilespmem:s0], [sflag:$0x5] =	stream.linear.gather [hbm4b:s23+s3], $0x2800, $0x38;
	[tilespmem:$0x1DA80] =	vst v63  }
0x33: {  	_ =	swait.ge [sflag:s30], $0x2800  }
0x34: {  	[sflag:s30] =	ssyncset.done $0x0  }
0x35: {  	[sflag:s30] =	ssyncadd.s32 $0xFFFFD800  }
0x36: {  	[bflag:$0x0] =	sbarrier.arrive $0xFFFF  }
0x37: {  	s25 =	rddreg [dreg:$0x6]  }
0x38: {  	[tilespmem:s4], [sflag:$0x1] =	stream.linear.gather [hbm4b:s25+s3], $0x2800, $0x38;
	[tilespmem:$0x1DA80] =	vst v63  }
0x39: {  	s26 =	rddreg [dreg:$0x7]  }
0x3a: {  	[tilespmem:s3], [sflag:$0x1] =	stream.linear.gather [hbm4b:s26+s3], $0x50, $0x38;
	[tilespmem:$0x1DA80] =	vst v63  }
0x3b: {  	s28 =	rddreg [dreg:$0x8]  }
0x3c: {  	[tilespmem:s1], [sflag:$0x2] =	stream.linear.gather [hbm4b:s28+s3], $0x2800, $0x38;
	[tilespmem:$0x1DA80] =	vst v63  }
0x3d: {  	s29 =	rddreg [dreg:$0x9]  }
0x3e: {  	[tilespmem:s7], [sflag:$0x2] =	stream.linear.gather [hbm4b:s29+s3], $0x50, $0x38;
	[tilespmem:$0x1DA80] =	vst v63  }
0x3f: {  	_ =	swait.ge [sflag:s8], $0x2800  }
0x40: {  	[sflag:s8] =	ssyncset.done $0x0  }
0x41: {  	[sflag:s8] =	ssyncadd.s32 $0xFFFFD800  }
0x42: {  	_ =	swait.ge [sflag:s8], $0x50  }
0x43: {  	[sflag:s8] =	ssyncset.done $0x0  }
0x44: {  	s23 =	simm.s32 $0x0;
	[sflag:s8] =	ssyncadd.s32 $0xFFFFFFB0  }
0x45: {  	s24 =	simm.s32 $0x200;
	v0 =	vld [tilespmem:s23+$0x200]  }
.LBB2_2:
0x46: {  	p1 =	sne.s32 s24, $0x9E00  }
.Ltmp0:
0x47: {  	_ = 	snop;
	(pc) =	sbr.rel @p1 .LBB2_2-.Ltmp0, $3  }
0x48: {  	_ =	sdelay $0x1  }
0x49: {  	[tilespmem:s23+$0x5200] =	vst v0;
	s23 =	sshra.s32 s24, $0x2;
	s24 =	sadd.s32 $0x200, s24  }
0x4a: {  	v0 =	vld [tilespmem:s23+$0x200]  }
0x4b: {  	_ =	sdelay $0x3  }
0x4c: {  	s28 =	simm.s32 $0x0;
	[tilespmem:s23+$0x5200] =	vst v0  }
0x4d: {  	[spmem:s2] =	stream.indirect.scatter.add.f32 [tilespmem:s31], [sflag:$0x3], $0x80, s28, s10, $0xb8;
	[tilespmem:$0x1DA80] =	vst v63  }
0x4e: {  	s24 =	rddreg [dreg:$0xa]  }
0x4f: {  	[tilespmem:s4], [sflag:$0x1] =	stream.linear.gather [hbm4b:s24+s28], $0x2800, $0x38;
	[tilespmem:$0x1DA80] =	vst v63  }
0x50: {  	s29 =	rddreg [dreg:$0xb]  }
0x51: {  	[tilespmem:s11], [sflag:$0x1] =	stream.linear.gather [hbm4b:s29+s28], $0x50, $0x38;
	[tilespmem:$0x1DA80] =	vst v63  }
0x52: {  	_ =	swait.ge [sflag:s12], $0x2800  }
0x53: {  	[sflag:s12] =	ssyncset.done $0x0  }
0x54: {  	[sflag:s12] =	ssyncadd.s32 $0xFFFFD800  }
0x55: {  	_ =	swait.ge [sflag:s12], $0x50  }
0x56: {  	[sflag:s12] =	ssyncset.done $0x0  }
0x57: {  	s23 =	simm.s32 $0x0;
	[sflag:s12] =	ssyncadd.s32 $0xFFFFFFB0  }
0x58: {  	s24 =	simm.s32 $0x200;
	v0 =	vld [tilespmem:s23+$0x2A00]  }
.LBB2_4:
0x59: {  	p1 =	sne.s32 s24, $0x9E00  }
.Ltmp1:
0x5a: {  	_ = 	snop;
	(pc) =	sbr.rel @p1 .LBB2_4-.Ltmp1, $3  }
0x5b: {  	_ =	sdelay $0x1  }
0x5c: {  	[tilespmem:s23+$0x7A00] =	vst v0;
	s23 =	sshra.s32 s24, $0x2;
	s24 =	sadd.s32 $0x200, s24  }
0x5d: {  	v0 =	vld [tilespmem:s23+$0x2A00]  }
0x5e: {  	_ =	sdelay $0x3  }
0x5f: {  	s24 =	simm.s32 $0x0;
	[tilespmem:s23+$0x7A00] =	vst v0;
	s23 =	simm.s32 $0x0  }
0x60: {  	[spmem:s2] =	stream.indirect.scatter.add.f32 [tilespmem:s0], [sflag:$0x4], $0x80, s7, s10, $0xb8;
	[tilespmem:$0x1DA80] =	vst v63  }
.LBB2_6:
0x61: {  	s25 =	smul.u32 $0x140, s24;
	_ =	sdelay $0x1  }
0x62: {  	s26 =	sadd.s32 s25, s16  }
0x63: {  	s28 =	sshll.u32 s26, $0x4  }
0x64: {  	s26 =	sshrl.u32 s26, $0x3;
	s28 =	sadd.s32 s5, s28  }
0x65: {  	[tilespmem:s1], [sflag:$0x2] =	stream.linear.gather [hbm4b:s28+s23], $0x2800, $0x38;
	[tilespmem:$0x1DA80] =	vst v63  }
0x66: {  	s26 =	sadd.s32 s6, s26  }
0x67: {  	[tilespmem:s13], [sflag:$0x2] =	stream.linear.gather [hbm4b:s26+s23], $0x50, $0x38;
	[tilespmem:$0x1DA80] =	vst v63  }
0x68: {  	_ =	swait.ge [sflag:s8], $0x2800  }
0x69: {  	[sflag:s8] =	ssyncset.done $0x0  }
0x6a: {  	[sflag:s8] =	ssyncadd.s32 $0xFFFFD800  }
0x6b: {  	_ =	swait.ge [sflag:s8], $0x50  }
0x6c: {  	[sflag:s8] =	ssyncset.done $0x0  }
0x6d: {  	[sflag:s8] =	ssyncadd.s32 $0xFFFFFFB0  }
0x6e: {  	_ =	swait.ge [sflag:s14], $0x2800  }
0x6f: {  	[sflag:s14] =	ssyncset.done $0x0  }
0x70: {  	s26 =	simm.s32 $0x0;
	[sflag:s14] =	ssyncadd.s32 $0xFFFFD800  }
0x71: {  	s28 =	simm.s32 $0x200;
	v0 =	vld [tilespmem:s26+$0x200]  }
.LBB2_7:
0x72: {  	p1 =	sne.s32 s28, $0x9E00  }
.Ltmp2:
0x73: {  	_ = 	snop;
	(pc) =	sbr.rel @p1 .LBB2_7-.Ltmp2, $3  }
0x74: {  	_ =	sdelay $0x1  }
0x75: {  	[tilespmem:s26+$0x5200] =	vst v0;
	s26 =	sshra.s32 s28, $0x2;
	s28 =	sadd.s32 $0x200, s28  }
0x76: {  	v0 =	vld [tilespmem:s26+$0x200]  }
0x77: {  	_ =	sdelay $0x3  }
0x78: {  	[tilespmem:s26+$0x5200] =	vst v0;
	s26 =	sadd.s32 s25, s17  }
0x79: {  	[spmem:s2] =	stream.indirect.scatter.add.f32 [tilespmem:s31], [sflag:$0x3], $0x80, s11, s10, $0xb8;
	[tilespmem:$0x1DA80] =	vst v63  }
0x7a: {  	s28 =	sshll.u32 s26, $0x4  }
0x7b: {  	s29 =	simm.s32 $0x0;
	s26 =	sshrl.u32 s26, $0x3;
	s28 =	sadd.s32 s5, s28  }
0x7c: {  	[tilespmem:s4], [sflag:$0x1] =	stream.linear.gather [hbm4b:s28+s29], $0x2800, $0x38;
	[tilespmem:$0x1DA80] =	vst v63  }
0x7d: {  	s26 =	sadd.s32 s6, s26  }
0x7e: {  	[tilespmem:s29], [sflag:$0x1] =	stream.linear.gather [hbm4b:s26+s29], $0x50, $0x38;
	[tilespmem:$0x1DA80] =	vst v63  }
0x7f: {  	_ =	swait.ge [sflag:s12], $0x2800  }
0x80: {  	[sflag:s12] =	ssyncset.done $0x0  }
0x81: {  	[sflag:s12] =	ssyncadd.s32 $0xFFFFD800  }
0x82: {  	_ =	swait.ge [sflag:s12], $0x50  }
0x83: {  	[sflag:s12] =	ssyncset.done $0x0  }
0x84: {  	[sflag:s12] =	ssyncadd.s32 $0xFFFFFFB0  }
0x85: {  	_ =	swait.ge [sflag:s15], $0x2800  }
0x86: {  	[sflag:s15] =	ssyncset.done $0x0  }
0x87: {  	s26 =	simm.s32 $0x0;
	[sflag:s15] =	ssyncadd.s32 $0xFFFFD800  }
0x88: {  	s28 =	simm.s32 $0x200;
	v0 =	vld [tilespmem:s26+$0x2A00]  }
.LBB2_9:
0x89: {  	p1 =	sne.s32 s28, $0x9E00  }
.Ltmp3:
0x8a: {  	_ = 	snop;
	(pc) =	sbr.rel @p1 .LBB2_9-.Ltmp3, $3  }
0x8b: {  	_ =	sdelay $0x1  }
0x8c: {  	[tilespmem:s26+$0x7A00] =	vst v0;
	s26 =	sshra.s32 s28, $0x2;
	s28 =	sadd.s32 $0x200, s28  }
0x8d: {  	v0 =	vld [tilespmem:s26+$0x2A00]  }
0x8e: {  	_ =	sdelay $0x3  }
0x8f: {  	[tilespmem:s26+$0x7A00] =	vst v0;
	s26 =	sadd.s32 s25, s18  }
0x90: {  	[spmem:s2] =	stream.indirect.scatter.add.f32 [tilespmem:s0], [sflag:$0x4], $0x80, s13, s10, $0xb8;
	[tilespmem:$0x1DA80] =	vst v63  }
0x91: {  	s28 =	sshll.u32 s26, $0x4  }
0x92: {  	s29 =	simm.s32 $0x0;
	s26 =	sshrl.u32 s26, $0x3;
	s28 =	sadd.s32 s5, s28  }
0x93: {  	[tilespmem:s1], [sflag:$0x2] =	stream.linear.gather [hbm4b:s28+s29], $0x2800, $0x38;
	[tilespmem:$0x1DA80] =	vst v63  }
0x94: {  	s26 =	sadd.s32 s6, s26  }
0x95: {  	[tilespmem:s7], [sflag:$0x2] =	stream.linear.gather [hbm4b:s26+s29], $0x50, $0x38;
	[tilespmem:$0x1DA80] =	vst v63  }
0x96: {  	_ =	swait.ge [sflag:s8], $0x2800  }
0x97: {  	[sflag:s8] =	ssyncset.done $0x0  }
0x98: {  	[sflag:s8] =	ssyncadd.s32 $0xFFFFD800  }
0x99: {  	_ =	swait.ge [sflag:s8], $0x50  }
0x9a: {  	[sflag:s8] =	ssyncset.done $0x0  }
0x9b: {  	[sflag:s8] =	ssyncadd.s32 $0xFFFFFFB0  }
0x9c: {  	_ =	swait.ge [sflag:s14], $0x2800  }
0x9d: {  	[sflag:s14] =	ssyncset.done $0x0  }
0x9e: {  	s26 =	simm.s32 $0x0;
	[sflag:s14] =	ssyncadd.s32 $0xFFFFD800  }
0x9f: {  	s28 =	simm.s32 $0x200;
	v0 =	vld [tilespmem:s26+$0x200]  }
.LBB2_11:
0xa0: {  	p1 =	sne.s32 s28, $0x9E00  }
.Ltmp4:
0xa1: {  	_ = 	snop;
	(pc) =	sbr.rel @p1 .LBB2_11-.Ltmp4, $3  }
0xa2: {  	_ =	sdelay $0x1  }
0xa3: {  	[tilespmem:s26+$0x5200] =	vst v0;
	s26 =	sshra.s32 s28, $0x2;
	s28 =	sadd.s32 $0x200, s28  }
0xa4: {  	v0 =	vld [tilespmem:s26+$0x200]  }
0xa5: {  	_ =	sdelay $0x2  }
0xa6: {  	s25 =	sadd.s32 s25, s19  }
0xa7: {  	s29 =	simm.s32 $0x0;
	s28 =	sshll.u32 s25, $0x4;
	[tilespmem:s26+$0x5200] =	vst v0  }
0xa8: {  	[spmem:s2] =	stream.indirect.scatter.add.f32 [tilespmem:s31], [sflag:$0x3], $0x80, s29, s10, $0xb8;
	[tilespmem:$0x1DA80] =	vst v63  }
0xa9: {  	s25 =	sshrl.u32 s25, $0x3;
	s28 =	sadd.s32 s5, s28  }
0xaa: {  	[tilespmem:s4], [sflag:$0x1] =	stream.linear.gather [hbm4b:s28+s29], $0x2800, $0x38;
	[tilespmem:$0x1DA80] =	vst v63  }
0xab: {  	s25 =	sadd.s32 s6, s25  }
0xac: {  	[tilespmem:s11], [sflag:$0x1] =	stream.linear.gather [hbm4b:s25+s29], $0x50, $0x38;
	[tilespmem:$0x1DA80] =	vst v63  }
0xad: {  	_ =	swait.ge [sflag:s12], $0x2800  }
0xae: {  	[sflag:s12] =	ssyncset.done $0x0  }
0xaf: {  	[sflag:s12] =	ssyncadd.s32 $0xFFFFD800  }
0xb0: {  	_ =	swait.ge [sflag:s12], $0x50  }
0xb1: {  	[sflag:s12] =	ssyncset.done $0x0  }
0xb2: {  	[sflag:s12] =	ssyncadd.s32 $0xFFFFFFB0  }
0xb3: {  	_ =	swait.ge [sflag:s15], $0x2800  }
0xb4: {  	[sflag:s15] =	ssyncset.done $0x0  }
0xb5: {  	s25 =	simm.s32 $0x0;
	[sflag:s15] =	ssyncadd.s32 $0xFFFFD800  }
0xb6: {  	s26 =	simm.s32 $0x200;
	v0 =	vld [tilespmem:s25+$0x2A00]  }
.LBB2_13:
0xb7: {  	p1 =	sne.s32 s26, $0x9E00  }
.Ltmp5:
0xb8: {  	_ = 	snop;
	(pc) =	sbr.rel @p1 .LBB2_13-.Ltmp5, $3  }
0xb9: {  	_ =	sdelay $0x1  }
0xba: {  	[tilespmem:s25+$0x7A00] =	vst v0;
	s25 =	sshra.s32 s26, $0x2;
	s26 =	sadd.s32 $0x200, s26  }
0xbb: {  	v0 =	vld [tilespmem:s25+$0x2A00]  }
0xbc: {  	s24 =	sadd.s32 $0x1, s24  }
0xbd: {  	p1 =	sne.s32 s24, $0x1E  }
.Ltmp6:
0xbe: {  	_ = 	snop;
	(pc) =	sbr.rel @p1 .LBB2_6-.Ltmp6, $3  }
0xbf: {  	_ =	sdelay $0x1  }
0xc0: {  	[tilespmem:s25+$0x7A00] =	vst v0  }
0xc1: {  	[spmem:s2] =	stream.indirect.scatter.add.f32 [tilespmem:s0], [sflag:$0x4], $0x80, s7, s10, $0xb8;
	[tilespmem:$0x1DA80] =	vst v63  }
0xc2: {  	s23 =	simm.s32 $0x0;
	s24 =	rddreg [dreg:$0xd]  }
0xc3: {  	[tilespmem:s1], [sflag:$0x2] =	stream.linear.gather [hbm4b:s24+s23], $0x2800, $0x38;
	[tilespmem:$0x1DA80] =	vst v63  }
0xc4: {  	s29 =	rddreg [dreg:$0xe]  }
0xc5: {  	[tilespmem:s13], [sflag:$0x2] =	stream.linear.gather [hbm4b:s29+s23], $0x50, $0x38;
	[tilespmem:$0x1DA80] =	vst v63  }
0xc6: {  	_ =	swait.ge [sflag:s8], $0x2800  }
0xc7: {  	[sflag:s8] =	ssyncset.done $0x0  }
0xc8: {  	[sflag:s8] =	ssyncadd.s32 $0xFFFFD800  }
0xc9: {  	_ =	swait.ge [sflag:s8], $0x50  }
0xca: {  	[sflag:s8] =	ssyncset.done $0x0  }
0xcb: {  	[sflag:s8] =	ssyncadd.s32 $0xFFFFFFB0  }
0xcc: {  	_ =	swait.ge [sflag:s14], $0x2800  }
0xcd: {  	[sflag:s14] =	ssyncset.done $0x0  }
0xce: {  	s23 =	simm.s32 $0x0;
	[sflag:s14] =	ssyncadd.s32 $0xFFFFD800  }
0xcf: {  	s24 =	simm.s32 $0x200;
	v0 =	vld [tilespmem:s23+$0x200]  }
.LBB2_16:
0xd0: {  	p1 =	sne.s32 s24, $0x9E00  }
.Ltmp7:
0xd1: {  	_ = 	snop;
	(pc) =	sbr.rel @p1 .LBB2_16-.Ltmp7, $3  }
0xd2: {  	_ =	sdelay $0x1  }
0xd3: {  	[tilespmem:s23+$0x5200] =	vst v0;
	s23 =	sshra.s32 s24, $0x2;
	s24 =	sadd.s32 $0x200, s24  }
0xd4: {  	v0 =	vld [tilespmem:s23+$0x200]  }
0xd5: {  	_ =	sdelay $0x3  }
0xd6: {  	[tilespmem:s23+$0x5200] =	vst v0  }
0xd7: {  	[spmem:s2] =	stream.indirect.scatter.add.f32 [tilespmem:s31], [sflag:$0x3], $0x80, s11, s10, $0xb8;
	[tilespmem:$0x1DA80] =	vst v63  }
0xd8: {  	s28 =	simm.s32 $0x0;
	s24 =	rddreg [dreg:$0xf]  }
0xd9: {  	[tilespmem:s4], [sflag:$0x1] =	stream.linear.gather [hbm4b:s24+s28], $0x2800, $0x38;
	[tilespmem:$0x1DA80] =	vst v63  }
0xda: {  	s29 =	rddreg [dreg:$0x10]  }
0xdb: {  	[tilespmem:s28], [sflag:$0x1] =	stream.linear.gather [hbm4b:s29+s28], $0x50, $0x38;
	[tilespmem:$0x1DA80] =	vst v63  }
0xdc: {  	_ =	swait.ge [sflag:s12], $0x2800  }
0xdd: {  	[sflag:s12] =	ssyncset.done $0x0  }
0xde: {  	[sflag:s12] =	ssyncadd.s32 $0xFFFFD800  }
0xdf: {  	_ =	swait.ge [sflag:s12], $0x50  }
0xe0: {  	[sflag:s12] =	ssyncset.done $0x0  }
0xe1: {  	[sflag:s12] =	ssyncadd.s32 $0xFFFFFFB0  }
0xe2: {  	_ =	swait.ge [sflag:s15], $0x2800  }
0xe3: {  	[sflag:s15] =	ssyncset.done $0x0  }
0xe4: {  	s23 =	simm.s32 $0x0;
	[sflag:s15] =	ssyncadd.s32 $0xFFFFD800  }
0xe5: {  	s24 =	simm.s32 $0x200;
	v0 =	vld [tilespmem:s23+$0x2A00]  }
.LBB2_18:
0xe6: {  	p1 =	sne.s32 s24, $0x9E00  }
.Ltmp8:
0xe7: {  	_ = 	snop;
	(pc) =	sbr.rel @p1 .LBB2_18-.Ltmp8, $3  }
0xe8: {  	_ =	sdelay $0x1  }
0xe9: {  	[tilespmem:s23+$0x7A00] =	vst v0;
	s23 =	sshra.s32 s24, $0x2;
	s24 =	sadd.s32 $0x200, s24  }
0xea: {  	v0 =	vld [tilespmem:s23+$0x2A00]  }
0xeb: {  	_ =	sdelay $0x3  }
0xec: {  	[tilespmem:s23+$0x7A00] =	vst v0  }
0xed: {  	[spmem:s2] =	stream.indirect.scatter.add.f32 [tilespmem:s0], [sflag:$0x4], $0x80, s13, s10, $0xb8;
	[tilespmem:$0x1DA80] =	vst v63  }
0xee: {  	_ =	swait.ge [sflag:s8], $0x2800  }
0xef: {  	[sflag:s8] =	ssyncset.done $0x0  }
0xf0: {  	[sflag:s8] =	ssyncadd.s32 $0xFFFFD800  }
0xf1: {  	_ =	swait.ge [sflag:s8], $0x50  }
0xf2: {  	[sflag:s8] =	ssyncset.done $0x0  }
0xf3: {  	[sflag:s8] =	ssyncadd.s32 $0xFFFFFFB0  }
0xf4: {  	_ =	swait.ge [sflag:s14], $0x2800  }
0xf5: {  	[sflag:s14] =	ssyncset.done $0x0  }
0xf6: {  	s23 =	simm.s32 $0x0;
	[sflag:s14] =	ssyncadd.s32 $0xFFFFD800  }
0xf7: {  	s24 =	simm.s32 $0x200;
	v0 =	vld [tilespmem:s23+$0x200]  }
.LBB2_20:
0xf8: {  	p1 =	sne.s32 s24, $0x9E00  }
.Ltmp9:
0xf9: {  	_ = 	snop;
	(pc) =	sbr.rel @p1 .LBB2_20-.Ltmp9, $3  }
0xfa: {  	_ =	sdelay $0x1  }
0xfb: {  	[tilespmem:s23+$0x5200] =	vst v0;
	s23 =	sshra.s32 s24, $0x2;
	s24 =	sadd.s32 $0x200, s24  }
0xfc: {  	v0 =	vld [tilespmem:s23+$0x200]  }
0xfd: {  	_ =	sdelay $0x3  }
0xfe: {  	[tilespmem:s23+$0x5200] =	vst v0  }
0xff: {  	[spmem:s2] =	stream.indirect.scatter.add.f32 [tilespmem:s31], [sflag:$0x3], $0x80, s3, s10, $0xb8;
	[tilespmem:$0x1DA80] =	vst v63  }
0x100: {  	_ =	swait.ge [sflag:s15], $0x2800  }
0x101: {  	[sflag:s15] =	ssyncset.done $0x0  }
0x102: {  	[sflag:s15] =	ssyncadd.s32 $0xFFFFD800  }
0x103: {  	_ =	swait.ge [sflag:s14], $0x2800  }
0x104: {  	[sflag:s14] =	ssyncset.done $0x0  }
0x105: {  	[sflag:s14] =	ssyncadd.s32 $0xFFFFD800  }
0x106: {  	[bflag:$0x0] =	sbarrier.arrive $0xFFFF  }
0x107: {  	s28 =	rddreg [dreg:$0xc]  }
0x108: {  	[hbm:s28], [sflag:s9] =	dma.local [spmem:s21], $0x2700  }
0x109: {  	_ =	swait.ge [sflag:s30], $0x2700  }
0x10a: {  	[sflag:s30] =	ssyncset.done $0x0  }
0x10b: {  	s21 =	rddreg [dreg:$0x11];
	[sflag:s30] =	ssyncadd.s32 $0xFFFFD900  }
0x10c: {  	[hbm:s21], [sflag:s9] =	dma.local @!p0 [spmem:s22], $0x100  }
0x10d: {  	s21 =	simm.s32 @!p0 $0x5  }
0x10e: {  	_ =	swait.ge @!p0 [sflag:s21], $0x100  }
0x10f: {  	s20 =	sadd.s32 $0x1, s20;
	s29 =	rddreg [dreg:$0x12]  }
0x110: {  	p1 =	sne.s32 s20, s29  }
.Ltmp10:
0x111: {  	_ = 	snop;
	(pc) =	sbr.rel @p1 .LBB2_1-.Ltmp10, $3  }
0x112: {  	_ =	sdelay $0x1  }
0x113: {  	[sflag:s21] =	ssyncset.done @!p0 $0x0  }
0x114: {  	[sflag:s21] =	ssyncadd.s32 @!p0 $0xFFFFFF00  }
0x115: {  	_ =	sfence.sel $0x180000  }
0x116: {  	[bflag:$0x0] =	sbarrier.arrive $0xFFFF  }
0x117: {  	_ =	strace $0x9000004A  }
0x118: {  	s0 =	stileid.u32;
	[bflag:$0x2] =	sbarrier.arrive $0xFFFF  }
0x119: {  	p0 =	sne.s32 s0, $0x0;
	s0 =	rddreg [dreg:$0x3]  }
0x11a: {  	s0 =	sadd.s32 @!p0 $0x100000, s0  }
0x11b: {  	[sflag:s0] =	ssyncadd.tile.s32 @!p0 $0x1;
	_ =	shalt  }
.Lfunc_end2:
_tile_overlayer_lowered:
.L_overlay_start_2:
0x11c: {  	(tag) =	ssettag $0x2  }
0x11d: {  	s0 =	rddreg [dreg:$0x0];
	s2 =	stileid.u32  }
0x11e: {  	s1 =	rddreg [dreg:$0x1];
	p0 =	sne.s32 s2, $0x0  }
0x11f: {  	s3 =	rddreg [dreg:$0x2];
	[bflag:$0x3] =	sbarrier.arrive $0xFFFF;
	s2 =	simm.s32 @!p0 $0x1C05  }
0x120: {  	[timem:s3], [sflag:s2] =	dma.local @!p0 [hbm:s0], s1  }
0x121: {  	s0 =	simm.s32 @!p0 $0x5  }
0x122: {  	_ =	swait.ge @!p0 [sflag:s0], s1  }
0x123: {  	s1 =	ssub.s32 @!p0 $0x0, s1;
	[sflag:s0] =	ssyncset.done @!p0 $0x0  }
0x124: {  	[sflag:s0] =	ssyncadd.s32 @!p0 s1  }
0x125: {  	[bflag:$0x3] =	sbarrier.arrive $0xFFFF  }
0x126: {  	_ =	shalt  }

// kernel: kernel.7.cloned.1.call-start
scs
__scs_entry_jumppad:
0x0: {  	(pc) =	sbr.rel $0x88, $3  }
0x1: {  	(tag) =	ssettag $0x0;
	lr =	simm.s32 $0x1  }
0x2: {  	[smem:$0x3F81] =	sst lr;
	_ =	strace $0xD0000000  }
0x3: {  	_ = 	snop  }
0x4: {  	_ = 	snop  }
0x5: {  	_ = 	snop  }
0x6: {  	_ = 	snop  }
0x7: {  	_ = 	snop  }
__scs_overlays_trampoline_lowered:
0x8: {  	[smem:$0x3F90] =	sst s0  }
0x9: {  	[smem:$0x3F91] =	sst s1  }
0xa: {  	[smem:$0x3F92] =	sst s2  }
0xb: {  	[smem:$0x3F93] =	sst s3  }
0xc: {  	[smem:$0x3F94] =	sst s4  }
0xd: {  	[smem:$0x3F95] =	sst s5  }
0xe: {  	[smem:$0x3F96] =	sst s6  }
0xf: {  	[smem:$0x3F97] =	sst s7  }
0x10: {  	[smem:$0x3F98] =	sst s8  }
0x11: {  	[smem:$0x3F99] =	sst s9;
	s0 =	simm.s32 @!p0 $0x0  }
0x12: {  	s1 =	sld [smem:$0x3F7F];
	s0 =	simm.s32 @p0 $0x1  }
0x13: {  	[smem:$0x3F9A] =	sst s0;
	s0 =	simm.s32 @!p1 $0x0  }
0x14: {  	s2 =	sld [smem:$0x3F7E];
	s0 =	simm.s32 @p1 $0x1  }
0x15: {  	[smem:$0x3F9B] =	sst s0;
	s0 =	simm.s32 @!p2 $0x0  }
0x16: {  	s3 =	sld [smem:$0x3FDB];
	s0 =	simm.s32 @p2 $0x1  }
0x17: {  	s4 =	simm.s32 $0x1BF5;
	[smem:$0x3F9D] =	sst s0  }
0x18: {  	s0 =	sld [smem:$0x3F80];
	_ =	swait.ge [sflag:s4], $0x0  }
0x19: {  	s7 =	sld [smem:$0x3F81]  }
0x1a: {  	s8 =	sadd.s32 $0xFFFFE003, lr  }
0x1b: {  	s9 =	sadd.s32 $0xFFFFFEF7, lr;
	s5 =	simm.s32 $0xFFFFFFFF;
	p2 =	slt.u32 s8, $0xFFFFF086  }
0x1c: {  	p1 =	slt.u32 s9, $0xF7A;
	s5 =	simm.s32 @!p2 $0x0  }
0x1d: {  	s5 =	simm.s32 @p1 $0x1;
	p0 =	seq.s32 s7, s2  }
0x1e: {  	s7 =	smul.u32 @!p0 $0xF7A, s2;
	p2 =	seq.s32 @!p0 s5, $0x0  }
0x1f: {  	s9 =	smul.u32 $0xF7A, s1;
	s8 =	simm.s32 @!p0 $0x1BF5;
	p2 =	por !p2, p0  }
0x20: {  	[sflag:s8] =	ssyncset.s32 @!p0 $0xFFFFF086;
	s6 =	sadd.s32 @!p0 s3, s7;
	s7 =	simm.s32 @!p0 $0x108  }
0x21: {  	s3 =	sadd.s32 s3, s9;
	s6 =	sadd.s32 @!p0 $0x88, s6;
	s7 =	simm.s32 @p2 $0x1082  }
0x22: {  	[simem:s7], [sflag:s8] =	dma.local @!p0 [hbm:s6], $0xF7A  }
0x23: {  	s9 =	sor.u32 $0xD0000000, s2;
	s6 =	simm.s32 $0x108;
	_ =	swait.ge @!p0 [sflag:s8], $0x0  }
0x24: {  	s3 =	sadd.s32 $0x88, s3;
	s6 =	simm.s32 @!p1 $0x1082;
	[sflag:s4] =	ssyncset.s32 $0xFFFFF086  }
0x25: {  	[simem:s6], [sflag:s4] =	dma.local [hbm:s3], $0xF7A  }
0x26: {  	[smem:$0x3F81] =	sst s1;
	(tag) =	ssettag s2;
	_ =	strace s9  }
0x27: {  	s1 =	sld [smem:$0x3F91]  }
0x28: {  	s2 =	sld [smem:$0x3F92]  }
0x29: {  	s4 =	sld [smem:$0x3F94]  }
0x2a: {  	p0 =	seq.s32 s5, $0x0;
	s5 =	sld [smem:$0x3F95]  }
0x2b: {  	s6 =	sld [smem:$0x3F96]  }
0x2c: {  	s7 =	sld [smem:$0x3F97]  }
0x2d: {  	s3 =	simm.s32 $0x108;
	s8 =	sld [smem:$0x3F98]  }
0x2e: {  	s3 =	simm.s32 @!p0 $0x1082;
	s9 =	sld [smem:$0x3F99]  }
0x2f: {  	lr =	sadd.s32 s0, s3;
	s0 =	sld [smem:$0x3F90]  }
0x30: {  	s3 =	sld [smem:$0x3F93]  }
0x31: {  	[smem:$0x3F9C] =	sst s10  }
0x32: {  	s10 =	sld [smem:$0x3F9A];
	_ =	sdelay $0x3  }
0x33: {  	p0 =	seq.s32 s10, $0x1;
	s10 =	sld [smem:$0x3F9C];
	_ =	sdelay $0x3  }
0x34: {  	[smem:$0x3F9C] =	sst s10  }
0x35: {  	s10 =	sld [smem:$0x3F9B];
	_ =	sdelay $0x3  }
0x36: {  	p1 =	seq.s32 s10, $0x1;
	s10 =	sld [smem:$0x3F9C];
	_ =	sdelay $0x3  }
0x37: {  	[smem:$0x3F9C] =	sst s10  }
0x38: {  	s10 =	sld [smem:$0x3F9D]  }
0x39: {  	_ = 	snop;
	(pc) =	sbr.ind lr, $3  }
0x3a: {  	_ = 	snop  }
0x3b: {  	_ = 	snop  }
0x3c: {  	p2 =	seq.s32 s10, $0x1;
	s10 =	sld [smem:$0x3F9C]  }
0x3d: {  	_ =	shalt  }
0x3e: {  	_ =	shalt  }
0x3f: {  	_ =	shalt  }
0x40: {  	_ =	shalt  }
0x41: {  	_ =	shalt  }
0x42: {  	_ =	shalt  }
0x43: {  	_ =	shalt  }
0x44: {  	_ =	shalt  }
0x45: {  	_ =	shalt  }
0x46: {  	_ =	shalt  }
0x47: {  	_ =	shalt  }
0x48: {  	_ =	shalt  }
0x49: {  	_ =	shalt  }
0x4a: {  	_ =	shalt  }
0x4b: {  	_ =	shalt  }
0x4c: {  	_ =	shalt  }
0x4d: {  	_ =	shalt  }
0x4e: {  	_ =	shalt  }
0x4f: {  	_ =	shalt  }
0x50: {  	_ =	shalt  }
0x51: {  	_ =	shalt  }
0x52: {  	_ =	shalt  }
0x53: {  	_ =	shalt  }
0x54: {  	_ =	shalt  }
0x55: {  	_ =	shalt  }
0x56: {  	_ =	shalt  }
0x57: {  	_ =	shalt  }
0x58: {  	_ =	shalt  }
0x59: {  	_ =	shalt  }
0x5a: {  	_ =	shalt  }
0x5b: {  	_ =	shalt  }
0x5c: {  	_ =	shalt  }
0x5d: {  	_ =	shalt  }
0x5e: {  	_ =	shalt  }
0x5f: {  	_ =	shalt  }
0x60: {  	_ =	shalt  }
0x61: {  	_ =	shalt  }
0x62: {  	_ =	shalt  }
0x63: {  	_ =	shalt  }
0x64: {  	_ =	shalt  }
0x65: {  	_ =	shalt  }
0x66: {  	_ =	shalt  }
0x67: {  	_ =	shalt  }
0x68: {  	_ =	shalt  }
0x69: {  	_ =	shalt  }
0x6a: {  	_ =	shalt  }
0x6b: {  	_ =	shalt  }
0x6c: {  	_ =	shalt  }
0x6d: {  	_ =	shalt  }
0x6e: {  	_ =	shalt  }
0x6f: {  	_ =	shalt  }
0x70: {  	_ =	shalt  }
0x71: {  	_ =	shalt  }
0x72: {  	_ =	shalt  }
0x73: {  	_ =	shalt  }
0x74: {  	_ =	shalt  }
0x75: {  	_ =	shalt  }
0x76: {  	_ =	shalt  }
0x77: {  	_ =	shalt  }
0x78: {  	_ =	shalt  }
0x79: {  	_ =	shalt  }
0x7a: {  	_ =	shalt  }
0x7b: {  	_ =	shalt  }
0x7c: {  	_ =	shalt  }
0x7d: {  	_ =	shalt  }
0x7e: {  	_ =	shalt  }
0x7f: {  	_ =	shalt  }
0x80: {  	_ =	shalt  }
0x81: {  	_ =	shalt  }
0x82: {  	_ =	shalt  }
0x83: {  	_ =	shalt  }
0x84: {  	_ =	shalt  }
0x85: {  	_ =	shalt  }
0x86: {  	_ =	shalt  }
0x87: {  	_ =	shalt  }
.Lfunc_end0:
.L_simem_size_0:
called_computation_lowered:
.L_overlay_start_0:
0x88: {  	s2 =	sld [smem:$0x3FD9]  }
0x89: {  	s3 =	sld [smem:$0x3FFE];
	_ =	sdelay $0x1  }
0x8a: {  	s1 =	srdreg.scid  }
0x8b: {  	s0 =	sand.u32 $0x1, s1  }
0x8c: {  	s14 =	sshll.u32 s0, $0xA;
	s2 =	sadd.s32 s3, s2  }
0x8d: {  	s2 =	sadd.s32 s2, s14  }
0x8e: {  	[smem:$0x3FA8] =	sst s2  }
0x8f: {  	_ = 	snop  }
0x90: {  	s2 =	sld [smem:$0x3FD0];
	_ =	sdelay $0x2  }
0x91: {  	s15 =	simm.s32 $0xA;
	s4 =	simm.s32 $0x10  }
0x92: {  	[smem:s4], [sflag:s15] =	dma.local [hbm:s2], $0x1  }
0x93: {  	_ =	swait.eq [sflag:s15], $0x1  }
0x94: {  	[sflag:s15] =	ssyncset.done $0x0  }
0x95: {  	s16 =	sld [smem:$0x10];
	[sflag:s15] =	ssyncadd.s32 $0xFFFFFFFF  }
0x96: {  	s17 =	sld [smem:$0x11];
	(tm) =	ssettm $0x1  }
0x97: {  	s18 =	sld [smem:$0x3FFB];
	_ =	sdelay $0x3  }
0x98: {  	_ =	strace s18  }
0x99: {  	s4 =	sld [smem:$0x3FFC];
	_ =	sdelay $0x3  }
0x9a: {  	_ =	strace s4  }
0x9b: {  	s4 =	sld [smem:$0x3FFD];
	_ =	sdelay $0x3  }
0x9c: {  	_ =	strace s4  }
0x9d: {  	_ =	strace $0x8FFFFFFF  }
0x9e: {  	s19 =	sld [smem:$0x3FDB];
	_ =	sdelay $0x1  }
0x9f: {  	s5 =	simm.s32 $_scs_section_size  }
0xa0: {  	s6 =	simm.s32 $_size__tile_overlayer_lowered;
	s7 =	simm.s32 $_tile_overlayer_lowered  }
0xa1: {  	s22 =	simm.s32 $0x1BFF;
	s21 =	sshll.u32 s7, $0x1;
	s4 =	sadd.s32 s5, s19  }
0xa2: {  	s8 =	simm.s32 $0x0;
	s20 =	sshll.u32 s6, $0x1;
	s6 =	sadd.s32 s21, s4  }
0xa3: {  	[timem:s8], [sflag:s22] =	dma.local [hbm:s6], s20  }
0xa4: {  	_ =	swait.ge [sflag:s22], s20  }
0xa5: {  	s5 =	ssub.s32 $0x0, s20;
	[sflag:s22] =	ssyncset.done $0x0  }
0xa6: {  	[sflag:s22] =	ssyncadd.s32 s5;
	_ =	sdelay $0x1  }
0xa7: {  	s23 =	simm.s32 $0x1B8B  }
0xa8: {  	_ =	swait.ge [sflag:s23], $0x1  }
0xa9: {  	[sflag:s23] =	ssyncset.done $0x0  }
0xaa: {  	s25 =	simm.s32 $0x1B8E;
	s24 =	sld [smem:$0x3FFE];
	[sflag:s23] =	ssyncadd.s32 $0xFFFFFFFF  }
0xab: {  	s26 =	simm.s32 $execute0_lowered;
	[smem:$0x3FD2] =	sst s25  }
0xac: {  	s6 =	sshll.u32 s26, $0x1;
	_ =	strace $0x80000046;
	[dreg:$0x1] =	wrdreg $0xFFFFFFFF  }
0xad: {  	s28 =	simm.s32 $_size_execute0_lowered;
	s4 =	sadd.s32 s4, s6;
	[dreg:$0x0] =	wrdreg $0x0  }
0xae: {  	s6 =	sshll.u32 s28, $0x1;
	[dreg:$0x2] =	wrdreg s4  }
0xaf: {  	[dreg:$0x3] =	wrdreg s6  }
0xb0: {  	[dreg:$0x4] =	wrdreg $0xC0  }
0xb1: {  	_ =	task [dreg:s8], $0x5FFFF  }
0xb2: {  	[dreg:$0x1] =	wrdreg $0xFFFFFFFF  }
0xb3: {  	[dreg:$0x0] =	wrdreg $0x60  }
0xb4: {  	[dreg:$0x2] =	wrdreg s16  }
0xb5: {  	[dreg:$0x3] =	wrdreg s17  }
0xb6: {  	[dreg:$0x4] =	wrdreg s24  }
0xb7: {  	[dreg:$0x5] =	wrdreg $0x9  }
0xb8: {  	_ =	task.clear_ibuf [dreg:s8], $0x6FFFF;
	_ =	strace $0x90000046  }
0xb9: {  	s29 =	simm.s32 $0x9;
	_ =	strace $0x80000048  }
0xba: {  	_ =	swait.ge [sflag:s29], $0x1  }
0xbb: {  	[sflag:s29] =	ssyncadd.s32 $0xFFFFFFFF  }
0xbc: {  	_ =	strace $0x90000048  }
0xbd: {  	_ =	sfence  }
0xbe: {  	s30 =	sld [smem:$0x0];
	_ =	sdelay $0x2  }
0xbf: {  	s31 =	sshll.u32 s1, $0xD;
	s1 =	sshrl.u32 s1, $0x2  }
0xc0: {  	s3 =	sand.u32 $0x4000, s31;
	s1 =	sadd.s32 s1, s30  }
0xc1: {  	s0 =	sor.u32 s3, s0;
	s1 =	sshll.u32 s1, $0x11  }
0xc2: {  	s0 =	sor.u32 s1, s0  }
0xc3: {  	s0 =	sadd.s32 $0x8F2B, s0  }
0xc4: {  	[sflag:s0] =	ssyncadd.remote.s32 $0x1  }
0xc5: {  	_ =	sfence.sel $0xFFFF  }
0xc6: {  	[dreg:$0x0] =	wrdreg $0xFFFFFFFF;
	(pc) =	sbr.abs _section_cstart, $3  }
0xc7: {  	[dreg:$0x1] =	wrdreg $0xFFFFFFFF  }
0xc8: {  	_ =	task.clear_ibuf [dreg:s8], $0x2FFFF;
	_ =	strace $0x9FFFFFFF  }
0xc9: {  	(tm) =	ssettm $0x7FFFFFFF  }
tec
execute0_lowered:
.L_overlay_start_1:
0x0: {  	(tag) =	ssettag $0x1  }
0x1: {  	s1 =	rddreg [dreg:$0x0]  }
0x2: {  	s2 =	rddreg [dreg:$0x1]  }
0x3: {  	s0 =	rddreg [dreg:$0x2];
	s4 =	simm.s32 $0x0  }
0x4: {  	s3 =	srdreg.scid;
	s5 =	stileid.u32;
	s14 =	simm.s32 $0x7  }
0x5: {  	s15 =	simm.s32 $0x4000;
	s16 =	simm.s32 $0x50;
	s17 =	simm.s32 $0x8000  }
0x6: {  	s18 =	simm.s32 $0xA800;
	s20 =	simm.s32 $0xD000;
	s22 =	simm.s32 $0xF800  }
0x7: {  	s23 =	simm.s32 $0x1;
	s24 =	simm.s32 $0x2;
	s25 =	simm.s32 $0x5  }
0x8: {  	s28 =	simm.s32 $0x4;
	s3 =	sand.u32 $0x1, s3;
	s5 =	sshll.u32 s5, $0x1  }
0x9: {  	s29 =	simm.s32 $0x6;
	[smem:$0x7FF] =	sst s4;
	s7 =	sor.u32 s3, s5  }
0xa: {  	_ =	strace $0x80000047;
	s3 =	ssub.s32 $0x2, s3;
	s5 =	smul.u32 $0x2710, s7  }
0xb: {  	s6 =	sshll.u32 s7, $0xB;
	s9 =	sshrl.u32 s3, $0x1;
	s10 =	smul.u32 $0x138800, s7  }
0xc: {  	s30 =	smul.u32 $0x27100, s7;
	s8 =	sadd.s32 s6, s0;
	s6 =	sadd.s32 $0x56000, s0  }
0xd: {  	s26 =	ssub.s32 s3, s9;
	s0 =	simm.s32 $0x0;
	s7 =	sadd.s32 $0xEE00, s8  }
0xe: {  	s8 =	sadd.s32 $0x1EE00, s8;
	s11 =	sshrl.u32 s10, $0x3;
	s9 =	sadd.s32 s6, s30  }
0xf: {  	s10 =	sadd.s32 $0x50, s5;
	s13 =	smax.u32 s26, $0x1;
	s31 =	sadd.s32 s6, s11  }
0x10: {  	s26 =	simm.s32 $0x3;
	s11 =	sadd.s32 $0x26700, s31;
	s12 =	sadd.s32 $0x26C00, s31  }
.LBB2_1:
0x11: {  	[tilespmem:s4], [sflag:$0x7] =	stream.linear.gather [hbm4b:s7+s4], $0x3E80, $0x38;
	[tilespmem:$0x12000] =	vst v63  }
0x12: {  	_ =	swait.ge [sflag:s14], $0x3E80  }
0x13: {  	[sflag:s14] =	ssyncset.done $0x0  }
0x14: {  	[sflag:s14] =	ssyncadd.s32 $0xFFFFC180  }
0x15: {  	[tilespmem:s15], [sflag:$0x7] =	stream.linear.gather [hbm4b:s8+s4], $0x3E80, $0x38;
	[tilespmem:$0x12000] =	vst v63  }
0x16: {  	_ =	swait.ge [sflag:s14], $0x3E80  }
0x17: {  	[sflag:s14] =	ssyncset.done $0x0  }
0x18: {  	[sflag:s14] =	ssyncadd.s32 $0xFFFFC180  }
0x19: {  	[tilespmem:s17], [sflag:$0x1] =	stream.indirect.gather [hbm4b:s1+s16], $0x80, s4, s16, $0xb8;
	[tilespmem:$0x12000] =	vst v63  }
0x1a: {  	_ = 	snop  }
0x1b: {  	[tilespmem:s18], [sflag:$0x2] =	stream.indirect.gather [hbm4b:s2+s16], $0x80, s15, s16, $0xb8;
	[tilespmem:$0x12000] =	vst v63  }
0x1c: {  	s3 =	simm.s32 $0x80  }
0x1d: {  	[tilespmem:s20], [sflag:$0x3] =	stream.indirect.gather [hbm4b:s1+s16], $0x80, s3, s16, $0xb8;
	[tilespmem:$0x12000] =	vst v63  }
0x1e: {  	s31 =	simm.s32 $0x4080  }
0x1f: {  	[tilespmem:s22], [sflag:$0x4] =	stream.indirect.gather [hbm4b:s2+s16], $0x80, s31, s16, $0xb8;
	[tilespmem:$0x12000] =	vst v63  }
0x20: {  	_ =	swait.ge [sflag:s23], $0x2800  }
0x21: {  	[sflag:s23] =	ssyncset.done $0x0  }
0x22: {  	[sflag:s23] =	ssyncadd.s32 $0xFFFFD800  }
0x23: {  	_ =	swait.ge [sflag:s24], $0x2800  }
0x24: {  	[sflag:s24] =	ssyncset.done $0x0  }
0x25: {  	s3 =	simm.s32 $0x0;
	[sflag:s24] =	ssyncadd.s32 $0xFFFFD800  }
0x26: {  	v7 =	vld [tilespmem:s3+$0xA800]  }
0x27: {  	v11 =	vld [tilespmem:s3+$0xA810]  }
0x28: {  	v5 =	vld [tilespmem:s3+$0xA820]  }
0x29: {  	v4 =	vld [tilespmem:s3+$0xA830]  }
0x2a: {  	v3 =	vld [tilespmem:s3+$0xA840]  }
0x2b: {  	v2 =	vld [tilespmem:s3+$0xA850]  }
0x2c: {  	v1 =	vld [tilespmem:s3+$0xA860]  }
0x2d: {  	v0 =	vld [tilespmem:s3+$0xA870]  }
0x2e: {  	v12 =	vld [tilespmem:s3+$0x8000]  }
0x2f: {  	v13 =	vld [tilespmem:s3+$0x8010]  }
0x30: {  	v10 =	vld [tilespmem:s3+$0x8020]  }
0x31: {  	v9 =	vld [tilespmem:s3+$0x8030]  }
0x32: {  	v8 =	vld [tilespmem:s3+$0x8040]  }
0x33: {  	v6 =	vld [tilespmem:s3+$0x8050];
	v12 =	vadd.f32 v7, v12  }
0x34: {  	s19 =	simm.s32 $0x200;
	v11 =	vadd.f32 v11, v13;
	v7 =	vld [tilespmem:s3+$0x8060]  }
.LBB2_2:
0x35: {  	s21 =	sshra.s32 s19, $0x2;
	p0 =	sne.s32 s19, $0x9E00;
	[tilespmem:s3+$0x8000] =	vst v12;
	v5 =	vadd.f32 v5, v10;
	v10 =	vld [tilespmem:s3+$0x8070]  }
0x36: {  	v12 =	vld [tilespmem:s21+$0xA800];
	[tilespmem:s3+$0x8010] =	vst v11;
	v4 =	vadd.f32 v4, v9  }
0x37: {  	v11 =	vld [tilespmem:s21+$0xA810];
	[tilespmem:s3+$0x8020] =	vst v5;
	v3 =	vadd.f32 v3, v8  }
0x38: {  	v5 =	vld [tilespmem:s21+$0xA820];
	[tilespmem:s3+$0x8030] =	vst v4;
	v2 =	vadd.f32 v2, v6  }
0x39: {  	v4 =	vld [tilespmem:s21+$0xA830];
	[tilespmem:s3+$0x8040] =	vst v3;
	v1 =	vadd.f32 v1, v7  }
0x3a: {  	v3 =	vld [tilespmem:s21+$0xA840];
	[tilespmem:s3+$0x8050] =	vst v2;
	v0 =	vadd.f32 v0, v10  }
0x3b: {  	v2 =	vld [tilespmem:s21+$0xA850];
	[tilespmem:s3+$0x8060] =	vst v1  }
0x3c: {  	v1 =	vld [tilespmem:s21+$0xA860];
	[tilespmem:s3+$0x8070] =	vst v0;
	s3 =	smov.u32 s21  }
0x3d: {  	v0 =	vld [tilespmem:s3+$0xA870]  }
0x3e: {  	v6 =	vld [tilespmem:s3+$0x8000]  }
0x3f: {  	v7 =	vld [tilespmem:s3+$0x8010]  }
.Ltmp0:
0x40: {  	v10 =	vld [tilespmem:s3+$0x8020];
	(pc) =	sbr.rel @p0 .LBB2_2-.Ltmp0, $4  }
0x41: {  	v9 =	vld [tilespmem:s3+$0x8030]  }
0x42: {  	v8 =	vld [tilespmem:s3+$0x8040]  }
0x43: {  	v12 =	vadd.f32 v12, v6;
	v6 =	vld [tilespmem:s3+$0x8050]  }
0x44: {  	s19 =	sadd.s32 $0x200, s19;
	v11 =	vadd.f32 v11, v7;
	v7 =	vld [tilespmem:s3+$0x8060]  }
0x45: {  	[tilespmem:s3+$0x8000] =	vst v12;
	v5 =	vadd.f32 v5, v10;
	v63 =	vld [tilespmem:s3+$0x8070]  }
0x46: {  	[tilespmem:s3+$0x8010] =	vst v11;
	v4 =	vadd.f32 v4, v9  }
0x47: {  	[tilespmem:s3+$0x8020] =	vst v5;
	v3 =	vadd.f32 v3, v8  }
0x48: {  	[tilespmem:s3+$0x8030] =	vst v4;
	v2 =	vadd.f32 v2, v6  }
0x49: {  	[tilespmem:s3+$0x8040] =	vst v3;
	v1 =	vadd.f32 v1, v7  }
0x4a: {  	[tilespmem:s3+$0x8050] =	vst v2;
	v0 =	vadd.f32 v0, v63  }
0x4b: {  	[tilespmem:s3+$0x8060] =	vst v1  }
0x4c: {  	[tilespmem:s3+$0x8070] =	vst v0;
	s3 =	simm.s32 $0x0  }
0x4d: {  	[hbm4b:s9+s3] =	stream.linear.scatter [tilespmem:s17], [sflag:$0x5], $0x2800, $0x38;
	[tilespmem:$0x12000] =	vst v63  }
.LBB2_4:
0x4e: {  	s19 =	sshll.u32 s3, $0x1;
	_ =	swait.ge [sflag:s25], $0x2800  }
0x4f: {  	[sflag:s25] =	ssyncset.done $0x0;
	s19 =	sadd.s32 $0x2, s19  }
0x50: {  	[sflag:s25] =	ssyncadd.s32 $0xFFFFD800;
	s21 =	sshll.u32 s19, $0x7  }
0x51: {  	[tilespmem:s17], [sflag:$0x1] =	stream.indirect.gather [hbm4b:s1+s16], $0x80, s21, s16, $0xb8;
	[tilespmem:$0x12000] =	vst v63  }
0x52: {  	s21 =	sadd.s32 $0x4000, s21  }
0x53: {  	[tilespmem:s18], [sflag:$0x2] =	stream.indirect.gather [hbm4b:s2+s16], $0x80, s21, s16, $0xb8;
	[tilespmem:$0x12000] =	vst v63  }
0x54: {  	_ =	swait.ge [sflag:s26], $0x2800  }
0x55: {  	[sflag:s26] =	ssyncset.done $0x0  }
0x56: {  	[sflag:s26] =	ssyncadd.s32 $0xFFFFD800  }
0x57: {  	_ =	swait.ge [sflag:s28], $0x2800  }
0x58: {  	[sflag:s28] =	ssyncset.done $0x0  }
0x59: {  	s21 =	simm.s32 $0x0;
	[sflag:s28] =	ssyncadd.s32 $0xFFFFD800  }
0x5a: {  	v6 =	vld [tilespmem:s21+$0xF800]  }
0x5b: {  	v11 =	vld [tilespmem:s21+$0xF810]  }
0x5c: {  	v5 =	vld [tilespmem:s21+$0xF820]  }
0x5d: {  	v4 =	vld [tilespmem:s21+$0xF830]  }
0x5e: {  	v3 =	vld [tilespmem:s21+$0xF840]  }
0x5f: {  	v2 =	vld [tilespmem:s21+$0xF850]  }
0x60: {  	v1 =	vld [tilespmem:s21+$0xF860]  }
0x61: {  	v0 =	vld [tilespmem:s21+$0xF870]  }
0x62: {  	v12 =	vld [tilespmem:s21+$0xD000]  }
0x63: {  	v13 =	vld [tilespmem:s21+$0xD010]  }
0x64: {  	v10 =	vld [tilespmem:s21+$0xD020]  }
0x65: {  	v9 =	vld [tilespmem:s21+$0xD030]  }
0x66: {  	v8 =	vld [tilespmem:s21+$0xD040]  }
0x67: {  	v7 =	vld [tilespmem:s21+$0xD050];
	v12 =	vadd.f32 v6, v12  }
0x68: {  	s30 =	simm.s32 $0x200;
	v11 =	vadd.f32 v11, v13;
	v6 =	vld [tilespmem:s21+$0xD060]  }
.LBB2_5:
0x69: {  	s31 =	sshra.s32 s30, $0x2;
	p0 =	sne.s32 s30, $0x9E00;
	[tilespmem:s21+$0xD000] =	vst v12;
	v5 =	vadd.f32 v5, v10;
	v10 =	vld [tilespmem:s21+$0xD070]  }
0x6a: {  	v12 =	vld [tilespmem:s31+$0xF800];
	[tilespmem:s21+$0xD010] =	vst v11;
	v4 =	vadd.f32 v4, v9  }
0x6b: {  	v11 =	vld [tilespmem:s31+$0xF810];
	[tilespmem:s21+$0xD020] =	vst v5;
	v3 =	vadd.f32 v3, v8  }
0x6c: {  	v5 =	vld [tilespmem:s31+$0xF820];
	[tilespmem:s21+$0xD030] =	vst v4;
	v2 =	vadd.f32 v2, v7  }
0x6d: {  	v4 =	vld [tilespmem:s31+$0xF830];
	[tilespmem:s21+$0xD040] =	vst v3;
	v1 =	vadd.f32 v1, v6  }
0x6e: {  	v3 =	vld [tilespmem:s31+$0xF840];
	[tilespmem:s21+$0xD050] =	vst v2;
	v0 =	vadd.f32 v0, v10  }
0x6f: {  	v2 =	vld [tilespmem:s31+$0xF850];
	[tilespmem:s21+$0xD060] =	vst v1  }
0x70: {  	v1 =	vld [tilespmem:s31+$0xF860];
	[tilespmem:s21+$0xD070] =	vst v0;
	s21 =	smov.u32 s31  }
0x71: {  	v0 =	vld [tilespmem:s21+$0xF870]  }
0x72: {  	v6 =	vld [tilespmem:s21+$0xD000]  }
0x73: {  	v13 =	vld [tilespmem:s21+$0xD010]  }
.Ltmp1:
0x74: {  	v10 =	vld [tilespmem:s21+$0xD020];
	(pc) =	sbr.rel @p0 .LBB2_5-.Ltmp1, $4  }
0x75: {  	v9 =	vld [tilespmem:s21+$0xD030]  }
0x76: {  	v8 =	vld [tilespmem:s21+$0xD040]  }
0x77: {  	v12 =	vadd.f32 v12, v6;
	v7 =	vld [tilespmem:s21+$0xD050]  }
0x78: {  	s30 =	sadd.s32 $0x200, s30;
	v11 =	vadd.f32 v11, v13;
	v6 =	vld [tilespmem:s21+$0xD060]  }
0x79: {  	[tilespmem:s21+$0xD000] =	vst v12;
	v5 =	vadd.f32 v5, v10;
	v10 =	vld [tilespmem:s21+$0xD070]  }
0x7a: {  	[tilespmem:s21+$0xD010] =	vst v11;
	v4 =	vadd.f32 v4, v9  }
0x7b: {  	[tilespmem:s21+$0xD020] =	vst v5;
	v3 =	vadd.f32 v3, v8  }
0x7c: {  	s30 =	smul.u32 $0xA0, s3;
	[tilespmem:s21+$0xD030] =	vst v4;
	v2 =	vadd.f32 v2, v7  }
0x7d: {  	[tilespmem:s21+$0xD040] =	vst v3;
	v1 =	vadd.f32 v1, v6  }
0x7e: {  	s30 =	sadd.s32 s30, s10;
	[tilespmem:s21+$0xD050] =	vst v2;
	v0 =	vadd.f32 v0, v10  }
0x7f: {  	s30 =	sshll.u32 s30, $0x4;
	[tilespmem:s21+$0xD060] =	vst v1  }
0x80: {  	s31 =	sadd.s32 s6, s30;
	s30 =	simm.s32 $0x0;
	[tilespmem:s21+$0xD070] =	vst v0  }
0x81: {  	[hbm4b:s31+s30] =	stream.linear.scatter [tilespmem:s20], [sflag:$0x6], $0x2800, $0x38;
	[tilespmem:$0x12000] =	vst v63  }
0x82: {  	_ =	swait.ge [sflag:s29], $0x2800  }
0x83: {  	s31 =	sshll.u32 s3, $0x8;
	[sflag:s29] =	ssyncset.done $0x0  }
0x84: {  	s30 =	sadd.s32 $0x180, s31;
	[sflag:s29] =	ssyncadd.s32 $0xFFFFD800  }
0x85: {  	[tilespmem:s20], [sflag:$0x3] =	stream.indirect.gather [hbm4b:s1+s16], $0x80, s30, s16, $0xb8;
	[tilespmem:$0x12000] =	vst v63  }
0x86: {  	s21 =	sadd.s32 $0x4180, s31  }
0x87: {  	[tilespmem:s22], [sflag:$0x4] =	stream.indirect.gather [hbm4b:s2+s16], $0x80, s21, s16, $0xb8;
	[tilespmem:$0x12000] =	vst v63  }
0x88: {  	_ =	swait.ge [sflag:s23], $0x2800  }
0x89: {  	[sflag:s23] =	ssyncset.done $0x0  }
0x8a: {  	[sflag:s23] =	ssyncadd.s32 $0xFFFFD800  }
0x8b: {  	_ =	swait.ge [sflag:s24], $0x2800  }
0x8c: {  	[sflag:s24] =	ssyncset.done $0x0  }
0x8d: {  	s21 =	simm.s32 $0x0;
	[sflag:s24] =	ssyncadd.s32 $0xFFFFD800  }
0x8e: {  	v6 =	vld [tilespmem:s21+$0xA800]  }
0x8f: {  	v11 =	vld [tilespmem:s21+$0xA810]  }
0x90: {  	v5 =	vld [tilespmem:s21+$0xA820]  }
0x91: {  	v4 =	vld [tilespmem:s21+$0xA830]  }
0x92: {  	v3 =	vld [tilespmem:s21+$0xA840]  }
0x93: {  	v2 =	vld [tilespmem:s21+$0xA850]  }
0x94: {  	v1 =	vld [tilespmem:s21+$0xA860]  }
0x95: {  	v0 =	vld [tilespmem:s21+$0xA870]  }
0x96: {  	v12 =	vld [tilespmem:s21+$0x8000]  }
0x97: {  	v13 =	vld [tilespmem:s21+$0x8010]  }
0x98: {  	v10 =	vld [tilespmem:s21+$0x8020]  }
0x99: {  	v9 =	vld [tilespmem:s21+$0x8030]  }
0x9a: {  	v8 =	vld [tilespmem:s21+$0x8040]  }
0x9b: {  	v7 =	vld [tilespmem:s21+$0x8050];
	v12 =	vadd.f32 v6, v12  }
0x9c: {  	s30 =	simm.s32 $0x200;
	v11 =	vadd.f32 v11, v13;
	v6 =	vld [tilespmem:s21+$0x8060]  }
.LBB2_7:
0x9d: {  	s31 =	sshra.s32 s30, $0x2;
	p0 =	sne.s32 s30, $0x9E00;
	[tilespmem:s21+$0x8000] =	vst v12;
	v5 =	vadd.f32 v5, v10;
	v10 =	vld [tilespmem:s21+$0x8070]  }
0x9e: {  	v12 =	vld [tilespmem:s31+$0xA800];
	[tilespmem:s21+$0x8010] =	vst v11;
	v4 =	vadd.f32 v4, v9  }
0x9f: {  	v11 =	vld [tilespmem:s31+$0xA810];
	[tilespmem:s21+$0x8020] =	vst v5;
	v3 =	vadd.f32 v3, v8  }
0xa0: {  	v5 =	vld [tilespmem:s31+$0xA820];
	[tilespmem:s21+$0x8030] =	vst v4;
	v2 =	vadd.f32 v2, v7  }
0xa1: {  	v4 =	vld [tilespmem:s31+$0xA830];
	[tilespmem:s21+$0x8040] =	vst v3;
	v1 =	vadd.f32 v1, v6  }
0xa2: {  	v3 =	vld [tilespmem:s31+$0xA840];
	[tilespmem:s21+$0x8050] =	vst v2;
	v0 =	vadd.f32 v0, v10  }
0xa3: {  	v2 =	vld [tilespmem:s31+$0xA850];
	[tilespmem:s21+$0x8060] =	vst v1  }
0xa4: {  	v1 =	vld [tilespmem:s31+$0xA860];
	[tilespmem:s21+$0x8070] =	vst v0;
	s21 =	smov.u32 s31  }
0xa5: {  	v0 =	vld [tilespmem:s21+$0xA870]  }
0xa6: {  	v6 =	vld [tilespmem:s21+$0x8000]  }
0xa7: {  	v13 =	vld [tilespmem:s21+$0x8010]  }
.Ltmp2:
0xa8: {  	v10 =	vld [tilespmem:s21+$0x8020];
	(pc) =	sbr.rel @p0 .LBB2_7-.Ltmp2, $4  }
0xa9: {  	v9 =	vld [tilespmem:s21+$0x8030]  }
0xaa: {  	v8 =	vld [tilespmem:s21+$0x8040]  }
0xab: {  	v12 =	vadd.f32 v12, v6;
	v7 =	vld [tilespmem:s21+$0x8050]  }
0xac: {  	s30 =	sadd.s32 $0x200, s30;
	v11 =	vadd.f32 v11, v13;
	v6 =	vld [tilespmem:s21+$0x8060]  }
0xad: {  	[tilespmem:s21+$0x8000] =	vst v12;
	v5 =	vadd.f32 v5, v10;
	v63 =	vld [tilespmem:s21+$0x8070]  }
0xae: {  	[tilespmem:s21+$0x8010] =	vst v11;
	v4 =	vadd.f32 v4, v9  }
0xaf: {  	s3 =	sadd.s32 $0x1, s3;
	[tilespmem:s21+$0x8020] =	vst v5;
	v3 =	vadd.f32 v3, v8  }
0xb0: {  	s19 =	smul.u32 $0x50, s19;
	p0 =	sne.s32 s3, $0x3D;
	[tilespmem:s21+$0x8030] =	vst v4;
	v2 =	vadd.f32 v2, v7  }
.Ltmp3:
0xb1: {  	[tilespmem:s21+$0x8040] =	vst v3;
	v1 =	vadd.f32 v1, v6;
	(pc) =	sbr.rel @p0 .LBB2_4-.Ltmp3, $4  }
0xb2: {  	s19 =	sadd.s32 s5, s19;
	[tilespmem:s21+$0x8050] =	vst v2;
	v0 =	vadd.f32 v0, v63  }
0xb3: {  	s19 =	sshll.u32 s19, $0x4;
	[tilespmem:s21+$0x8060] =	vst v1  }
0xb4: {  	s19 =	sadd.s32 s6, s19;
	[tilespmem:s21+$0x8070] =	vst v0  }
0xb5: {  	[hbm4b:s19+s4] =	stream.linear.scatter [tilespmem:s17], [sflag:$0x5], $0x2800, $0x38;
	[tilespmem:$0x12000] =	vst v63  }
0xb6: {  	_ =	swait.ge [sflag:s25], $0x2800  }
0xb7: {  	[sflag:s25] =	ssyncset.done $0x0  }
0xb8: {  	s3 =	simm.s32 $0x3E00;
	[sflag:s25] =	ssyncadd.s32 $0xFFFFD800  }
0xb9: {  	[tilespmem:s17], [sflag:$0x1] =	stream.indirect.gather [hbm4b:s1+s16], $0x80, s3, s16, $0xb8;
	[tilespmem:$0x12000] =	vst v63  }
0xba: {  	s31 =	simm.s32 $0x7E00  }
0xbb: {  	[tilespmem:s18], [sflag:$0x2] =	stream.indirect.gather [hbm4b:s2+s16], $0x80, s31, s16, $0xb8;
	[tilespmem:$0x12000] =	vst v63  }
0xbc: {  	_ =	swait.ge [sflag:s26], $0x2800  }
0xbd: {  	[sflag:s26] =	ssyncset.done $0x0  }
0xbe: {  	[sflag:s26] =	ssyncadd.s32 $0xFFFFD800  }
0xbf: {  	_ =	swait.ge [sflag:s28], $0x2800  }
0xc0: {  	[sflag:s28] =	ssyncset.done $0x0  }
0xc1: {  	s3 =	simm.s32 $0x0;
	[sflag:s28] =	ssyncadd.s32 $0xFFFFD800  }
0xc2: {  	v7 =	vld [tilespmem:s3+$0xF800]  }
0xc3: {  	v11 =	vld [tilespmem:s3+$0xF810]  }
0xc4: {  	v5 =	vld [tilespmem:s3+$0xF820]  }
0xc5: {  	v4 =	vld [tilespmem:s3+$0xF830]  }
0xc6: {  	v3 =	vld [tilespmem:s3+$0xF840]  }
0xc7: {  	v2 =	vld [tilespmem:s3+$0xF850]  }
0xc8: {  	v1 =	vld [tilespmem:s3+$0xF860]  }
0xc9: {  	v0 =	vld [tilespmem:s3+$0xF870]  }
0xca: {  	v12 =	vld [tilespmem:s3+$0xD000]  }
0xcb: {  	v13 =	vld [tilespmem:s3+$0xD010]  }
0xcc: {  	v10 =	vld [tilespmem:s3+$0xD020]  }
0xcd: {  	v9 =	vld [tilespmem:s3+$0xD030]  }
0xce: {  	v8 =	vld [tilespmem:s3+$0xD040]  }
0xcf: {  	v6 =	vld [tilespmem:s3+$0xD050];
	v12 =	vadd.f32 v7, v12  }
0xd0: {  	s19 =	simm.s32 $0x200;
	v11 =	vadd.f32 v11, v13;
	v7 =	vld [tilespmem:s3+$0xD060]  }
.LBB2_10:
0xd1: {  	s21 =	sshra.s32 s19, $0x2;
	p0 =	sne.s32 s19, $0x9E00;
	[tilespmem:s3+$0xD000] =	vst v12;
	v5 =	vadd.f32 v5, v10;
	v10 =	vld [tilespmem:s3+$0xD070]  }
0xd2: {  	v12 =	vld [tilespmem:s21+$0xF800];
	[tilespmem:s3+$0xD010] =	vst v11;
	v4 =	vadd.f32 v4, v9  }
0xd3: {  	v11 =	vld [tilespmem:s21+$0xF810];
	[tilespmem:s3+$0xD020] =	vst v5;
	v3 =	vadd.f32 v3, v8  }
0xd4: {  	v5 =	vld [tilespmem:s21+$0xF820];
	[tilespmem:s3+$0xD030] =	vst v4;
	v2 =	vadd.f32 v2, v6  }
0xd5: {  	v4 =	vld [tilespmem:s21+$0xF830];
	[tilespmem:s3+$0xD040] =	vst v3;
	v1 =	vadd.f32 v1, v7  }
0xd6: {  	v3 =	vld [tilespmem:s21+$0xF840];
	[tilespmem:s3+$0xD050] =	vst v2;
	v0 =	vadd.f32 v0, v10  }
0xd7: {  	v2 =	vld [tilespmem:s21+$0xF850];
	[tilespmem:s3+$0xD060] =	vst v1  }
0xd8: {  	v1 =	vld [tilespmem:s21+$0xF860];
	[tilespmem:s3+$0xD070] =	vst v0;
	s3 =	smov.u32 s21  }
0xd9: {  	v0 =	vld [tilespmem:s3+$0xF870]  }
0xda: {  	v6 =	vld [tilespmem:s3+$0xD000]  }
0xdb: {  	v7 =	vld [tilespmem:s3+$0xD010]  }
.Ltmp4:
0xdc: {  	v10 =	vld [tilespmem:s3+$0xD020];
	(pc) =	sbr.rel @p0 .LBB2_10-.Ltmp4, $4  }
0xdd: {  	v9 =	vld [tilespmem:s3+$0xD030]  }
0xde: {  	v8 =	vld [tilespmem:s3+$0xD040]  }
0xdf: {  	v12 =	vadd.f32 v12, v6;
	v6 =	vld [tilespmem:s3+$0xD050]  }
0xe0: {  	s19 =	sadd.s32 $0x200, s19;
	v11 =	vadd.f32 v11, v7;
	v7 =	vld [tilespmem:s3+$0xD060]  }
0xe1: {  	[tilespmem:s3+$0xD000] =	vst v12;
	v5 =	vadd.f32 v5, v10;
	v10 =	vld [tilespmem:s3+$0xD070]  }
0xe2: {  	[tilespmem:s3+$0xD010] =	vst v11;
	v4 =	vadd.f32 v4, v9  }
0xe3: {  	[tilespmem:s3+$0xD020] =	vst v5;
	v3 =	vadd.f32 v3, v8  }
0xe4: {  	[tilespmem:s3+$0xD030] =	vst v4;
	v2 =	vadd.f32 v2, v6  }
0xe5: {  	[tilespmem:s3+$0xD040] =	vst v3;
	v1 =	vadd.f32 v1, v7  }
0xe6: {  	[tilespmem:s3+$0xD050] =	vst v2;
	v0 =	vadd.f32 v0, v10  }
0xe7: {  	[tilespmem:s3+$0xD060] =	vst v1  }
0xe8: {  	s31 =	simm.s32 $0x0;
	[tilespmem:s3+$0xD070] =	vst v0  }
0xe9: {  	[hbm4b:s11+s31] =	stream.linear.scatter [tilespmem:s20], [sflag:$0x6], $0x2800, $0x38;
	[tilespmem:$0x12000] =	vst v63  }
0xea: {  	_ =	swait.ge [sflag:s23], $0x2800  }
0xeb: {  	[sflag:s23] =	ssyncset.done $0x0  }
0xec: {  	[sflag:s23] =	ssyncadd.s32 $0xFFFFD800  }
0xed: {  	_ =	swait.ge [sflag:s24], $0x2800  }
0xee: {  	[sflag:s24] =	ssyncset.done $0x0  }
0xef: {  	s3 =	simm.s32 $0x0;
	[sflag:s24] =	ssyncadd.s32 $0xFFFFD800  }
0xf0: {  	v7 =	vld [tilespmem:s3+$0xA800]  }
0xf1: {  	v11 =	vld [tilespmem:s3+$0xA810]  }
0xf2: {  	v5 =	vld [tilespmem:s3+$0xA820]  }
0xf3: {  	v4 =	vld [tilespmem:s3+$0xA830]  }
0xf4: {  	v3 =	vld [tilespmem:s3+$0xA840]  }
0xf5: {  	v2 =	vld [tilespmem:s3+$0xA850]  }
0xf6: {  	v1 =	vld [tilespmem:s3+$0xA860]  }
0xf7: {  	v0 =	vld [tilespmem:s3+$0xA870]  }
0xf8: {  	v12 =	vld [tilespmem:s3+$0x8000]  }
0xf9: {  	v13 =	vld [tilespmem:s3+$0x8010]  }
0xfa: {  	v10 =	vld [tilespmem:s3+$0x8020]  }
0xfb: {  	v9 =	vld [tilespmem:s3+$0x8030]  }
0xfc: {  	v8 =	vld [tilespmem:s3+$0x8040]  }
0xfd: {  	v6 =	vld [tilespmem:s3+$0x8050];
	v12 =	vadd.f32 v7, v12  }
0xfe: {  	s19 =	simm.s32 $0x200;
	v11 =	vadd.f32 v11, v13;
	v7 =	vld [tilespmem:s3+$0x8060]  }
.LBB2_12:
0xff: {  	s21 =	sshra.s32 s19, $0x2;
	p0 =	sne.s32 s19, $0x9E00;
	[tilespmem:s3+$0x8000] =	vst v12;
	v5 =	vadd.f32 v5, v10;
	v10 =	vld [tilespmem:s3+$0x8070]  }
0x100: {  	v12 =	vld [tilespmem:s21+$0xA800];
	[tilespmem:s3+$0x8010] =	vst v11;
	v4 =	vadd.f32 v4, v9  }
0x101: {  	v11 =	vld [tilespmem:s21+$0xA810];
	[tilespmem:s3+$0x8020] =	vst v5;
	v3 =	vadd.f32 v3, v8  }
0x102: {  	v5 =	vld [tilespmem:s21+$0xA820];
	[tilespmem:s3+$0x8030] =	vst v4;
	v2 =	vadd.f32 v2, v6  }
0x103: {  	v4 =	vld [tilespmem:s21+$0xA830];
	[tilespmem:s3+$0x8040] =	vst v3;
	v1 =	vadd.f32 v1, v7  }
0x104: {  	v3 =	vld [tilespmem:s21+$0xA840];
	[tilespmem:s3+$0x8050] =	vst v2;
	v0 =	vadd.f32 v0, v10  }
0x105: {  	v2 =	vld [tilespmem:s21+$0xA850];
	[tilespmem:s3+$0x8060] =	vst v1  }
0x106: {  	v1 =	vld [tilespmem:s21+$0xA860];
	[tilespmem:s3+$0x8070] =	vst v0;
	s3 =	smov.u32 s21  }
0x107: {  	v0 =	vld [tilespmem:s3+$0xA870]  }
0x108: {  	v6 =	vld [tilespmem:s3+$0x8000]  }
0x109: {  	v7 =	vld [tilespmem:s3+$0x8010]  }
.Ltmp5:
0x10a: {  	v10 =	vld [tilespmem:s3+$0x8020];
	(pc) =	sbr.rel @p0 .LBB2_12-.Ltmp5, $4  }
0x10b: {  	v9 =	vld [tilespmem:s3+$0x8030]  }
0x10c: {  	v8 =	vld [tilespmem:s3+$0x8040]  }
0x10d: {  	v12 =	vadd.f32 v12, v6;
	v6 =	vld [tilespmem:s3+$0x8050]  }
0x10e: {  	s19 =	sadd.s32 $0x200, s19;
	v11 =	vadd.f32 v11, v7;
	v7 =	vld [tilespmem:s3+$0x8060]  }
0x10f: {  	[tilespmem:s3+$0x8000] =	vst v12;
	v5 =	vadd.f32 v5, v10;
	v63 =	vld [tilespmem:s3+$0x8070]  }
0x110: {  	[tilespmem:s3+$0x8010] =	vst v11;
	v4 =	vadd.f32 v4, v9  }
0x111: {  	[tilespmem:s3+$0x8020] =	vst v5;
	v3 =	vadd.f32 v3, v8  }
0x112: {  	[tilespmem:s3+$0x8030] =	vst v4;
	v2 =	vadd.f32 v2, v6  }
0x113: {  	[tilespmem:s3+$0x8040] =	vst v3;
	v1 =	vadd.f32 v1, v7  }
0x114: {  	[tilespmem:s3+$0x8050] =	vst v2;
	v0 =	vadd.f32 v0, v63  }
0x115: {  	[tilespmem:s3+$0x8060] =	vst v1  }
0x116: {  	[tilespmem:s3+$0x8070] =	vst v0  }
0x117: {  	s0 =	sadd.s32 $0x1, s0;
	_ =	swait.ge [sflag:s29], $0x2800  }
0x118: {  	p0 =	sne.s32 s0, s13;
	[sflag:s29] =	ssyncset.done $0x0  }
.Ltmp6:
0x119: {  	[sflag:s29] =	ssyncadd.s32 $0xFFFFD800;
	(pc) =	sbr.rel @p0 .LBB2_1-.Ltmp6, $4  }
0x11a: {  	[hbm4b:s12+s4] =	stream.linear.scatter [tilespmem:s17], [sflag:$0x5], $0x2800, $0x38;
	[tilespmem:$0x12000] =	vst v63  }
0x11b: {  	_ =	swait.ge [sflag:s25], $0x2800  }
0x11c: {  	[sflag:s25] =	ssyncset.done $0x0  }
0x11d: {  	[sflag:s25] =	ssyncadd.s32 $0xFFFFD800  }
0x11e: {  	_ =	sfence.sel $0x180000  }
0x11f: {  	[bflag:$0x0] =	sbarrier.arrive $0xFFFF  }
0x120: {  	_ =	strace $0x90000047  }
0x121: {  	s0 =	stileid.u32;
	[bflag:$0x2] =	sbarrier.arrive $0xFFFF  }
0x122: {  	p0 =	sne.s32 s0, $0x0;
	s0 =	rddreg [dreg:$0x3]  }
0x123: {  	s0 =	sadd.s32 @!p0 $0x100000, s0  }
0x124: {  	[sflag:s0] =	ssyncadd.tile.s32 @!p0 $0x1;
	_ =	shalt  }
.Lfunc_end2:
_tile_overlayer_lowered:
.L_overlay_start_2:
0x125: {  	(tag) =	ssettag $0x2  }
0x126: {  	s0 =	rddreg [dreg:$0x0];
	s2 =	stileid.u32  }
0x127: {  	s1 =	rddreg [dreg:$0x1];
	p0 =	sne.s32 s2, $0x0  }
0x128: {  	s3 =	rddreg [dreg:$0x2];
	[bflag:$0x3] =	sbarrier.arrive $0xFFFF;
	s2 =	simm.s32 @!p0 $0x1C07  }
0x129: {  	[timem:s3], [sflag:s2] =	dma.local @!p0 [hbm:s0], s1  }
0x12a: {  	s0 =	simm.s32 @!p0 $0x7  }
0x12b: {  	_ =	swait.ge @!p0 [sflag:s0], s1  }
0x12c: {  	s1 =	ssub.s32 @!p0 $0x0, s1;
	[sflag:s0] =	ssyncset.done @!p0 $0x0  }
0x12d: {  	[sflag:s0] =	ssyncadd.s32 @!p0 s1  }
0x12e: {  	[bflag:$0x3] =	sbarrier.arrive $0xFFFF  }
0x12f: {  	_ =	shalt  }

</sc_bundles>
